<compile_context>
chip_gen: v7x
topology: tpu7x:2x2x1
jax: 0.10.2.dev20260603
libtpu: 0.0.44.dev20260713+nightly
codegen_flags: <defaults>
</compile_context>

<pallas_src>
import functools

import jax
import jax.numpy as jnp
from jax import lax
from jax.experimental import pallas as pl
from jax.experimental.pallas import tpu as pltpu
from jax.experimental.pallas import tpu_sc as plsc

NC = 2
NS = 16
NW = NC * NS
K = 128
G = 64


def _pad_edges(edge_index, n):
  e = edge_index.shape[1]
  epw = -(-e // (NW * K)) * K
  epad = NW * epw
  pad = epad - e
  row = edge_index[0]
  col = edge_index[1]
  trash = n + (jnp.arange(pad, dtype=jnp.int32) % 8)
  row_g = jnp.concatenate([row, jnp.zeros((pad,), jnp.int32)])
  col_s = jnp.concatenate([col, trash])
  row_s = jnp.concatenate([row, trash])
  nchunk = epw // K
  return (row_g.reshape(NW, nchunk, K), col_s.reshape(NW, nchunk, K),
          row_s.reshape(NW, nchunk, K), nchunk)


def _acc_rows(n):
  return -(-(n + 8) // K) * K


def _wsplit(n):
  wa = -(-(-(-n // NS)) // 8) * 8
  wl = n - (NS - 1) * wa
  assert wl > 0
  return wa, wl


def _zero_acc(acc, zsrc, s, na, d):
  nzc = na // K
  cpt = -(-nzc // NS)
  nv = d // 16

  def fill_zero(i, _):
    zsrc[i // nv, pl.ds((i % nv) * 16, 16)] = jnp.zeros((16,), jnp.float32)
    return 0
  lax.fori_loop(0, K * nv, fill_zero, 0)
  for j in range(cpt):
    idx = s * cpt + j

    @pl.when(idx < nzc)
    def _():
      pltpu.sync_copy(zsrc, acc.at[pl.ds(idx * K, K)])


def _writeout(acc, out_hbm, c, s, n):
  wa, wl = _wsplit(n)

  @pl.when(s < NS - 1)
  def _():
    pltpu.sync_copy(acc.at[pl.ds(s * wa, wa)],
                    out_hbm.at[c, pl.ds(s * wa, wa)])

  @pl.when(s == NS - 1)
  def _():
    pltpu.sync_copy(acc.at[pl.ds((NS - 1) * wa, wl)],
                    out_hbm.at[c, pl.ds((NS - 1) * wa, wl)])


def _make_deg_kernel(n, nchunk):
  na = _acc_rows(n)
  d = 128
  W = 8

  @functools.partial(
      pl.kernel,
      out_type=jax.ShapeDtypeStruct((NC, n, d), jnp.float32),
      mesh=plsc.VectorSubcoreMesh(core_axis_name="c", subcore_axis_name="s"),
      scratch_types=[
          pltpu.VMEM((nchunk, K), jnp.int32),
          pltpu.VMEM((K, d), jnp.float32),
          pltpu.VMEM_SHARED((na, d), jnp.float32),
          pltpu.SemaphoreType.DMA,
      ],
  )
  def deg_kernel(rows_hbm, out_hbm, rbuf, ones, acc, sem):
    c = lax.axis_index("c")
    s = lax.axis_index("s")
    wid = s * NC + c

    nv = d // 16
    _zero_acc(acc, ones, s, na, d)
    plsc.subcore_barrier()

    def fill_ones(i, _):
      ones[i // nv, pl.ds((i % nv) * 16, 16)] = jnp.ones((16,), jnp.float32)
      return 0
    lax.fori_loop(0, K * nv, fill_ones, 0)

    pltpu.sync_copy(rows_hbm.at[wid], rbuf)

    for j in range(W):
      pltpu.async_copy(ones, acc.at[rbuf.at[j]], sem, add=True)

    def body(j, _):
      pltpu.make_async_copy(ones, acc.at[rbuf.at[0]], sem).wait()
      pltpu.async_copy(ones, acc.at[rbuf.at[j]], sem, add=True)
      return 0
    lax.fori_loop(W, nchunk, body, 0)

    def drain(j, _):
      pltpu.make_async_copy(ones, acc.at[rbuf.at[0]], sem).wait()
      return 0
    lax.fori_loop(0, W, drain, 0)
    plsc.subcore_barrier()

    _writeout(acc, out_hbm, c, s, n)

  return deg_kernel


def _make_scatter_kernel(n, d, nchunk):
  na = _acc_rows(n)

  @functools.partial(
      pl.kernel,
      out_type=jax.ShapeDtypeStruct((NC, n, d), jnp.float32),
      mesh=plsc.VectorSubcoreMesh(core_axis_name="c", subcore_axis_name="s"),
      scratch_types=[
          pltpu.VMEM((nchunk, K), jnp.int32),
          pltpu.VMEM((nchunk, K), jnp.int32),
          pltpu.VMEM((K, d), jnp.float32),
          pltpu.VMEM_SHARED((na, d), jnp.float32),
          pltpu.SemaphoreType.DMA,
      ],
  )
  def scatter_kernel(rows_hbm, cols_hbm, y_hbm, out_hbm,
                     rbuf, cbuf, rows, acc, sem):
    c = lax.axis_index("c")
    s = lax.axis_index("s")
    wid = s * NC + c

    _zero_acc(acc, rows, s, na, d)
    plsc.subcore_barrier()

    pltpu.sync_copy(rows_hbm.at[wid], rbuf)
    pltpu.sync_copy(cols_hbm.at[wid], cbuf)

    def body(j, _):
      pltpu.async_copy(y_hbm.at[rbuf.at[j]], rows, sem).wait()
      pltpu.sync_copy(rows, acc.at[cbuf.at[j]], add=True)
      return 0
    lax.fori_loop(0, nchunk, body, 0)
    plsc.subcore_barrier()

    _writeout(acc, out_hbm, c, s, n)

  return scatter_kernel


def _tc_prescale(degp, x):
  n, d = x.shape

  def body(degp_ref, x_ref, dis_ref, y_ref):
    deg = degp_ref[0] + degp_ref[1]
    dis = jnp.where(deg > 0, lax.rsqrt(jnp.maximum(deg, 1e-30)), 0.0)
    dis_ref[...] = dis
    y_ref[...] = dis * x_ref[...]

  return pl.pallas_call(
      body,
      out_shape=[jax.ShapeDtypeStruct((n, 1), jnp.float32),
                 jax.ShapeDtypeStruct((n, d), jnp.float32)],
  )(degp, x)


def _tc_layer(h, p, dis, w0, w1, b, relu, want_y):
  n, d = h.shape
  hh = w0.shape[1]

  def body(h_ref, p_ref, dis_ref, w0_ref, w1_ref, b_ref, *outs):
    t = dis_ref[...] * (p_ref[0] + p_ref[1])
    z = (jnp.dot(h_ref[...], w0_ref[...], preferred_element_type=jnp.float32)
         - jnp.dot(t, w1_ref[...], preferred_element_type=jnp.float32)
         + b_ref[...][None, :])
    if relu:
      z = jnp.maximum(z, 0.0)
    outs[0][...] = z
    if want_y:
      outs[1][...] = dis_ref[...] * z

  out_shape = [jax.ShapeDtypeStruct((n, hh), jnp.float32)]
  if want_y:
    out_shape.append(jax.ShapeDtypeStruct((n, hh), jnp.float32))
  return pl.pallas_call(body, out_shape=out_shape)(h, p, dis, w0, w1, b)


def _tc_final(h, p, dis, w0, w1, b, batch2, wl, bl):
  n, d = h.shape
  hh = w0.shape[1]
  co = wl.shape[1]

  def body(h_ref, p_ref, dis_ref, w0_ref, w1_ref, b_ref, batch_ref,
           wl_ref, bl_ref, out_ref):
    t = dis_ref[...] * (p_ref[0] + p_ref[1])
    h3 = (jnp.dot(h_ref[...], w0_ref[...], preferred_element_type=jnp.float32)
          - jnp.dot(t, w1_ref[...], preferred_element_type=jnp.float32)
          + b_ref[...][None, :])
    seg = lax.broadcasted_iota(jnp.int32, (G, n), 0)
    m = (batch_ref[...] == seg).astype(jnp.float32)
    sums = jnp.dot(m, h3, preferred_element_type=jnp.float32)
    counts = jnp.sum(m, axis=1, keepdims=True)
    pooled = sums / jnp.maximum(counts, 1.0)
    out_ref[...] = (jnp.dot(pooled, wl_ref[...],
                            preferred_element_type=jnp.float32)
                    + bl_ref[...][None, :])

  return pl.pallas_call(
      body,
      out_shape=jax.ShapeDtypeStruct((G, co), jnp.float32),
  )(h, p, dis, w0, w1, b, batch2, wl, bl)


def kernel(x, edge_index, batch, W0_1, W1_1, b1, W0_2, W1_2, b2,
           W0_3, W1_3, b3, Wl, bl):
  n, d = x.shape
  row_g, col_s, row_s, nchunk = _pad_edges(edge_index, n)

  deg_kernel = _make_deg_kernel(n, nchunk)
  scat = _make_scatter_kernel(n, d, nchunk)

  degp = deg_kernel(row_s)
  dis, y0 = _tc_prescale(degp[:, :, 0:1], x)

  p1 = scat(row_g, col_s, y0)
  h1, y1 = _tc_layer(x, p1, dis, W0_1, W1_1, b1, relu=True, want_y=True)

  p2 = scat(row_g, col_s, y1)
  h2, y2 = _tc_layer(h1, p2, dis, W0_2, W1_2, b2, relu=True, want_y=True)

  p3 = scat(row_g, col_s, y2)
  batch2 = batch.reshape(1, n).astype(jnp.int32)
  return _tc_final(h2, p3, dis, W0_3, W1_3, b3, batch2, Wl, bl)

# --- scband reference (transcript-rebuilt; emitter-appended) ---
"""Pipeline reference for scband-cheb-net-31911607009307 (READ-ONLY COPY).

The authoritative reference and input builder live on the scoring server;
editing this copy changes nothing except your own understanding.
"""

import jax, jax.numpy as jnp
import numpy as np

N = 10000
E = 320000
D = 128
H = 128
C = 16
G = 64


def cheb_conv(x, edge_index, W0, W1, b):
    # PyG ChebConv with K=2, normalization='sym', lambda_max=2.0:
    # L_hat = (2/lambda_max)*L - I = -D^{-1/2} A D^{-1/2} (diagonal cancels)
    row = edge_index[0]
    col = edge_index[1]
    n = x.shape[0]
    w = jnp.ones((edge_index.shape[1],), dtype=x.dtype)
    deg = jnp.zeros((n,), dtype=x.dtype).at[row].add(w)
    dis = jnp.where(deg > 0, 1.0 / jnp.sqrt(deg), 0.0)
    norm = -dis[row] * w * dis[col]
    Tx0 = x
    Tx1 = jnp.zeros_like(x).at[col].add(norm[:, None] * x[row])
    return Tx0 @ W0 + Tx1 @ W1 + b


def setup_inputs(seed: int = 0):
    key = jax.random.key(seed)
    ks = jax.random.split(key, 16)
    x = jax.random.normal(ks[0], (N, D), dtype=jnp.float32)
    edge_index = jax.random.randint(ks[1], (2, E), 0, N, dtype=jnp.int32)
    batch = jnp.sort(jax.random.randint(ks[2], (N,), 0, G, dtype=jnp.int32))
    s = 0.05
    params = {
        'W0_1': jax.random.normal(ks[3], (D, H), dtype=jnp.float32) * s,
        'W1_1': jax.random.normal(ks[4], (D, H), dtype=jnp.float32) * s,
        'b1': jnp.zeros((H,), dtype=jnp.float32),
        'W0_2': jax.random.normal(ks[5], (H, H), dtype=jnp.float32) * s,
        'W1_2': jax.random.normal(ks[6], (H, H), dtype=jnp.float32) * s,
        'b2': jnp.zeros((H,), dtype=jnp.float32),
        'W0_3': jax.random.normal(ks[7], (H, H), dtype=jnp.float32) * s,
        'W1_3': jax.random.normal(ks[8], (H, H), dtype=jnp.float32) * s,
        'b3': jnp.zeros((H,), dtype=jnp.float32),
        'Wl': jax.random.normal(ks[9], (H, C), dtype=jnp.float32) * s,
        'bl': jnp.zeros((C,), dtype=jnp.float32),
    }
    return {'x': x, 'edge_index': edge_index, 'batch': batch, **params}


def reference(x, edge_index, batch, W0_1, W1_1, b1, W0_2, W1_2, b2, W0_3, W1_3, b3, Wl, bl):
    h = jax.nn.relu(cheb_conv(x, edge_index, W0_1, W1_1, b1))
    h = jax.nn.relu(cheb_conv(h, edge_index, W0_2, W1_2, b2))
    h = cheb_conv(h, edge_index, W0_3, W1_3, b3)
    # global_mean_pool over batch ids
    sums = jax.ops.segment_sum(h, batch, num_segments=G)
    counts = jax.ops.segment_sum(jnp.ones((h.shape[0],), dtype=h.dtype), batch, num_segments=G)
    pooled = sums / jnp.maximum(counts, 1.0)[:, None]
    # dropout is identity in eval mode
    return pooled @ Wl + bl

if __name__ == "__main__":
    import jax
    _d = setup_inputs()
    print(jax.jit(kernel)(*tuple(_d.values())))

</pallas_src>

<mosaic_0001>
#map = affine_map<(d0, d1) -> (0, 0, 0)>
#map1 = affine_map<(d0, d1) -> (0, 0)>
module attributes {stable_mosaic.version = 14 : i64} {
  func.func @scatter_kernel(%arg0: i32, %arg1: i32, %arg2: memref<32x79x128xi32, #tpu.memory_space<hbm>>, %arg3: memref<32x79x128xi32, #tpu.memory_space<hbm>>, %arg4: memref<10000x128xf32, #tpu.memory_space<hbm>>, %arg5: memref<2x10000x128xf32, #tpu.memory_space<hbm>>, %arg6: memref<79x128xi32, #tpu.memory_space<vmem>>, %arg7: memref<79x128xi32, #tpu.memory_space<vmem>>, %arg8: memref<128x128xf32, #tpu.memory_space<vmem>>, %arg9: memref<10112x128xf32, #tpu.memory_space<vmem_shared>>, %arg10: memref<!tpu.dma_semaphore, #tpu.memory_space<semaphore_mem>>) attributes {dimension_semantics = [#tpu.dimension_semantics<core_parallel>, #tpu.dimension_semantics<subcore_parallel>], iteration_bounds = array<i64: 2, 16>, scalar_prefetch = 0 : i64, scratch_operands = 5 : i64, tpu.core_type = #tpu.core_type<sc_vector_subcore>, window_params = [{transform_indices = #map}, {transform_indices = #map}, {transform_indices = #map1}, {transform_indices = #map}]} {
    %mul3A = arith.constant 2 : i32
    %mul3A_0 = arith.muli %arg1, %mul3A : i32
    %add3A = arith.addi %mul3A_0, %arg0 : i32
    %scan3A = arith.constant 0 : i32
    %scan3A_1 = arith.constant 0 : i32
    %scan3A_2 = arith.constant 1024 : i32
    %scan3A_3 = arith.addi %scan3A_1, %scan3A_2 : i32
    %scan3A_4 = arith.constant 1 : i32
    %scan3A_5 = scf.for %scan3A_66 = %scan3A_1 to %scan3A_3 step %scan3A_4 iter_args(%scan3A_67 = %scan3A) -> (i32)  : i32 {
      %broadcast_in_dim3A = arith.constant 0.000000e+00 : f32
      %broadcast_in_dim3A_68 = vector.broadcast %broadcast_in_dim3A : f32 to vector<16xf32>
      %jit3A = arith.constant 8 : i32
      %div3A = arith.divsi %scan3A_66, %jit3A : i32
      %sign3A = arith.constant 0 : i32
      %sign3A_69 = arith.cmpi sgt, %scan3A_66, %sign3A : i32
      %sign3A_70 = arith.extui %sign3A_69 : i1 to i32
      %sign3A_71 = arith.constant 0 : i32
      %sign3A_72 = arith.cmpi slt, %scan3A_66, %sign3A_71 : i32
      %sign3A_73 = arith.extui %sign3A_72 : i1 to i32
      %sign3A_74 = arith.subi %sign3A_70, %sign3A_73 : i32
      %sign3A_75 = arith.constant 0 : i32
      %sign3A_76 = arith.cmpi sgt, %jit3A, %sign3A_75 : i32
      %sign3A_77 = arith.extui %sign3A_76 : i1 to i32
      %sign3A_78 = arith.constant 0 : i32
      %sign3A_79 = arith.cmpi slt, %jit3A, %sign3A_78 : i32
      %sign3A_80 = arith.extui %sign3A_79 : i1 to i32
      %sign3A_81 = arith.subi %sign3A_77, %sign3A_80 : i32
      %ne3A = arith.cmpi ne, %sign3A_74, %sign3A_81 : i32
      %rem3A = arith.remsi %scan3A_66, %jit3A : i32
      %ne3A_82 = arith.constant 0 : i32
      %ne3A_83 = arith.cmpi ne, %rem3A, %ne3A_82 : i32
      %and3A = arith.andi %ne3A, %ne3A_83 : i1
      %sub3A = arith.constant 1 : i32
      %sub3A_84 = arith.subi %div3A, %sub3A : i32
      %select_n3A = arith.select %and3A, %sub3A_84, %div3A : i32
      %jit3A_85 = arith.constant 8 : i32
      %eq3A_86 = arith.constant 0 : i32
      %eq3A_87 = arith.cmpi eq, %jit3A_85, %eq3A_86 : i32
      %jit3A_88 = arith.constant 1 : i32
      %select_n3A_89 = arith.select %eq3A_87, %jit3A_88, %jit3A_85 : i32
      %rem3A_90 = arith.remsi %scan3A_66, %select_n3A_89 : i32
      %ne3A_91 = arith.constant 0 : i32
      %ne3A_92 = arith.cmpi ne, %rem3A_90, %ne3A_91 : i32
      %lt3A_93 = arith.constant 0 : i32
      %lt3A_94 = arith.cmpi slt, %rem3A_90, %lt3A_93 : i32
      %lt3A_95 = arith.constant 0 : i32
      %lt3A_96 = arith.cmpi slt, %select_n3A_89, %lt3A_95 : i32
      %ne3A_97 = arith.xori %lt3A_94, %lt3A_96 : i1
      %and3A_98 = arith.andi %ne3A_97, %ne3A_92 : i1
      %add3A_99 = arith.addi %rem3A_90, %select_n3A_89 : i32
      %select_n3A_100 = arith.select %and3A_98, %add3A_99, %rem3A_90 : i32
      %mul3A_101 = arith.constant 16 : i32
      %mul3A_102 = arith.muli %select_n3A_100, %mul3A_101 : i32
      %swap3A = arith.index_cast %select_n3A : i32 to index
      %swap3A_103 = arith.index_cast %mul3A_102 : i32 to index
      %swap3A_104 = tpu.vector_load %arg8[%swap3A, %swap3A_103] {strides = array<i32>} : memref<128x128xf32, #tpu.memory_space<vmem>>, vector<1x16xf32>,
      %swap3A_105 = vector.shape_cast %swap3A_104 : vector<1x16xf32> to vector<16xf32>
      %swap3A_106 = vector.shape_cast %broadcast_in_dim3A_68 : vector<16xf32> to vector<1x16xf32>
      tpu.vector_store %arg8[%swap3A, %swap3A_103], %swap3A_106 {strides = array<i32>} : memref<128x128xf32, #tpu.memory_space<vmem>>, vector<1x16xf32>,
      %scan3A_107 = arith.constant 0 : i32
      scf.yield %scan3A_107 : i32
    }
    %scan3A_6 = arith.constant 1024 : i32
    %mul3A_7 = arith.constant 5 : i32
    %mul3A_8 = arith.muli %arg1, %mul3A_7 : i32
    %add3A_9 = arith.constant 0 : i32
    %add3A_10 = arith.addi %mul3A_8, %add3A_9 : i32
    %lt3A = arith.constant 79 : i32
    %lt3A_11 = arith.cmpi slt, %add3A_10, %lt3A : i32
    %convert_element_type3A = arith.extui %lt3A_11 : i1 to i32
    %cond3A = arith.constant 0 : i32
    %cond3A_12 = arith.cmpi ne, %convert_element_type3A, %cond3A : i32
    scf.if %cond3A_12 {
      %mul3A_66 = arith.constant 128 : i32
      %mul3A_67 = arith.muli %add3A_10, %mul3A_66 : i32
      "tpu.region"() ({
        %run_scoped3A = tpu.sem_alloc : memref<!tpu.dma_semaphore, #tpu.memory_space<semaphore_mem>>
        %dma_start3A = arith.constant 0 : i32
        %dma_start3A_68 = tpu.memref_slice %arg9[%mul3A_67, %dma_start3A] : memref<10112x128xf32, #tpu.memory_space<vmem_shared>> -> memref<128x128xf32, #tpu.memory_space<vmem_shared>>
        %dma_start3A_69 = arith.constant 0 : i32
        %dma_start3A_70 = tpu.memref_slice %arg9[%mul3A_67, %dma_start3A_69] : memref<10112x128xf32, #tpu.memory_space<vmem_shared>> -> memref<128x128xf32, #tpu.memory_space<vmem_shared>>
        tpu.enqueue_dma source(%arg8 : memref<128x128xf32, #tpu.memory_space<vmem>>) target(%dma_start3A_70 : memref<128x128xf32, #tpu.memory_space<vmem_shared>>) target_semaphore(%run_scoped3A : memref<!tpu.dma_semaphore, #tpu.memory_space<semaphore_mem>>)
        %dma_wait3A = arith.constant 0 : i32
        %dma_wait3A_71 = tpu.memref_slice %arg9[%mul3A_67, %dma_wait3A] : memref<10112x128xf32, #tpu.memory_space<vmem_shared>> -> memref<128x128xf32, #tpu.memory_space<vmem_shared>>
        %dma_wait3A_72 = arith.constant 0 : i32
        %dma_wait3A_73 = tpu.memref_slice %arg9[%mul3A_67, %dma_wait3A_72] : memref<10112x128xf32, #tpu.memory_space<vmem_shared>> -> memref<128x128xf32, #tpu.memory_space<vmem_shared>>
        tpu.wait_dma2 semaphore(%run_scoped3A : memref<!tpu.dma_semaphore, #tpu.memory_space<semaphore_mem>>) src(%arg8 : memref<128x128xf32, #tpu.memory_space<vmem>>) dst(%dma_wait3A_73 : memref<128x128xf32, #tpu.memory_space<vmem_shared>>)
        tpu.yield
      }) : () -> ()
    } else {
    }
    %mul3A_13 = arith.constant 5 : i32
    %mul3A_14 = arith.muli %arg1, %mul3A_13 : i32
    %add3A_15 = arith.constant 1 : i32
    %add3A_16 = arith.addi %mul3A_14, %add3A_15 : i32
    %lt3A_17 = arith.constant 79 : i32
    %lt3A_18 = arith.cmpi slt, %add3A_16, %lt3A_17 : i32
    %convert_element_type3A_19 = arith.extui %lt3A_18 : i1 to i32
    %cond3A_20 = arith.constant 0 : i32
    %cond3A_21 = arith.cmpi ne, %convert_element_type3A_19, %cond3A_20 : i32
    scf.if %cond3A_21 {
      %mul3A_66 = arith.constant 128 : i32
      %mul3A_67 = arith.muli %add3A_16, %mul3A_66 : i32
      "tpu.region"() ({
        %run_scoped3A = tpu.sem_alloc : memref<!tpu.dma_semaphore, #tpu.memory_space<semaphore_mem>>
        %dma_start3A = arith.constant 0 : i32
        %dma_start3A_68 = tpu.memref_slice %arg9[%mul3A_67, %dma_start3A] : memref<10112x128xf32, #tpu.memory_space<vmem_shared>> -> memref<128x128xf32, #tpu.memory_space<vmem_shared>>
        %dma_start3A_69 = arith.constant 0 : i32
        %dma_start3A_70 = tpu.memref_slice %arg9[%mul3A_67, %dma_start3A_69] : memref<10112x128xf32, #tpu.memory_space<vmem_shared>> -> memref<128x128xf32, #tpu.memory_space<vmem_shared>>
        tpu.enqueue_dma source(%arg8 : memref<128x128xf32, #tpu.memory_space<vmem>>) target(%dma_start3A_70 : memref<128x128xf32, #tpu.memory_space<vmem_shared>>) target_semaphore(%run_scoped3A : memref<!tpu.dma_semaphore, #tpu.memory_space<semaphore_mem>>)
        %dma_wait3A = arith.constant 0 : i32
        %dma_wait3A_71 = tpu.memref_slice %arg9[%mul3A_67, %dma_wait3A] : memref<10112x128xf32, #tpu.memory_space<vmem_shared>> -> memref<128x128xf32, #tpu.memory_space<vmem_shared>>
        %dma_wait3A_72 = arith.constant 0 : i32
        %dma_wait3A_73 = tpu.memref_slice %arg9[%mul3A_67, %dma_wait3A_72] : memref<10112x128xf32, #tpu.memory_space<vmem_shared>> -> memref<128x128xf32, #tpu.memory_space<vmem_shared>>
        tpu.wait_dma2 semaphore(%run_scoped3A : memref<!tpu.dma_semaphore, #tpu.memory_space<semaphore_mem>>) src(%arg8 : memref<128x128xf32, #tpu.memory_space<vmem>>) dst(%dma_wait3A_73 : memref<128x128xf32, #tpu.memory_space<vmem_shared>>)
        tpu.yield
      }) : () -> ()
    } else {
    }
    %mul3A_22 = arith.constant 5 : i32
    %mul3A_23 = arith.muli %arg1, %mul3A_22 : i32
    %add3A_24 = arith.constant 2 : i32
    %add3A_25 = arith.addi %mul3A_23, %add3A_24 : i32
    %lt3A_26 = arith.constant 79 : i32
    %lt3A_27 = arith.cmpi slt, %add3A_25, %lt3A_26 : i32
    %convert_element_type3A_28 = arith.extui %lt3A_27 : i1 to i32
    %cond3A_29 = arith.constant 0 : i32
    %cond3A_30 = arith.cmpi ne, %convert_element_type3A_28, %cond3A_29 : i32
    scf.if %cond3A_30 {
      %mul3A_66 = arith.constant 128 : i32
      %mul3A_67 = arith.muli %add3A_25, %mul3A_66 : i32
      "tpu.region"() ({
        %run_scoped3A = tpu.sem_alloc : memref<!tpu.dma_semaphore, #tpu.memory_space<semaphore_mem>>
        %dma_start3A = arith.constant 0 : i32
        %dma_start3A_68 = tpu.memref_slice %arg9[%mul3A_67, %dma_start3A] : memref<10112x128xf32, #tpu.memory_space<vmem_shared>> -> memref<128x128xf32, #tpu.memory_space<vmem_shared>>
        %dma_start3A_69 = arith.constant 0 : i32
        %dma_start3A_70 = tpu.memref_slice %arg9[%mul3A_67, %dma_start3A_69] : memref<10112x128xf32, #tpu.memory_space<vmem_shared>> -> memref<128x128xf32, #tpu.memory_space<vmem_shared>>
        tpu.enqueue_dma source(%arg8 : memref<128x128xf32, #tpu.memory_space<vmem>>) target(%dma_start3A_70 : memref<128x128xf32, #tpu.memory_space<vmem_shared>>) target_semaphore(%run_scoped3A : memref<!tpu.dma_semaphore, #tpu.memory_space<semaphore_mem>>)
        %dma_wait3A = arith.constant 0 : i32
        %dma_wait3A_71 = tpu.memref_slice %arg9[%mul3A_67, %dma_wait3A] : memref<10112x128xf32, #tpu.memory_space<vmem_shared>> -> memref<128x128xf32, #tpu.memory_space<vmem_shared>>
        %dma_wait3A_72 = arith.constant 0 : i32
        %dma_wait3A_73 = tpu.memref_slice %arg9[%mul3A_67, %dma_wait3A_72] : memref<10112x128xf32, #tpu.memory_space<vmem_shared>> -> memref<128x128xf32, #tpu.memory_space<vmem_shared>>
        tpu.wait_dma2 semaphore(%run_scoped3A : memref<!tpu.dma_semaphore, #tpu.memory_space<semaphore_mem>>) src(%arg8 : memref<128x128xf32, #tpu.memory_space<vmem>>) dst(%dma_wait3A_73 : memref<128x128xf32, #tpu.memory_space<vmem_shared>>)
        tpu.yield
      }) : () -> ()
    } else {
    }
    %mul3A_31 = arith.constant 5 : i32
    %mul3A_32 = arith.muli %arg1, %mul3A_31 : i32
    %add3A_33 = arith.constant 3 : i32
    %add3A_34 = arith.addi %mul3A_32, %add3A_33 : i32
    %lt3A_35 = arith.constant 79 : i32
    %lt3A_36 = arith.cmpi slt, %add3A_34, %lt3A_35 : i32
    %convert_element_type3A_37 = arith.extui %lt3A_36 : i1 to i32
    %cond3A_38 = arith.constant 0 : i32
    %cond3A_39 = arith.cmpi ne, %convert_element_type3A_37, %cond3A_38 : i32
    scf.if %cond3A_39 {
      %mul3A_66 = arith.constant 128 : i32
      %mul3A_67 = arith.muli %add3A_34, %mul3A_66 : i32
      "tpu.region"() ({
        %run_scoped3A = tpu.sem_alloc : memref<!tpu.dma_semaphore, #tpu.memory_space<semaphore_mem>>
        %dma_start3A = arith.constant 0 : i32
        %dma_start3A_68 = tpu.memref_slice %arg9[%mul3A_67, %dma_start3A] : memref<10112x128xf32, #tpu.memory_space<vmem_shared>> -> memref<128x128xf32, #tpu.memory_space<vmem_shared>>
        %dma_start3A_69 = arith.constant 0 : i32
        %dma_start3A_70 = tpu.memref_slice %arg9[%mul3A_67, %dma_start3A_69] : memref<10112x128xf32, #tpu.memory_space<vmem_shared>> -> memref<128x128xf32, #tpu.memory_space<vmem_shared>>
        tpu.enqueue_dma source(%arg8 : memref<128x128xf32, #tpu.memory_space<vmem>>) target(%dma_start3A_70 : memref<128x128xf32, #tpu.memory_space<vmem_shared>>) target_semaphore(%run_scoped3A : memref<!tpu.dma_semaphore, #tpu.memory_space<semaphore_mem>>)
        %dma_wait3A = arith.constant 0 : i32
        %dma_wait3A_71 = tpu.memref_slice %arg9[%mul3A_67, %dma_wait3A] : memref<10112x128xf32, #tpu.memory_space<vmem_shared>> -> memref<128x128xf32, #tpu.memory_space<vmem_shared>>
        %dma_wait3A_72 = arith.constant 0 : i32
        %dma_wait3A_73 = tpu.memref_slice %arg9[%mul3A_67, %dma_wait3A_72] : memref<10112x128xf32, #tpu.memory_space<vmem_shared>> -> memref<128x128xf32, #tpu.memory_space<vmem_shared>>
        tpu.wait_dma2 semaphore(%run_scoped3A : memref<!tpu.dma_semaphore, #tpu.memory_space<semaphore_mem>>) src(%arg8 : memref<128x128xf32, #tpu.memory_space<vmem>>) dst(%dma_wait3A_73 : memref<128x128xf32, #tpu.memory_space<vmem_shared>>)
        tpu.yield
      }) : () -> ()
    } else {
    }
    %mul3A_40 = arith.constant 5 : i32
    %mul3A_41 = arith.muli %arg1, %mul3A_40 : i32
    %add3A_42 = arith.constant 4 : i32
    %add3A_43 = arith.addi %mul3A_41, %add3A_42 : i32
    %lt3A_44 = arith.constant 79 : i32
    %lt3A_45 = arith.cmpi slt, %add3A_43, %lt3A_44 : i32
    %convert_element_type3A_46 = arith.extui %lt3A_45 : i1 to i32
    %cond3A_47 = arith.constant 0 : i32
    %cond3A_48 = arith.cmpi ne, %convert_element_type3A_46, %cond3A_47 : i32
    scf.if %cond3A_48 {
      %mul3A_66 = arith.constant 128 : i32
      %mul3A_67 = arith.muli %add3A_43, %mul3A_66 : i32
      "tpu.region"() ({
        %run_scoped3A = tpu.sem_alloc : memref<!tpu.dma_semaphore, #tpu.memory_space<semaphore_mem>>
        %dma_start3A = arith.constant 0 : i32
        %dma_start3A_68 = tpu.memref_slice %arg9[%mul3A_67, %dma_start3A] : memref<10112x128xf32, #tpu.memory_space<vmem_shared>> -> memref<128x128xf32, #tpu.memory_space<vmem_shared>>
        %dma_start3A_69 = arith.constant 0 : i32
        %dma_start3A_70 = tpu.memref_slice %arg9[%mul3A_67, %dma_start3A_69] : memref<10112x128xf32, #tpu.memory_space<vmem_shared>> -> memref<128x128xf32, #tpu.memory_space<vmem_shared>>
        tpu.enqueue_dma source(%arg8 : memref<128x128xf32, #tpu.memory_space<vmem>>) target(%dma_start3A_70 : memref<128x128xf32, #tpu.memory_space<vmem_shared>>) target_semaphore(%run_scoped3A : memref<!tpu.dma_semaphore, #tpu.memory_space<semaphore_mem>>)
        %dma_wait3A = arith.constant 0 : i32
        %dma_wait3A_71 = tpu.memref_slice %arg9[%mul3A_67, %dma_wait3A] : memref<10112x128xf32, #tpu.memory_space<vmem_shared>> -> memref<128x128xf32, #tpu.memory_space<vmem_shared>>
        %dma_wait3A_72 = arith.constant 0 : i32
        %dma_wait3A_73 = tpu.memref_slice %arg9[%mul3A_67, %dma_wait3A_72] : memref<10112x128xf32, #tpu.memory_space<vmem_shared>> -> memref<128x128xf32, #tpu.memory_space<vmem_shared>>
        tpu.wait_dma2 semaphore(%run_scoped3A : memref<!tpu.dma_semaphore, #tpu.memory_space<semaphore_mem>>) src(%arg8 : memref<128x128xf32, #tpu.memory_space<vmem>>) dst(%dma_wait3A_73 : memref<128x128xf32, #tpu.memory_space<vmem_shared>>)
        tpu.yield
      }) : () -> ()
    } else {
    }
    %barrier3A = arith.constant 0 : index
    tpu.barrier barrier_id(%barrier3A)
    "tpu.region"() ({
      %run_scoped3A = tpu.sem_alloc : memref<!tpu.dma_semaphore, #tpu.memory_space<semaphore_mem>>
      %dma_start3A = arith.constant 0 : i32
      %dma_start3A_66 = arith.constant 0 : i32
      %dma_start3A_67 = tpu.memref_slice %arg2[%add3A, %dma_start3A, %dma_start3A_66] : memref<32x79x128xi32, #tpu.memory_space<hbm>> -> memref<1x79x128xi32, #tpu.memory_space<hbm>>
      %dma_start3A_68 = tpu.memref_squeeze %dma_start3A_67 : memref<1x79x128xi32, #tpu.memory_space<hbm>> -> memref<79x128xi32, #tpu.memory_space<hbm>>
      %dma_start3A_69 = arith.constant 0 : i32
      %dma_start3A_70 = arith.constant 0 : i32
      %dma_start3A_71 = tpu.memref_slice %arg2[%add3A, %dma_start3A_69, %dma_start3A_70] : memref<32x79x128xi32, #tpu.memory_space<hbm>> -> memref<1x79x128xi32, #tpu.memory_space<hbm>>
      %dma_start3A_72 = tpu.memref_squeeze %dma_start3A_71 : memref<1x79x128xi32, #tpu.memory_space<hbm>> -> memref<79x128xi32, #tpu.memory_space<hbm>>
      tpu.enqueue_dma source(%dma_start3A_72 : memref<79x128xi32, #tpu.memory_space<hbm>>) target(%arg6 : memref<79x128xi32, #tpu.memory_space<vmem>>) target_semaphore(%run_scoped3A : memref<!tpu.dma_semaphore, #tpu.memory_space<semaphore_mem>>)
      %dma_wait3A = arith.constant 0 : i32
      %dma_wait3A_73 = arith.constant 0 : i32
      %dma_wait3A_74 = tpu.memref_slice %arg2[%add3A, %dma_wait3A, %dma_wait3A_73] : memref<32x79x128xi32, #tpu.memory_space<hbm>> -> memref<1x79x128xi32, #tpu.memory_space<hbm>>
      %dma_wait3A_75 = tpu.memref_squeeze %dma_wait3A_74 : memref<1x79x128xi32, #tpu.memory_space<hbm>> -> memref<79x128xi32, #tpu.memory_space<hbm>>
      %dma_wait3A_76 = arith.constant 0 : i32
      %dma_wait3A_77 = arith.constant 0 : i32
      %dma_wait3A_78 = tpu.memref_slice %arg2[%add3A, %dma_wait3A_76, %dma_wait3A_77] : memref<32x79x128xi32, #tpu.memory_space<hbm>> -> memref<1x79x128xi32, #tpu.memory_space<hbm>>
      %dma_wait3A_79 = tpu.memref_squeeze %dma_wait3A_78 : memref<1x79x128xi32, #tpu.memory_space<hbm>> -> memref<79x128xi32, #tpu.memory_space<hbm>>
      tpu.wait_dma2 semaphore(%run_scoped3A : memref<!tpu.dma_semaphore, #tpu.memory_space<semaphore_mem>>) src(%dma_wait3A_79 : memref<79x128xi32, #tpu.memory_space<hbm>>) dst(%arg6 : memref<79x128xi32, #tpu.memory_space<vmem>>)
      tpu.yield
    }) : () -> ()
    "tpu.region"() ({
      %run_scoped3A = tpu.sem_alloc : memref<!tpu.dma_semaphore, #tpu.memory_space<semaphore_mem>>
      %dma_start3A = arith.constant 0 : i32
      %dma_start3A_66 = arith.constant 0 : i32
      %dma_start3A_67 = tpu.memref_slice %arg3[%add3A, %dma_start3A, %dma_start3A_66] : memref<32x79x128xi32, #tpu.memory_space<hbm>> -> memref<1x79x128xi32, #tpu.memory_space<hbm>>
      %dma_start3A_68 = tpu.memref_squeeze %dma_start3A_67 : memref<1x79x128xi32, #tpu.memory_space<hbm>> -> memref<79x128xi32, #tpu.memory_space<hbm>>
      %dma_start3A_69 = arith.constant 0 : i32
      %dma_start3A_70 = arith.constant 0 : i32
      %dma_start3A_71 = tpu.memref_slice %arg3[%add3A, %dma_start3A_69, %dma_start3A_70] : memref<32x79x128xi32, #tpu.memory_space<hbm>> -> memref<1x79x128xi32, #tpu.memory_space<hbm>>
      %dma_start3A_72 = tpu.memref_squeeze %dma_start3A_71 : memref<1x79x128xi32, #tpu.memory_space<hbm>> -> memref<79x128xi32, #tpu.memory_space<hbm>>
      tpu.enqueue_dma source(%dma_start3A_72 : memref<79x128xi32, #tpu.memory_space<hbm>>) target(%arg7 : memref<79x128xi32, #tpu.memory_space<vmem>>) target_semaphore(%run_scoped3A : memref<!tpu.dma_semaphore, #tpu.memory_space<semaphore_mem>>)
      %dma_wait3A = arith.constant 0 : i32
      %dma_wait3A_73 = arith.constant 0 : i32
      %dma_wait3A_74 = tpu.memref_slice %arg3[%add3A, %dma_wait3A, %dma_wait3A_73] : memref<32x79x128xi32, #tpu.memory_space<hbm>> -> memref<1x79x128xi32, #tpu.memory_space<hbm>>
      %dma_wait3A_75 = tpu.memref_squeeze %dma_wait3A_74 : memref<1x79x128xi32, #tpu.memory_space<hbm>> -> memref<79x128xi32, #tpu.memory_space<hbm>>
      %dma_wait3A_76 = arith.constant 0 : i32
      %dma_wait3A_77 = arith.constant 0 : i32
      %dma_wait3A_78 = tpu.memref_slice %arg3[%add3A, %dma_wait3A_76, %dma_wait3A_77] : memref<32x79x128xi32, #tpu.memory_space<hbm>> -> memref<1x79x128xi32, #tpu.memory_space<hbm>>
      %dma_wait3A_79 = tpu.memref_squeeze %dma_wait3A_78 : memref<1x79x128xi32, #tpu.memory_space<hbm>> -> memref<79x128xi32, #tpu.memory_space<hbm>>
      tpu.wait_dma2 semaphore(%run_scoped3A : memref<!tpu.dma_semaphore, #tpu.memory_space<semaphore_mem>>) src(%dma_wait3A_79 : memref<79x128xi32, #tpu.memory_space<hbm>>) dst(%arg7 : memref<79x128xi32, #tpu.memory_space<vmem>>)
      tpu.yield
    }) : () -> ()
    %scan3A_49 = arith.constant 0 : i32
    %scan3A_50 = arith.constant 0 : i32
    %scan3A_51 = arith.constant 79 : i32
    %scan3A_52 = arith.addi %scan3A_50, %scan3A_51 : i32
    %scan3A_53 = arith.constant 1 : i32
    %scan3A_54 = scf.for %scan3A_66 = %scan3A_50 to %scan3A_52 step %scan3A_53 iter_args(%scan3A_67 = %scan3A_49) -> (i32)  : i32 {
      %dma_start3A = arith.constant 0 : i32
      %dma_start3A_68 = tpu.memref_slice %arg6[%scan3A_66, %dma_start3A] : memref<79x128xi32, #tpu.memory_space<vmem>> -> memref<1x128xi32, #tpu.memory_space<vmem>>
      %dma_start3A_69 = tpu.memref_squeeze %dma_start3A_68 : memref<1x128xi32, #tpu.memory_space<vmem>> -> memref<128xi32, #tpu.memory_space<vmem>>
      %dma_start3A_70 = arith.constant 0 : i32
      %dma_start3A_71 = arith.constant 0 : i32
      %dma_start3A_72 = tpu.memref_slice %arg4[%dma_start3A_70, %dma_start3A_71] : memref<10000x128xf32, #tpu.memory_space<hbm>> -> memref<10000x128xf32, #tpu.memory_space<hbm>>
      tpu.enqueue_indirect_dma source(%dma_start3A_72 : memref<10000x128xf32, #tpu.memory_space<hbm>>) target(%arg8 : memref<128x128xf32, #tpu.memory_space<vmem>>) offsets(%dma_start3A_69 : memref<128xi32, #tpu.memory_space<vmem>>) semaphore(%arg10 : memref<!tpu.dma_semaphore, #tpu.memory_space<semaphore_mem>>)
      %dma_wait3A = arith.constant 0 : i32
      %dma_wait3A_73 = tpu.memref_slice %arg6[%scan3A_66, %dma_wait3A] : memref<79x128xi32, #tpu.memory_space<vmem>> -> memref<1x128xi32, #tpu.memory_space<vmem>>
      %dma_wait3A_74 = tpu.memref_squeeze %dma_wait3A_73 : memref<1x128xi32, #tpu.memory_space<vmem>> -> memref<128xi32, #tpu.memory_space<vmem>>
      %dma_wait3A_75 = arith.constant 0 : i32
      %dma_wait3A_76 = arith.constant 0 : i32
      %dma_wait3A_77 = tpu.memref_slice %arg4[%dma_wait3A_75, %dma_wait3A_76] : memref<10000x128xf32, #tpu.memory_space<hbm>> -> memref<10000x128xf32, #tpu.memory_space<hbm>>
      tpu.wait_indirect_dma semaphore(%arg10 : memref<!tpu.dma_semaphore, #tpu.memory_space<semaphore_mem>>) src(%dma_wait3A_77 : memref<10000x128xf32, #tpu.memory_space<hbm>>) dst(%arg8 : memref<128x128xf32, #tpu.memory_space<vmem>>)
      "tpu.region"() ({
        %run_scoped3A = tpu.sem_alloc : memref<!tpu.dma_semaphore, #tpu.memory_space<semaphore_mem>>
        %dma_start3A_79 = arith.constant 0 : i32
        %dma_start3A_80 = tpu.memref_slice %arg7[%scan3A_66, %dma_start3A_79] : memref<79x128xi32, #tpu.memory_space<vmem>> -> memref<1x128xi32, #tpu.memory_space<vmem>>
        %dma_start3A_81 = tpu.memref_squeeze %dma_start3A_80 : memref<1x128xi32, #tpu.memory_space<vmem>> -> memref<128xi32, #tpu.memory_space<vmem>>
        %dma_start3A_82 = arith.constant 0 : i32
        %dma_start3A_83 = arith.constant 0 : i32
        %dma_start3A_84 = tpu.memref_slice %arg9[%dma_start3A_82, %dma_start3A_83] : memref<10112x128xf32, #tpu.memory_space<vmem_shared>> -> memref<10112x128xf32, #tpu.memory_space<vmem_shared>>
        tpu.enqueue_indirect_dma source(%arg8 : memref<128x128xf32, #tpu.memory_space<vmem>>) target(%dma_start3A_84 : memref<10112x128xf32, #tpu.memory_space<vmem_shared>>) offsets(%dma_start3A_81 : memref<128xi32, #tpu.memory_space<vmem>>) semaphore(%run_scoped3A : memref<!tpu.dma_semaphore, #tpu.memory_space<semaphore_mem>>) {add = true}
        %dma_wait3A_85 = arith.constant 0 : i32
        %dma_wait3A_86 = tpu.memref_slice %arg7[%scan3A_66, %dma_wait3A_85] : memref<79x128xi32, #tpu.memory_space<vmem>> -> memref<1x128xi32, #tpu.memory_space<vmem>>
        %dma_wait3A_87 = tpu.memref_squeeze %dma_wait3A_86 : memref<1x128xi32, #tpu.memory_space<vmem>> -> memref<128xi32, #tpu.memory_space<vmem>>
        %dma_wait3A_88 = arith.constant 0 : i32
        %dma_wait3A_89 = arith.constant 0 : i32
        %dma_wait3A_90 = tpu.memref_slice %arg9[%dma_wait3A_88, %dma_wait3A_89] : memref<10112x128xf32, #tpu.memory_space<vmem_shared>> -> memref<10112x128xf32, #tpu.memory_space<vmem_shared>>
        tpu.wait_indirect_dma semaphore(%run_scoped3A : memref<!tpu.dma_semaphore, #tpu.memory_space<semaphore_mem>>) src(%arg8 : memref<128x128xf32, #tpu.memory_space<vmem>>) dst(%dma_wait3A_90 : memref<10112x128xf32, #tpu.memory_space<vmem_shared>>)
        tpu.yield
      }) : () -> ()
      %scan3A_78 = arith.constant 0 : i32
      scf.yield %scan3A_78 : i32
    }
    %scan3A_55 = arith.constant 79 : i32
    %barrier3A_56 = arith.constant 0 : index
    tpu.barrier barrier_id(%barrier3A_56)
    %lt3A_57 = arith.constant 15 : i32
    %lt3A_58 = arith.cmpi slt, %arg1, %lt3A_57 : i32
    %convert_element_type3A_59 = arith.extui %lt3A_58 : i1 to i32
    %cond3A_60 = arith.constant 0 : i32
    %cond3A_61 = arith.cmpi ne, %convert_element_type3A_59, %cond3A_60 : i32
    scf.if %cond3A_61 {
      %mul3A_66 = arith.constant 632 : i32
      %mul3A_67 = arith.muli %arg1, %mul3A_66 : i32
      %mul3A_68 = arith.constant 632 : i32
      %mul3A_69 = arith.muli %arg1, %mul3A_68 : i32
      "tpu.region"() ({
        %run_scoped3A = tpu.sem_alloc : memref<!tpu.dma_semaphore, #tpu.memory_space<semaphore_mem>>
        %dma_start3A = arith.constant 0 : i32
        %dma_start3A_70 = tpu.memref_slice %arg5[%arg0, %mul3A_69, %dma_start3A] : memref<2x10000x128xf32, #tpu.memory_space<hbm>> -> memref<1x632x128xf32, #tpu.memory_space<hbm>>
        %dma_start3A_71 = tpu.memref_squeeze %dma_start3A_70 : memref<1x632x128xf32, #tpu.memory_space<hbm>> -> memref<632x128xf32, #tpu.memory_space<hbm>>
        %dma_start3A_72 = arith.constant 0 : i32
        %dma_start3A_73 = tpu.memref_slice %arg9[%mul3A_67, %dma_start3A_72] : memref<10112x128xf32, #tpu.memory_space<vmem_shared>> -> memref<632x128xf32, #tpu.memory_space<vmem_shared>>
        tpu.enqueue_dma source(%dma_start3A_73 : memref<632x128xf32, #tpu.memory_space<vmem_shared>>) target(%dma_start3A_71 : memref<632x128xf32, #tpu.memory_space<hbm>>) target_semaphore(%run_scoped3A : memref<!tpu.dma_semaphore, #tpu.memory_space<semaphore_mem>>)
        %dma_wait3A = arith.constant 0 : i32
        %dma_wait3A_74 = tpu.memref_slice %arg5[%arg0, %mul3A_69, %dma_wait3A] : memref<2x10000x128xf32, #tpu.memory_space<hbm>> -> memref<1x632x128xf32, #tpu.memory_space<hbm>>
        %dma_wait3A_75 = tpu.memref_squeeze %dma_wait3A_74 : memref<1x632x128xf32, #tpu.memory_space<hbm>> -> memref<632x128xf32, #tpu.memory_space<hbm>>
        %dma_wait3A_76 = arith.constant 0 : i32
        %dma_wait3A_77 = tpu.memref_slice %arg9[%mul3A_67, %dma_wait3A_76] : memref<10112x128xf32, #tpu.memory_space<vmem_shared>> -> memref<632x128xf32, #tpu.memory_space<vmem_shared>>
        tpu.wait_dma2 semaphore(%run_scoped3A : memref<!tpu.dma_semaphore, #tpu.memory_space<semaphore_mem>>) src(%dma_wait3A_77 : memref<632x128xf32, #tpu.memory_space<vmem_shared>>) dst(%dma_wait3A_75 : memref<632x128xf32, #tpu.memory_space<hbm>>)
        tpu.yield
      }) : () -> ()
    } else {
    }
    %eq3A = arith.constant 15 : i32
    %eq3A_62 = arith.cmpi eq, %arg1, %eq3A : i32
    %convert_element_type3A_63 = arith.extui %eq3A_62 : i1 to i32
    %cond3A_64 = arith.constant 0 : i32
    %cond3A_65 = arith.cmpi ne, %convert_element_type3A_63, %cond3A_64 : i32
    scf.if %cond3A_65 {
      "tpu.region"() ({
        %run_scoped3A = tpu.sem_alloc : memref<!tpu.dma_semaphore, #tpu.memory_space<semaphore_mem>>
        %dma_start3A = arith.constant 9480 : i32
        %dma_start3A_66 = arith.constant 0 : i32
        %dma_start3A_67 = tpu.memref_slice %arg5[%arg0, %dma_start3A, %dma_start3A_66] : memref<2x10000x128xf32, #tpu.memory_space<hbm>> -> memref<1x520x128xf32, #tpu.memory_space<hbm>>
        %dma_start3A_68 = tpu.memref_squeeze %dma_start3A_67 : memref<1x520x128xf32, #tpu.memory_space<hbm>> -> memref<520x128xf32, #tpu.memory_space<hbm>>
        %dma_start3A_69 = arith.constant 9480 : i32
        %dma_start3A_70 = arith.constant 0 : i32
        %dma_start3A_71 = tpu.memref_slice %arg9[%dma_start3A_69, %dma_start3A_70] : memref<10112x128xf32, #tpu.memory_space<vmem_shared>> -> memref<520x128xf32, #tpu.memory_space<vmem_shared>>
        tpu.enqueue_dma source(%dma_start3A_71 : memref<520x128xf32, #tpu.memory_space<vmem_shared>>) target(%dma_start3A_68 : memref<520x128xf32, #tpu.memory_space<hbm>>) target_semaphore(%run_scoped3A : memref<!tpu.dma_semaphore, #tpu.memory_space<semaphore_mem>>)
        %dma_wait3A = arith.constant 9480 : i32
        %dma_wait3A_72 = arith.constant 0 : i32
        %dma_wait3A_73 = tpu.memref_slice %arg5[%arg0, %dma_wait3A, %dma_wait3A_72] : memref<2x10000x128xf32, #tpu.memory_space<hbm>> -> memref<1x520x128xf32, #tpu.memory_space<hbm>>
        %dma_wait3A_74 = tpu.memref_squeeze %dma_wait3A_73 : memref<1x520x128xf32, #tpu.memory_space<hbm>> -> memref<520x128xf32, #tpu.memory_space<hbm>>
        %dma_wait3A_75 = arith.constant 9480 : i32
        %dma_wait3A_76 = arith.constant 0 : i32
        %dma_wait3A_77 = tpu.memref_slice %arg9[%dma_wait3A_75, %dma_wait3A_76] : memref<10112x128xf32, #tpu.memory_space<vmem_shared>> -> memref<520x128xf32, #tpu.memory_space<vmem_shared>>
        tpu.wait_dma2 semaphore(%run_scoped3A : memref<!tpu.dma_semaphore, #tpu.memory_space<semaphore_mem>>) src(%dma_wait3A_77 : memref<520x128xf32, #tpu.memory_space<vmem_shared>>) dst(%dma_wait3A_74 : memref<520x128xf32, #tpu.memory_space<hbm>>)
        tpu.yield
      }) : () -> ()
    } else {
    }
    return
  }
}

#map = affine_map<(d0, d1) -> (0, 0, 0)>
module attributes {stable_mosaic.version = 14 : i64} {
  func.func @deg_kernel(%arg0: i32, %arg1: i32, %arg2: memref<32x79x128xi32, #tpu.memory_space<hbm>>, %arg3: memref<2x10000x128xf32, #tpu.memory_space<hbm>>, %arg4: memref<79x128xi32, #tpu.memory_space<vmem>>, %arg5: memref<128x128xf32, #tpu.memory_space<vmem>>, %arg6: memref<10112x128xf32, #tpu.memory_space<vmem_shared>>, %arg7: memref<!tpu.dma_semaphore, #tpu.memory_space<semaphore_mem>>) attributes {dimension_semantics = [#tpu.dimension_semantics<core_parallel>, #tpu.dimension_semantics<subcore_parallel>], iteration_bounds = array<i64: 2, 16>, scalar_prefetch = 0 : i64, scratch_operands = 4 : i64, tpu.core_type = #tpu.core_type<sc_vector_subcore>, window_params = [{transform_indices = #map}, {transform_indices = #map}]} {
    %mul3A = arith.constant 2 : i32
    %mul3A_0 = arith.muli %arg1, %mul3A : i32
    %add3A = arith.addi %mul3A_0, %arg0 : i32
    %scan3A = arith.constant 0 : i32
    %scan3A_1 = arith.constant 0 : i32
    %scan3A_2 = arith.constant 1024 : i32
    %scan3A_3 = arith.addi %scan3A_1, %scan3A_2 : i32
    %scan3A_4 = arith.constant 1 : i32
    %scan3A_5 = scf.for %scan3A_135 = %scan3A_1 to %scan3A_3 step %scan3A_4 iter_args(%scan3A_136 = %scan3A) -> (i32)  : i32 {
      %broadcast_in_dim3A = arith.constant 0.000000e+00 : f32
      %broadcast_in_dim3A_137 = vector.broadcast %broadcast_in_dim3A : f32 to vector<16xf32>
      %jit3A = arith.constant 8 : i32
      %div3A = arith.divsi %scan3A_135, %jit3A : i32
      %sign3A = arith.constant 0 : i32
      %sign3A_138 = arith.cmpi sgt, %scan3A_135, %sign3A : i32
      %sign3A_139 = arith.extui %sign3A_138 : i1 to i32
      %sign3A_140 = arith.constant 0 : i32
      %sign3A_141 = arith.cmpi slt, %scan3A_135, %sign3A_140 : i32
      %sign3A_142 = arith.extui %sign3A_141 : i1 to i32
      %sign3A_143 = arith.subi %sign3A_139, %sign3A_142 : i32
      %sign3A_144 = arith.constant 0 : i32
      %sign3A_145 = arith.cmpi sgt, %jit3A, %sign3A_144 : i32
      %sign3A_146 = arith.extui %sign3A_145 : i1 to i32
      %sign3A_147 = arith.constant 0 : i32
      %sign3A_148 = arith.cmpi slt, %jit3A, %sign3A_147 : i32
      %sign3A_149 = arith.extui %sign3A_148 : i1 to i32
      %sign3A_150 = arith.subi %sign3A_146, %sign3A_149 : i32
      %ne3A = arith.cmpi ne, %sign3A_143, %sign3A_150 : i32
      %rem3A = arith.remsi %scan3A_135, %jit3A : i32
      %ne3A_151 = arith.constant 0 : i32
      %ne3A_152 = arith.cmpi ne, %rem3A, %ne3A_151 : i32
      %and3A = arith.andi %ne3A, %ne3A_152 : i1
      %sub3A = arith.constant 1 : i32
      %sub3A_153 = arith.subi %div3A, %sub3A : i32
      %select_n3A = arith.select %and3A, %sub3A_153, %div3A : i32
      %jit3A_154 = arith.constant 8 : i32
      %eq3A_155 = arith.constant 0 : i32
      %eq3A_156 = arith.cmpi eq, %jit3A_154, %eq3A_155 : i32
      %jit3A_157 = arith.constant 1 : i32
      %select_n3A_158 = arith.select %eq3A_156, %jit3A_157, %jit3A_154 : i32
      %rem3A_159 = arith.remsi %scan3A_135, %select_n3A_158 : i32
      %ne3A_160 = arith.constant 0 : i32
      %ne3A_161 = arith.cmpi ne, %rem3A_159, %ne3A_160 : i32
      %lt3A_162 = arith.constant 0 : i32
      %lt3A_163 = arith.cmpi slt, %rem3A_159, %lt3A_162 : i32
      %lt3A_164 = arith.constant 0 : i32
      %lt3A_165 = arith.cmpi slt, %select_n3A_158, %lt3A_164 : i32
      %ne3A_166 = arith.xori %lt3A_163, %lt3A_165 : i1
      %and3A_167 = arith.andi %ne3A_166, %ne3A_161 : i1
      %add3A_168 = arith.addi %rem3A_159, %select_n3A_158 : i32
      %select_n3A_169 = arith.select %and3A_167, %add3A_168, %rem3A_159 : i32
      %mul3A_170 = arith.constant 16 : i32
      %mul3A_171 = arith.muli %select_n3A_169, %mul3A_170 : i32
      %swap3A = arith.index_cast %select_n3A : i32 to index
      %swap3A_172 = arith.index_cast %mul3A_171 : i32 to index
      %swap3A_173 = tpu.vector_load %arg5[%swap3A, %swap3A_172] {strides = array<i32>} : memref<128x128xf32, #tpu.memory_space<vmem>>, vector<1x16xf32>,
      %swap3A_174 = vector.shape_cast %swap3A_173 : vector<1x16xf32> to vector<16xf32>
      %swap3A_175 = vector.shape_cast %broadcast_in_dim3A_137 : vector<16xf32> to vector<1x16xf32>
      tpu.vector_store %arg5[%swap3A, %swap3A_172], %swap3A_175 {strides = array<i32>} : memref<128x128xf32, #tpu.memory_space<vmem>>, vector<1x16xf32>,
      %scan3A_176 = arith.constant 0 : i32
      scf.yield %scan3A_176 : i32
    }
    %scan3A_6 = arith.constant 1024 : i32
    %mul3A_7 = arith.constant 5 : i32
    %mul3A_8 = arith.muli %arg1, %mul3A_7 : i32
    %add3A_9 = arith.constant 0 : i32
    %add3A_10 = arith.addi %mul3A_8, %add3A_9 : i32
    %lt3A = arith.constant 79 : i32
    %lt3A_11 = arith.cmpi slt, %add3A_10, %lt3A : i32
    %convert_element_type3A = arith.extui %lt3A_11 : i1 to i32
    %cond3A = arith.constant 0 : i32
    %cond3A_12 = arith.cmpi ne, %convert_element_type3A, %cond3A : i32
    scf.if %cond3A_12 {
      %mul3A_135 = arith.constant 128 : i32
      %mul3A_136 = arith.muli %add3A_10, %mul3A_135 : i32
      "tpu.region"() ({
        %run_scoped3A = tpu.sem_alloc : memref<!tpu.dma_semaphore, #tpu.memory_space<semaphore_mem>>
        %dma_start3A_137 = arith.constant 0 : i32
        %dma_start3A_138 = tpu.memref_slice %arg6[%mul3A_136, %dma_start3A_137] : memref<10112x128xf32, #tpu.memory_space<vmem_shared>> -> memref<128x128xf32, #tpu.memory_space<vmem_shared>>
        %dma_start3A_139 = arith.constant 0 : i32
        %dma_start3A_140 = tpu.memref_slice %arg6[%mul3A_136, %dma_start3A_139] : memref<10112x128xf32, #tpu.memory_space<vmem_shared>> -> memref<128x128xf32, #tpu.memory_space<vmem_shared>>
        tpu.enqueue_dma source(%arg5 : memref<128x128xf32, #tpu.memory_space<vmem>>) target(%dma_start3A_140 : memref<128x128xf32, #tpu.memory_space<vmem_shared>>) target_semaphore(%run_scoped3A : memref<!tpu.dma_semaphore, #tpu.memory_space<semaphore_mem>>)
        %dma_wait3A = arith.constant 0 : i32
        %dma_wait3A_141 = tpu.memref_slice %arg6[%mul3A_136, %dma_wait3A] : memref<10112x128xf32, #tpu.memory_space<vmem_shared>> -> memref<128x128xf32, #tpu.memory_space<vmem_shared>>
        %dma_wait3A_142 = arith.constant 0 : i32
        %dma_wait3A_143 = tpu.memref_slice %arg6[%mul3A_136, %dma_wait3A_142] : memref<10112x128xf32, #tpu.memory_space<vmem_shared>> -> memref<128x128xf32, #tpu.memory_space<vmem_shared>>
        tpu.wait_dma2 semaphore(%run_scoped3A : memref<!tpu.dma_semaphore, #tpu.memory_space<semaphore_mem>>) src(%arg5 : memref<128x128xf32, #tpu.memory_space<vmem>>) dst(%dma_wait3A_143 : memref<128x128xf32, #tpu.memory_space<vmem_shared>>)
        tpu.yield
      }) : () -> ()
    } else {
    }
    %mul3A_13 = arith.constant 5 : i32
    %mul3A_14 = arith.muli %arg1, %mul3A_13 : i32
    %add3A_15 = arith.constant 1 : i32
    %add3A_16 = arith.addi %mul3A_14, %add3A_15 : i32
    %lt3A_17 = arith.constant 79 : i32
    %lt3A_18 = arith.cmpi slt, %add3A_16, %lt3A_17 : i32
    %convert_element_type3A_19 = arith.extui %lt3A_18 : i1 to i32
    %cond3A_20 = arith.constant 0 : i32
    %cond3A_21 = arith.cmpi ne, %convert_element_type3A_19, %cond3A_20 : i32
    scf.if %cond3A_21 {
      %mul3A_135 = arith.constant 128 : i32
      %mul3A_136 = arith.muli %add3A_16, %mul3A_135 : i32
      "tpu.region"() ({
        %run_scoped3A = tpu.sem_alloc : memref<!tpu.dma_semaphore, #tpu.memory_space<semaphore_mem>>
        %dma_start3A_137 = arith.constant 0 : i32
        %dma_start3A_138 = tpu.memref_slice %arg6[%mul3A_136, %dma_start3A_137] : memref<10112x128xf32, #tpu.memory_space<vmem_shared>> -> memref<128x128xf32, #tpu.memory_space<vmem_shared>>
        %dma_start3A_139 = arith.constant 0 : i32
        %dma_start3A_140 = tpu.memref_slice %arg6[%mul3A_136, %dma_start3A_139] : memref<10112x128xf32, #tpu.memory_space<vmem_shared>> -> memref<128x128xf32, #tpu.memory_space<vmem_shared>>
        tpu.enqueue_dma source(%arg5 : memref<128x128xf32, #tpu.memory_space<vmem>>) target(%dma_start3A_140 : memref<128x128xf32, #tpu.memory_space<vmem_shared>>) target_semaphore(%run_scoped3A : memref<!tpu.dma_semaphore, #tpu.memory_space<semaphore_mem>>)
        %dma_wait3A = arith.constant 0 : i32
        %dma_wait3A_141 = tpu.memref_slice %arg6[%mul3A_136, %dma_wait3A] : memref<10112x128xf32, #tpu.memory_space<vmem_shared>> -> memref<128x128xf32, #tpu.memory_space<vmem_shared>>
        %dma_wait3A_142 = arith.constant 0 : i32
        %dma_wait3A_143 = tpu.memref_slice %arg6[%mul3A_136, %dma_wait3A_142] : memref<10112x128xf32, #tpu.memory_space<vmem_shared>> -> memref<128x128xf32, #tpu.memory_space<vmem_shared>>
        tpu.wait_dma2 semaphore(%run_scoped3A : memref<!tpu.dma_semaphore, #tpu.memory_space<semaphore_mem>>) src(%arg5 : memref<128x128xf32, #tpu.memory_space<vmem>>) dst(%dma_wait3A_143 : memref<128x128xf32, #tpu.memory_space<vmem_shared>>)
        tpu.yield
      }) : () -> ()
    } else {
    }
    %mul3A_22 = arith.constant 5 : i32
    %mul3A_23 = arith.muli %arg1, %mul3A_22 : i32
    %add3A_24 = arith.constant 2 : i32
    %add3A_25 = arith.addi %mul3A_23, %add3A_24 : i32
    %lt3A_26 = arith.constant 79 : i32
    %lt3A_27 = arith.cmpi slt, %add3A_25, %lt3A_26 : i32
    %convert_element_type3A_28 = arith.extui %lt3A_27 : i1 to i32
    %cond3A_29 = arith.constant 0 : i32
    %cond3A_30 = arith.cmpi ne, %convert_element_type3A_28, %cond3A_29 : i32
    scf.if %cond3A_30 {
      %mul3A_135 = arith.constant 128 : i32
      %mul3A_136 = arith.muli %add3A_25, %mul3A_135 : i32
      "tpu.region"() ({
        %run_scoped3A = tpu.sem_alloc : memref<!tpu.dma_semaphore, #tpu.memory_space<semaphore_mem>>
        %dma_start3A_137 = arith.constant 0 : i32
        %dma_start3A_138 = tpu.memref_slice %arg6[%mul3A_136, %dma_start3A_137] : memref<10112x128xf32, #tpu.memory_space<vmem_shared>> -> memref<128x128xf32, #tpu.memory_space<vmem_shared>>
        %dma_start3A_139 = arith.constant 0 : i32
        %dma_start3A_140 = tpu.memref_slice %arg6[%mul3A_136, %dma_start3A_139] : memref<10112x128xf32, #tpu.memory_space<vmem_shared>> -> memref<128x128xf32, #tpu.memory_space<vmem_shared>>
        tpu.enqueue_dma source(%arg5 : memref<128x128xf32, #tpu.memory_space<vmem>>) target(%dma_start3A_140 : memref<128x128xf32, #tpu.memory_space<vmem_shared>>) target_semaphore(%run_scoped3A : memref<!tpu.dma_semaphore, #tpu.memory_space<semaphore_mem>>)
        %dma_wait3A = arith.constant 0 : i32
        %dma_wait3A_141 = tpu.memref_slice %arg6[%mul3A_136, %dma_wait3A] : memref<10112x128xf32, #tpu.memory_space<vmem_shared>> -> memref<128x128xf32, #tpu.memory_space<vmem_shared>>
        %dma_wait3A_142 = arith.constant 0 : i32
        %dma_wait3A_143 = tpu.memref_slice %arg6[%mul3A_136, %dma_wait3A_142] : memref<10112x128xf32, #tpu.memory_space<vmem_shared>> -> memref<128x128xf32, #tpu.memory_space<vmem_shared>>
        tpu.wait_dma2 semaphore(%run_scoped3A : memref<!tpu.dma_semaphore, #tpu.memory_space<semaphore_mem>>) src(%arg5 : memref<128x128xf32, #tpu.memory_space<vmem>>) dst(%dma_wait3A_143 : memref<128x128xf32, #tpu.memory_space<vmem_shared>>)
        tpu.yield
      }) : () -> ()
    } else {
    }
    %mul3A_31 = arith.constant 5 : i32
    %mul3A_32 = arith.muli %arg1, %mul3A_31 : i32
    %add3A_33 = arith.constant 3 : i32
    %add3A_34 = arith.addi %mul3A_32, %add3A_33 : i32
    %lt3A_35 = arith.constant 79 : i32
    %lt3A_36 = arith.cmpi slt, %add3A_34, %lt3A_35 : i32
    %convert_element_type3A_37 = arith.extui %lt3A_36 : i1 to i32
    %cond3A_38 = arith.constant 0 : i32
    %cond3A_39 = arith.cmpi ne, %convert_element_type3A_37, %cond3A_38 : i32
    scf.if %cond3A_39 {
      %mul3A_135 = arith.constant 128 : i32
      %mul3A_136 = arith.muli %add3A_34, %mul3A_135 : i32
      "tpu.region"() ({
        %run_scoped3A = tpu.sem_alloc : memref<!tpu.dma_semaphore, #tpu.memory_space<semaphore_mem>>
        %dma_start3A_137 = arith.constant 0 : i32
        %dma_start3A_138 = tpu.memref_slice %arg6[%mul3A_136, %dma_start3A_137] : memref<10112x128xf32, #tpu.memory_space<vmem_shared>> -> memref<128x128xf32, #tpu.memory_space<vmem_shared>>
        %dma_start3A_139 = arith.constant 0 : i32
        %dma_start3A_140 = tpu.memref_slice %arg6[%mul3A_136, %dma_start3A_139] : memref<10112x128xf32, #tpu.memory_space<vmem_shared>> -> memref<128x128xf32, #tpu.memory_space<vmem_shared>>
        tpu.enqueue_dma source(%arg5 : memref<128x128xf32, #tpu.memory_space<vmem>>) target(%dma_start3A_140 : memref<128x128xf32, #tpu.memory_space<vmem_shared>>) target_semaphore(%run_scoped3A : memref<!tpu.dma_semaphore, #tpu.memory_space<semaphore_mem>>)
        %dma_wait3A = arith.constant 0 : i32
        %dma_wait3A_141 = tpu.memref_slice %arg6[%mul3A_136, %dma_wait3A] : memref<10112x128xf32, #tpu.memory_space<vmem_shared>> -> memref<128x128xf32, #tpu.memory_space<vmem_shared>>
        %dma_wait3A_142 = arith.constant 0 : i32
        %dma_wait3A_143 = tpu.memref_slice %arg6[%mul3A_136, %dma_wait3A_142] : memref<10112x128xf32, #tpu.memory_space<vmem_shared>> -> memref<128x128xf32, #tpu.memory_space<vmem_shared>>
        tpu.wait_dma2 semaphore(%run_scoped3A : memref<!tpu.dma_semaphore, #tpu.memory_space<semaphore_mem>>) src(%arg5 : memref<128x128xf32, #tpu.memory_space<vmem>>) dst(%dma_wait3A_143 : memref<128x128xf32, #tpu.memory_space<vmem_shared>>)
        tpu.yield
      }) : () -> ()
    } else {
    }
    %mul3A_40 = arith.constant 5 : i32
    %mul3A_41 = arith.muli %arg1, %mul3A_40 : i32
    %add3A_42 = arith.constant 4 : i32
    %add3A_43 = arith.addi %mul3A_41, %add3A_42 : i32
    %lt3A_44 = arith.constant 79 : i32
    %lt3A_45 = arith.cmpi slt, %add3A_43, %lt3A_44 : i32
    %convert_element_type3A_46 = arith.extui %lt3A_45 : i1 to i32
    %cond3A_47 = arith.constant 0 : i32
    %cond3A_48 = arith.cmpi ne, %convert_element_type3A_46, %cond3A_47 : i32
    scf.if %cond3A_48 {
      %mul3A_135 = arith.constant 128 : i32
      %mul3A_136 = arith.muli %add3A_43, %mul3A_135 : i32
      "tpu.region"() ({
        %run_scoped3A = tpu.sem_alloc : memref<!tpu.dma_semaphore, #tpu.memory_space<semaphore_mem>>
        %dma_start3A_137 = arith.constant 0 : i32
        %dma_start3A_138 = tpu.memref_slice %arg6[%mul3A_136, %dma_start3A_137] : memref<10112x128xf32, #tpu.memory_space<vmem_shared>> -> memref<128x128xf32, #tpu.memory_space<vmem_shared>>
        %dma_start3A_139 = arith.constant 0 : i32
        %dma_start3A_140 = tpu.memref_slice %arg6[%mul3A_136, %dma_start3A_139] : memref<10112x128xf32, #tpu.memory_space<vmem_shared>> -> memref<128x128xf32, #tpu.memory_space<vmem_shared>>
        tpu.enqueue_dma source(%arg5 : memref<128x128xf32, #tpu.memory_space<vmem>>) target(%dma_start3A_140 : memref<128x128xf32, #tpu.memory_space<vmem_shared>>) target_semaphore(%run_scoped3A : memref<!tpu.dma_semaphore, #tpu.memory_space<semaphore_mem>>)
        %dma_wait3A = arith.constant 0 : i32
        %dma_wait3A_141 = tpu.memref_slice %arg6[%mul3A_136, %dma_wait3A] : memref<10112x128xf32, #tpu.memory_space<vmem_shared>> -> memref<128x128xf32, #tpu.memory_space<vmem_shared>>
        %dma_wait3A_142 = arith.constant 0 : i32
        %dma_wait3A_143 = tpu.memref_slice %arg6[%mul3A_136, %dma_wait3A_142] : memref<10112x128xf32, #tpu.memory_space<vmem_shared>> -> memref<128x128xf32, #tpu.memory_space<vmem_shared>>
        tpu.wait_dma2 semaphore(%run_scoped3A : memref<!tpu.dma_semaphore, #tpu.memory_space<semaphore_mem>>) src(%arg5 : memref<128x128xf32, #tpu.memory_space<vmem>>) dst(%dma_wait3A_143 : memref<128x128xf32, #tpu.memory_space<vmem_shared>>)
        tpu.yield
      }) : () -> ()
    } else {
    }
    %barrier3A = arith.constant 0 : index
    tpu.barrier barrier_id(%barrier3A)
    %scan3A_49 = arith.constant 0 : i32
    %scan3A_50 = arith.constant 0 : i32
    %scan3A_51 = arith.constant 1024 : i32
    %scan3A_52 = arith.addi %scan3A_50, %scan3A_51 : i32
    %scan3A_53 = arith.constant 1 : i32
    %scan3A_54 = scf.for %scan3A_135 = %scan3A_50 to %scan3A_52 step %scan3A_53 iter_args(%scan3A_136 = %scan3A_49) -> (i32)  : i32 {
      %broadcast_in_dim3A = arith.constant 1.000000e+00 : f32
      %broadcast_in_dim3A_137 = vector.broadcast %broadcast_in_dim3A : f32 to vector<16xf32>
      %jit3A = arith.constant 8 : i32
      %div3A = arith.divsi %scan3A_135, %jit3A : i32
      %sign3A = arith.constant 0 : i32
      %sign3A_138 = arith.cmpi sgt, %scan3A_135, %sign3A : i32
      %sign3A_139 = arith.extui %sign3A_138 : i1 to i32
      %sign3A_140 = arith.constant 0 : i32
      %sign3A_141 = arith.cmpi slt, %scan3A_135, %sign3A_140 : i32
      %sign3A_142 = arith.extui %sign3A_141 : i1 to i32
      %sign3A_143 = arith.subi %sign3A_139, %sign3A_142 : i32
      %sign3A_144 = arith.constant 0 : i32
      %sign3A_145 = arith.cmpi sgt, %jit3A, %sign3A_144 : i32
      %sign3A_146 = arith.extui %sign3A_145 : i1 to i32
      %sign3A_147 = arith.constant 0 : i32
      %sign3A_148 = arith.cmpi slt, %jit3A, %sign3A_147 : i32
      %sign3A_149 = arith.extui %sign3A_148 : i1 to i32
      %sign3A_150 = arith.subi %sign3A_146, %sign3A_149 : i32
      %ne3A = arith.cmpi ne, %sign3A_143, %sign3A_150 : i32
      %rem3A = arith.remsi %scan3A_135, %jit3A : i32
      %ne3A_151 = arith.constant 0 : i32
      %ne3A_152 = arith.cmpi ne, %rem3A, %ne3A_151 : i32
      %and3A = arith.andi %ne3A, %ne3A_152 : i1
      %sub3A = arith.constant 1 : i32
      %sub3A_153 = arith.subi %div3A, %sub3A : i32
      %select_n3A = arith.select %and3A, %sub3A_153, %div3A : i32
      %jit3A_154 = arith.constant 8 : i32
      %eq3A_155 = arith.constant 0 : i32
      %eq3A_156 = arith.cmpi eq, %jit3A_154, %eq3A_155 : i32
      %jit3A_157 = arith.constant 1 : i32
      %select_n3A_158 = arith.select %eq3A_156, %jit3A_157, %jit3A_154 : i32
      %rem3A_159 = arith.remsi %scan3A_135, %select_n3A_158 : i32
      %ne3A_160 = arith.constant 0 : i32
      %ne3A_161 = arith.cmpi ne, %rem3A_159, %ne3A_160 : i32
      %lt3A_162 = arith.constant 0 : i32
      %lt3A_163 = arith.cmpi slt, %rem3A_159, %lt3A_162 : i32
      %lt3A_164 = arith.constant 0 : i32
      %lt3A_165 = arith.cmpi slt, %select_n3A_158, %lt3A_164 : i32
      %ne3A_166 = arith.xori %lt3A_163, %lt3A_165 : i1
      %and3A_167 = arith.andi %ne3A_166, %ne3A_161 : i1
      %add3A_168 = arith.addi %rem3A_159, %select_n3A_158 : i32
      %select_n3A_169 = arith.select %and3A_167, %add3A_168, %rem3A_159 : i32
      %mul3A_170 = arith.constant 16 : i32
      %mul3A_171 = arith.muli %select_n3A_169, %mul3A_170 : i32
      %swap3A = arith.index_cast %select_n3A : i32 to index
      %swap3A_172 = arith.index_cast %mul3A_171 : i32 to index
      %swap3A_173 = tpu.vector_load %arg5[%swap3A, %swap3A_172] {strides = array<i32>} : memref<128x128xf32, #tpu.memory_space<vmem>>, vector<1x16xf32>,
      %swap3A_174 = vector.shape_cast %swap3A_173 : vector<1x16xf32> to vector<16xf32>
      %swap3A_175 = vector.shape_cast %broadcast_in_dim3A_137 : vector<16xf32> to vector<1x16xf32>
      tpu.vector_store %arg5[%swap3A, %swap3A_172], %swap3A_175 {strides = array<i32>} : memref<128x128xf32, #tpu.memory_space<vmem>>, vector<1x16xf32>,
      %scan3A_176 = arith.constant 0 : i32
      scf.yield %scan3A_176 : i32
    }
    %scan3A_55 = arith.constant 1024 : i32
    "tpu.region"() ({
      %run_scoped3A = tpu.sem_alloc : memref<!tpu.dma_semaphore, #tpu.memory_space<semaphore_mem>>
      %dma_start3A_135 = arith.constant 0 : i32
      %dma_start3A_136 = arith.constant 0 : i32
      %dma_start3A_137 = tpu.memref_slice %arg2[%add3A, %dma_start3A_135, %dma_start3A_136] : memref<32x79x128xi32, #tpu.memory_space<hbm>> -> memref<1x79x128xi32, #tpu.memory_space<hbm>>
      %dma_start3A_138 = tpu.memref_squeeze %dma_start3A_137 : memref<1x79x128xi32, #tpu.memory_space<hbm>> -> memref<79x128xi32, #tpu.memory_space<hbm>>
      %dma_start3A_139 = arith.constant 0 : i32
      %dma_start3A_140 = arith.constant 0 : i32
      %dma_start3A_141 = tpu.memref_slice %arg2[%add3A, %dma_start3A_139, %dma_start3A_140] : memref<32x79x128xi32, #tpu.memory_space<hbm>> -> memref<1x79x128xi32, #tpu.memory_space<hbm>>
      %dma_start3A_142 = tpu.memref_squeeze %dma_start3A_141 : memref<1x79x128xi32, #tpu.memory_space<hbm>> -> memref<79x128xi32, #tpu.memory_space<hbm>>
      tpu.enqueue_dma source(%dma_start3A_142 : memref<79x128xi32, #tpu.memory_space<hbm>>) target(%arg4 : memref<79x128xi32, #tpu.memory_space<vmem>>) target_semaphore(%run_scoped3A : memref<!tpu.dma_semaphore, #tpu.memory_space<semaphore_mem>>)
      %dma_wait3A = arith.constant 0 : i32
      %dma_wait3A_143 = arith.constant 0 : i32
      %dma_wait3A_144 = tpu.memref_slice %arg2[%add3A, %dma_wait3A, %dma_wait3A_143] : memref<32x79x128xi32, #tpu.memory_space<hbm>> -> memref<1x79x128xi32, #tpu.memory_space<hbm>>
      %dma_wait3A_145 = tpu.memref_squeeze %dma_wait3A_144 : memref<1x79x128xi32, #tpu.memory_space<hbm>> -> memref<79x128xi32, #tpu.memory_space<hbm>>
      %dma_wait3A_146 = arith.constant 0 : i32
      %dma_wait3A_147 = arith.constant 0 : i32
      %dma_wait3A_148 = tpu.memref_slice %arg2[%add3A, %dma_wait3A_146, %dma_wait3A_147] : memref<32x79x128xi32, #tpu.memory_space<hbm>> -> memref<1x79x128xi32, #tpu.memory_space<hbm>>
      %dma_wait3A_149 = tpu.memref_squeeze %dma_wait3A_148 : memref<1x79x128xi32, #tpu.memory_space<hbm>> -> memref<79x128xi32, #tpu.memory_space<hbm>>
      tpu.wait_dma2 semaphore(%run_scoped3A : memref<!tpu.dma_semaphore, #tpu.memory_space<semaphore_mem>>) src(%dma_wait3A_149 : memref<79x128xi32, #tpu.memory_space<hbm>>) dst(%arg4 : memref<79x128xi32, #tpu.memory_space<vmem>>)
      tpu.yield
    }) : () -> ()
    %dma_start3A = arith.constant 0 : i32
    %dma_start3A_56 = arith.constant 0 : i32
    %dma_start3A_57 = tpu.memref_slice %arg4[%dma_start3A, %dma_start3A_56] : memref<79x128xi32, #tpu.memory_space<vmem>> -> memref<1x128xi32, #tpu.memory_space<vmem>>
    %dma_start3A_58 = tpu.memref_squeeze %dma_start3A_57 : memref<1x128xi32, #tpu.memory_space<vmem>> -> memref<128xi32, #tpu.memory_space<vmem>>
    %dma_start3A_59 = arith.constant 0 : i32
    %dma_start3A_60 = arith.constant 0 : i32
    %dma_start3A_61 = tpu.memref_slice %arg6[%dma_start3A_59, %dma_start3A_60] : memref<10112x128xf32, #tpu.memory_space<vmem_shared>> -> memref<10112x128xf32, #tpu.memory_space<vmem_shared>>
    tpu.enqueue_indirect_dma source(%arg5 : memref<128x128xf32, #tpu.memory_space<vmem>>) target(%dma_start3A_61 : memref<10112x128xf32, #tpu.memory_space<vmem_shared>>) offsets(%dma_start3A_58 : memref<128xi32, #tpu.memory_space<vmem>>) semaphore(%arg7 : memref<!tpu.dma_semaphore, #tpu.memory_space<semaphore_mem>>) {add = true}
    %dma_start3A_62 = arith.constant 1 : i32
    %dma_start3A_63 = arith.constant 0 : i32
    %dma_start3A_64 = tpu.memref_slice %arg4[%dma_start3A_62, %dma_start3A_63] : memref<79x128xi32, #tpu.memory_space<vmem>> -> memref<1x128xi32, #tpu.memory_space<vmem>>
    %dma_start3A_65 = tpu.memref_squeeze %dma_start3A_64 : memref<1x128xi32, #tpu.memory_space<vmem>> -> memref<128xi32, #tpu.memory_space<vmem>>
    %dma_start3A_66 = arith.constant 0 : i32
    %dma_start3A_67 = arith.constant 0 : i32
    %dma_start3A_68 = tpu.memref_slice %arg6[%dma_start3A_66, %dma_start3A_67] : memref<10112x128xf32, #tpu.memory_space<vmem_shared>> -> memref<10112x128xf32, #tpu.memory_space<vmem_shared>>
    tpu.enqueue_indirect_dma source(%arg5 : memref<128x128xf32, #tpu.memory_space<vmem>>) target(%dma_start3A_68 : memref<10112x128xf32, #tpu.memory_space<vmem_shared>>) offsets(%dma_start3A_65 : memref<128xi32, #tpu.memory_space<vmem>>) semaphore(%arg7 : memref<!tpu.dma_semaphore, #tpu.memory_space<semaphore_mem>>) {add = true}
    %dma_start3A_69 = arith.constant 2 : i32
    %dma_start3A_70 = arith.constant 0 : i32
    %dma_start3A_71 = tpu.memref_slice %arg4[%dma_start3A_69, %dma_start3A_70] : memref<79x128xi32, #tpu.memory_space<vmem>> -> memref<1x128xi32, #tpu.memory_space<vmem>>
    %dma_start3A_72 = tpu.memref_squeeze %dma_start3A_71 : memref<1x128xi32, #tpu.memory_space<vmem>> -> memref<128xi32, #tpu.memory_space<vmem>>
    %dma_start3A_73 = arith.constant 0 : i32
    %dma_start3A_74 = arith.constant 0 : i32
    %dma_start3A_75 = tpu.memref_slice %arg6[%dma_start3A_73, %dma_start3A_74] : memref<10112x128xf32, #tpu.memory_space<vmem_shared>> -> memref<10112x128xf32, #tpu.memory_space<vmem_shared>>
    tpu.enqueue_indirect_dma source(%arg5 : memref<128x128xf32, #tpu.memory_space<vmem>>) target(%dma_start3A_75 : memref<10112x128xf32, #tpu.memory_space<vmem_shared>>) offsets(%dma_start3A_72 : memref<128xi32, #tpu.memory_space<vmem>>) semaphore(%arg7 : memref<!tpu.dma_semaphore, #tpu.memory_space<semaphore_mem>>) {add = true}
    %dma_start3A_76 = arith.constant 3 : i32
    %dma_start3A_77 = arith.constant 0 : i32
    %dma_start3A_78 = tpu.memref_slice %arg4[%dma_start3A_76, %dma_start3A_77] : memref<79x128xi32, #tpu.memory_space<vmem>> -> memref<1x128xi32, #tpu.memory_space<vmem>>
    %dma_start3A_79 = tpu.memref_squeeze %dma_start3A_78 : memref<1x128xi32, #tpu.memory_space<vmem>> -> memref<128xi32, #tpu.memory_space<vmem>>
    %dma_start3A_80 = arith.constant 0 : i32
    %dma_start3A_81 = arith.constant 0 : i32
    %dma_start3A_82 = tpu.memref_slice %arg6[%dma_start3A_80, %dma_start3A_81] : memref<10112x128xf32, #tpu.memory_space<vmem_shared>> -> memref<10112x128xf32, #tpu.memory_space<vmem_shared>>
    tpu.enqueue_indirect_dma source(%arg5 : memref<128x128xf32, #tpu.memory_space<vmem>>) target(%dma_start3A_82 : memref<10112x128xf32, #tpu.memory_space<vmem_shared>>) offsets(%dma_start3A_79 : memref<128xi32, #tpu.memory_space<vmem>>) semaphore(%arg7 : memref<!tpu.dma_semaphore, #tpu.memory_space<semaphore_mem>>) {add = true}
    %dma_start3A_83 = arith.constant 4 : i32
    %dma_start3A_84 = arith.constant 0 : i32
    %dma_start3A_85 = tpu.memref_slice %arg4[%dma_start3A_83, %dma_start3A_84] : memref<79x128xi32, #tpu.memory_space<vmem>> -> memref<1x128xi32, #tpu.memory_space<vmem>>
    %dma_start3A_86 = tpu.memref_squeeze %dma_start3A_85 : memref<1x128xi32, #tpu.memory_space<vmem>> -> memref<128xi32, #tpu.memory_space<vmem>>
    %dma_start3A_87 = arith.constant 0 : i32
    %dma_start3A_88 = arith.constant 0 : i32
    %dma_start3A_89 = tpu.memref_slice %arg6[%dma_start3A_87, %dma_start3A_88] : memref<10112x128xf32, #tpu.memory_space<vmem_shared>> -> memref<10112x128xf32, #tpu.memory_space<vmem_shared>>
    tpu.enqueue_indirect_dma source(%arg5 : memref<128x128xf32, #tpu.memory_space<vmem>>) target(%dma_start3A_89 : memref<10112x128xf32, #tpu.memory_space<vmem_shared>>) offsets(%dma_start3A_86 : memref<128xi32, #tpu.memory_space<vmem>>) semaphore(%arg7 : memref<!tpu.dma_semaphore, #tpu.memory_space<semaphore_mem>>) {add = true}
    %dma_start3A_90 = arith.constant 5 : i32
    %dma_start3A_91 = arith.constant 0 : i32
    %dma_start3A_92 = tpu.memref_slice %arg4[%dma_start3A_90, %dma_start3A_91] : memref<79x128xi32, #tpu.memory_space<vmem>> -> memref<1x128xi32, #tpu.memory_space<vmem>>
    %dma_start3A_93 = tpu.memref_squeeze %dma_start3A_92 : memref<1x128xi32, #tpu.memory_space<vmem>> -> memref<128xi32, #tpu.memory_space<vmem>>
    %dma_start3A_94 = arith.constant 0 : i32
    %dma_start3A_95 = arith.constant 0 : i32
    %dma_start3A_96 = tpu.memref_slice %arg6[%dma_start3A_94, %dma_start3A_95] : memref<10112x128xf32, #tpu.memory_space<vmem_shared>> -> memref<10112x128xf32, #tpu.memory_space<vmem_shared>>
    tpu.enqueue_indirect_dma source(%arg5 : memref<128x128xf32, #tpu.memory_space<vmem>>) target(%dma_start3A_96 : memref<10112x128xf32, #tpu.memory_space<vmem_shared>>) offsets(%dma_start3A_93 : memref<128xi32, #tpu.memory_space<vmem>>) semaphore(%arg7 : memref<!tpu.dma_semaphore, #tpu.memory_space<semaphore_mem>>) {add = true}
    %dma_start3A_97 = arith.constant 6 : i32
    %dma_start3A_98 = arith.constant 0 : i32
    %dma_start3A_99 = tpu.memref_slice %arg4[%dma_start3A_97, %dma_start3A_98] : memref<79x128xi32, #tpu.memory_space<vmem>> -> memref<1x128xi32, #tpu.memory_space<vmem>>
    %dma_start3A_100 = tpu.memref_squeeze %dma_start3A_99 : memref<1x128xi32, #tpu.memory_space<vmem>> -> memref<128xi32, #tpu.memory_space<vmem>>
    %dma_start3A_101 = arith.constant 0 : i32
    %dma_start3A_102 = arith.constant 0 : i32
    %dma_start3A_103 = tpu.memref_slice %arg6[%dma_start3A_101, %dma_start3A_102] : memref<10112x128xf32, #tpu.memory_space<vmem_shared>> -> memref<10112x128xf32, #tpu.memory_space<vmem_shared>>
    tpu.enqueue_indirect_dma source(%arg5 : memref<128x128xf32, #tpu.memory_space<vmem>>) target(%dma_start3A_103 : memref<10112x128xf32, #tpu.memory_space<vmem_shared>>) offsets(%dma_start3A_100 : memref<128xi32, #tpu.memory_space<vmem>>) semaphore(%arg7 : memref<!tpu.dma_semaphore, #tpu.memory_space<semaphore_mem>>) {add = true}
    %dma_start3A_104 = arith.constant 7 : i32
    %dma_start3A_105 = arith.constant 0 : i32
    %dma_start3A_106 = tpu.memref_slice %arg4[%dma_start3A_104, %dma_start3A_105] : memref<79x128xi32, #tpu.memory_space<vmem>> -> memref<1x128xi32, #tpu.memory_space<vmem>>
    %dma_start3A_107 = tpu.memref_squeeze %dma_start3A_106 : memref<1x128xi32, #tpu.memory_space<vmem>> -> memref<128xi32, #tpu.memory_space<vmem>>
    %dma_start3A_108 = arith.constant 0 : i32
    %dma_start3A_109 = arith.constant 0 : i32
    %dma_start3A_110 = tpu.memref_slice %arg6[%dma_start3A_108, %dma_start3A_109] : memref<10112x128xf32, #tpu.memory_space<vmem_shared>> -> memref<10112x128xf32, #tpu.memory_space<vmem_shared>>
    tpu.enqueue_indirect_dma source(%arg5 : memref<128x128xf32, #tpu.memory_space<vmem>>) target(%dma_start3A_110 : memref<10112x128xf32, #tpu.memory_space<vmem_shared>>) offsets(%dma_start3A_107 : memref<128xi32, #tpu.memory_space<vmem>>) semaphore(%arg7 : memref<!tpu.dma_semaphore, #tpu.memory_space<semaphore_mem>>) {add = true}
    %scan3A_111 = arith.constant 0 : i32
    %scan3A_112 = arith.constant 8 : i32
    %scan3A_113 = arith.constant 71 : i32
    %scan3A_114 = arith.addi %scan3A_112, %scan3A_113 : i32
    %scan3A_115 = arith.constant 1 : i32
    %scan3A_116 = scf.for %scan3A_135 = %scan3A_112 to %scan3A_114 step %scan3A_115 iter_args(%scan3A_136 = %scan3A_111) -> (i32)  : i32 {
      %dma_wait3A = arith.constant 0 : i32
      %dma_wait3A_137 = arith.constant 0 : i32
      %dma_wait3A_138 = tpu.memref_slice %arg4[%dma_wait3A, %dma_wait3A_137] : memref<79x128xi32, #tpu.memory_space<vmem>> -> memref<1x128xi32, #tpu.memory_space<vmem>>
      %dma_wait3A_139 = tpu.memref_squeeze %dma_wait3A_138 : memref<1x128xi32, #tpu.memory_space<vmem>> -> memref<128xi32, #tpu.memory_space<vmem>>
      %dma_wait3A_140 = arith.constant 0 : i32
      %dma_wait3A_141 = arith.constant 0 : i32
      %dma_wait3A_142 = tpu.memref_slice %arg6[%dma_wait3A_140, %dma_wait3A_141] : memref<10112x128xf32, #tpu.memory_space<vmem_shared>> -> memref<10112x128xf32, #tpu.memory_space<vmem_shared>>
      tpu.wait_indirect_dma semaphore(%arg7 : memref<!tpu.dma_semaphore, #tpu.memory_space<semaphore_mem>>) src(%arg5 : memref<128x128xf32, #tpu.memory_space<vmem>>) dst(%dma_wait3A_142 : memref<10112x128xf32, #tpu.memory_space<vmem_shared>>)
      %dma_start3A_143 = arith.constant 0 : i32
      %dma_start3A_144 = tpu.memref_slice %arg4[%scan3A_135, %dma_start3A_143] : memref<79x128xi32, #tpu.memory_space<vmem>> -> memref<1x128xi32, #tpu.memory_space<vmem>>
      %dma_start3A_145 = tpu.memref_squeeze %dma_start3A_144 : memref<1x128xi32, #tpu.memory_space<vmem>> -> memref<128xi32, #tpu.memory_space<vmem>>
      %dma_start3A_146 = arith.constant 0 : i32
      %dma_start3A_147 = arith.constant 0 : i32
      %dma_start3A_148 = tpu.memref_slice %arg6[%dma_start3A_146, %dma_start3A_147] : memref<10112x128xf32, #tpu.memory_space<vmem_shared>> -> memref<10112x128xf32, #tpu.memory_space<vmem_shared>>
      tpu.enqueue_indirect_dma source(%arg5 : memref<128x128xf32, #tpu.memory_space<vmem>>) target(%dma_start3A_148 : memref<10112x128xf32, #tpu.memory_space<vmem_shared>>) offsets(%dma_start3A_145 : memref<128xi32, #tpu.memory_space<vmem>>) semaphore(%arg7 : memref<!tpu.dma_semaphore, #tpu.memory_space<semaphore_mem>>) {add = true}
      %scan3A_149 = arith.constant 0 : i32
      scf.yield %scan3A_149 : i32
    }
    %scan3A_117 = arith.constant 71 : i32
    %scan3A_118 = arith.constant 0 : i32
    %scan3A_119 = arith.constant 0 : i32
    %scan3A_120 = arith.constant 8 : i32
    %scan3A_121 = arith.addi %scan3A_119, %scan3A_120 : i32
    %scan3A_122 = arith.constant 1 : i32
    %scan3A_123 = scf.for %scan3A_135 = %scan3A_119 to %scan3A_121 step %scan3A_122 iter_args(%scan3A_136 = %scan3A_118) -> (i32)  : i32 {
      %dma_wait3A = arith.constant 0 : i32
      %dma_wait3A_137 = arith.constant 0 : i32
      %dma_wait3A_138 = tpu.memref_slice %arg4[%dma_wait3A, %dma_wait3A_137] : memref<79x128xi32, #tpu.memory_space<vmem>> -> memref<1x128xi32, #tpu.memory_space<vmem>>
      %dma_wait3A_139 = tpu.memref_squeeze %dma_wait3A_138 : memref<1x128xi32, #tpu.memory_space<vmem>> -> memref<128xi32, #tpu.memory_space<vmem>>
      %dma_wait3A_140 = arith.constant 0 : i32
      %dma_wait3A_141 = arith.constant 0 : i32
      %dma_wait3A_142 = tpu.memref_slice %arg6[%dma_wait3A_140, %dma_wait3A_141] : memref<10112x128xf32, #tpu.memory_space<vmem_shared>> -> memref<10112x128xf32, #tpu.memory_space<vmem_shared>>
      tpu.wait_indirect_dma semaphore(%arg7 : memref<!tpu.dma_semaphore, #tpu.memory_space<semaphore_mem>>) src(%arg5 : memref<128x128xf32, #tpu.memory_space<vmem>>) dst(%dma_wait3A_142 : memref<10112x128xf32, #tpu.memory_space<vmem_shared>>)
      %scan3A_143 = arith.constant 0 : i32
      scf.yield %scan3A_143 : i32
    }
    %scan3A_124 = arith.constant 8 : i32
    %barrier3A_125 = arith.constant 0 : index
    tpu.barrier barrier_id(%barrier3A_125)
    %lt3A_126 = arith.constant 15 : i32
    %lt3A_127 = arith.cmpi slt, %arg1, %lt3A_126 : i32
    %convert_element_type3A_128 = arith.extui %lt3A_127 : i1 to i32
    %cond3A_129 = arith.constant 0 : i32
    %cond3A_130 = arith.cmpi ne, %convert_element_type3A_128, %cond3A_129 : i32
    scf.if %cond3A_130 {
      %mul3A_135 = arith.constant 632 : i32
      %mul3A_136 = arith.muli %arg1, %mul3A_135 : i32
      %mul3A_137 = arith.constant 632 : i32
      %mul3A_138 = arith.muli %arg1, %mul3A_137 : i32
      "tpu.region"() ({
        %run_scoped3A = tpu.sem_alloc : memref<!tpu.dma_semaphore, #tpu.memory_space<semaphore_mem>>
        %dma_start3A_139 = arith.constant 0 : i32
        %dma_start3A_140 = tpu.memref_slice %arg3[%arg0, %mul3A_138, %dma_start3A_139] : memref<2x10000x128xf32, #tpu.memory_space<hbm>> -> memref<1x632x128xf32, #tpu.memory_space<hbm>>
        %dma_start3A_141 = tpu.memref_squeeze %dma_start3A_140 : memref<1x632x128xf32, #tpu.memory_space<hbm>> -> memref<632x128xf32, #tpu.memory_space<hbm>>
        %dma_start3A_142 = arith.constant 0 : i32
        %dma_start3A_143 = tpu.memref_slice %arg6[%mul3A_136, %dma_start3A_142] : memref<10112x128xf32, #tpu.memory_space<vmem_shared>> -> memref<632x128xf32, #tpu.memory_space<vmem_shared>>
        tpu.enqueue_dma source(%dma_start3A_143 : memref<632x128xf32, #tpu.memory_space<vmem_shared>>) target(%dma_start3A_141 : memref<632x128xf32, #tpu.memory_space<hbm>>) target_semaphore(%run_scoped3A : memref<!tpu.dma_semaphore, #tpu.memory_space<semaphore_mem>>)
        %dma_wait3A = arith.constant 0 : i32
        %dma_wait3A_144 = tpu.memref_slice %arg3[%arg0, %mul3A_138, %dma_wait3A] : memref<2x10000x128xf32, #tpu.memory_space<hbm>> -> memref<1x632x128xf32, #tpu.memory_space<hbm>>
        %dma_wait3A_145 = tpu.memref_squeeze %dma_wait3A_144 : memref<1x632x128xf32, #tpu.memory_space<hbm>> -> memref<632x128xf32, #tpu.memory_space<hbm>>
        %dma_wait3A_146 = arith.constant 0 : i32
        %dma_wait3A_147 = tpu.memref_slice %arg6[%mul3A_136, %dma_wait3A_146] : memref<10112x128xf32, #tpu.memory_space<vmem_shared>> -> memref<632x128xf32, #tpu.memory_space<vmem_shared>>
        tpu.wait_dma2 semaphore(%run_scoped3A : memref<!tpu.dma_semaphore, #tpu.memory_space<semaphore_mem>>) src(%dma_wait3A_147 : memref<632x128xf32, #tpu.memory_space<vmem_shared>>) dst(%dma_wait3A_145 : memref<632x128xf32, #tpu.memory_space<hbm>>)
        tpu.yield
      }) : () -> ()
    } else {
    }
    %eq3A = arith.constant 15 : i32
    %eq3A_131 = arith.cmpi eq, %arg1, %eq3A : i32
    %convert_element_type3A_132 = arith.extui %eq3A_131 : i1 to i32
    %cond3A_133 = arith.constant 0 : i32
    %cond3A_134 = arith.cmpi ne, %convert_element_type3A_132, %cond3A_133 : i32
    scf.if %cond3A_134 {
      "tpu.region"() ({
        %run_scoped3A = tpu.sem_alloc : memref<!tpu.dma_semaphore, #tpu.memory_space<semaphore_mem>>
        %dma_start3A_135 = arith.constant 9480 : i32
        %dma_start3A_136 = arith.constant 0 : i32
        %dma_start3A_137 = tpu.memref_slice %arg3[%arg0, %dma_start3A_135, %dma_start3A_136] : memref<2x10000x128xf32, #tpu.memory_space<hbm>> -> memref<1x520x128xf32, #tpu.memory_space<hbm>>
        %dma_start3A_138 = tpu.memref_squeeze %dma_start3A_137 : memref<1x520x128xf32, #tpu.memory_space<hbm>> -> memref<520x128xf32, #tpu.memory_space<hbm>>
        %dma_start3A_139 = arith.constant 9480 : i32
        %dma_start3A_140 = arith.constant 0 : i32
        %dma_start3A_141 = tpu.memref_slice %arg6[%dma_start3A_139, %dma_start3A_140] : memref<10112x128xf32, #tpu.memory_space<vmem_shared>> -> memref<520x128xf32, #tpu.memory_space<vmem_shared>>
        tpu.enqueue_dma source(%dma_start3A_141 : memref<520x128xf32, #tpu.memory_space<vmem_shared>>) target(%dma_start3A_138 : memref<520x128xf32, #tpu.memory_space<hbm>>) target_semaphore(%run_scoped3A : memref<!tpu.dma_semaphore, #tpu.memory_space<semaphore_mem>>)
        %dma_wait3A = arith.constant 9480 : i32
        %dma_wait3A_142 = arith.constant 0 : i32
        %dma_wait3A_143 = tpu.memref_slice %arg3[%arg0, %dma_wait3A, %dma_wait3A_142] : memref<2x10000x128xf32, #tpu.memory_space<hbm>> -> memref<1x520x128xf32, #tpu.memory_space<hbm>>
        %dma_wait3A_144 = tpu.memref_squeeze %dma_wait3A_143 : memref<1x520x128xf32, #tpu.memory_space<hbm>> -> memref<520x128xf32, #tpu.memory_space<hbm>>
        %dma_wait3A_145 = arith.constant 9480 : i32
        %dma_wait3A_146 = arith.constant 0 : i32
        %dma_wait3A_147 = tpu.memref_slice %arg6[%dma_wait3A_145, %dma_wait3A_146] : memref<10112x128xf32, #tpu.memory_space<vmem_shared>> -> memref<520x128xf32, #tpu.memory_space<vmem_shared>>
        tpu.wait_dma2 semaphore(%run_scoped3A : memref<!tpu.dma_semaphore, #tpu.memory_space<semaphore_mem>>) src(%dma_wait3A_147 : memref<520x128xf32, #tpu.memory_space<vmem_shared>>) dst(%dma_wait3A_144 : memref<520x128xf32, #tpu.memory_space<hbm>>)
        tpu.yield
      }) : () -> ()
    } else {
    }
    return
  }
}

#map = affine_map<(d0, d1) -> (0, 0, 0)>
#map1 = affine_map<(d0, d1) -> (0, 0)>
module attributes {stable_mosaic.version = 14 : i64} {
  func.func @scatter_kernel(%arg0: i32, %arg1: i32, %arg2: memref<32x79x128xi32, #tpu.memory_space<hbm>>, %arg3: memref<32x79x128xi32, #tpu.memory_space<hbm>>, %arg4: memref<10000x128xf32, #tpu.memory_space<hbm>>, %arg5: memref<2x10000x128xf32, #tpu.memory_space<hbm>>, %arg6: memref<79x128xi32, #tpu.memory_space<vmem>>, %arg7: memref<79x128xi32, #tpu.memory_space<vmem>>, %arg8: memref<128x128xf32, #tpu.memory_space<vmem>>, %arg9: memref<10112x128xf32, #tpu.memory_space<vmem_shared>>, %arg10: memref<!tpu.dma_semaphore, #tpu.memory_space<semaphore_mem>>) attributes {dimension_semantics = [#tpu.dimension_semantics<core_parallel>, #tpu.dimension_semantics<subcore_parallel>], iteration_bounds = array<i64: 2, 16>, scalar_prefetch = 0 : i64, scratch_operands = 5 : i64, tpu.core_type = #tpu.core_type<sc_vector_subcore>, window_params = [{transform_indices = #map}, {transform_indices = #map}, {transform_indices = #map1}, {transform_indices = #map}]} {
    %mul3A = arith.constant 2 : i32
    %mul3A_0 = arith.muli %arg1, %mul3A : i32
    %add3A = arith.addi %mul3A_0, %arg0 : i32
    %scan3A = arith.constant 0 : i32
    %scan3A_1 = arith.constant 0 : i32
    %scan3A_2 = arith.constant 1024 : i32
    %scan3A_3 = arith.addi %scan3A_1, %scan3A_2 : i32
    %scan3A_4 = arith.constant 1 : i32
    %scan3A_5 = scf.for %scan3A_66 = %scan3A_1 to %scan3A_3 step %scan3A_4 iter_args(%scan3A_67 = %scan3A) -> (i32)  : i32 {
      %broadcast_in_dim3A = arith.constant 0.000000e+00 : f32
      %broadcast_in_dim3A_68 = vector.broadcast %broadcast_in_dim3A : f32 to vector<16xf32>
      %jit3A = arith.constant 8 : i32
      %div3A = arith.divsi %scan3A_66, %jit3A : i32
      %sign3A = arith.constant 0 : i32
      %sign3A_69 = arith.cmpi sgt, %scan3A_66, %sign3A : i32
      %sign3A_70 = arith.extui %sign3A_69 : i1 to i32
      %sign3A_71 = arith.constant 0 : i32
      %sign3A_72 = arith.cmpi slt, %scan3A_66, %sign3A_71 : i32
      %sign3A_73 = arith.extui %sign3A_72 : i1 to i32
      %sign3A_74 = arith.subi %sign3A_70, %sign3A_73 : i32
      %sign3A_75 = arith.constant 0 : i32
      %sign3A_76 = arith.cmpi sgt, %jit3A, %sign3A_75 : i32
      %sign3A_77 = arith.extui %sign3A_76 : i1 to i32
      %sign3A_78 = arith.constant 0 : i32
      %sign3A_79 = arith.cmpi slt, %jit3A, %sign3A_78 : i32
      %sign3A_80 = arith.extui %sign3A_79 : i1 to i32
      %sign3A_81 = arith.subi %sign3A_77, %sign3A_80 : i32
      %ne3A = arith.cmpi ne, %sign3A_74, %sign3A_81 : i32
      %rem3A = arith.remsi %scan3A_66, %jit3A : i32
      %ne3A_82 = arith.constant 0 : i32
      %ne3A_83 = arith.cmpi ne, %rem3A, %ne3A_82 : i32
      %and3A = arith.andi %ne3A, %ne3A_83 : i1
      %sub3A = arith.constant 1 : i32
      %sub3A_84 = arith.subi %div3A, %sub3A : i32
      %select_n3A = arith.select %and3A, %sub3A_84, %div3A : i32
      %jit3A_85 = arith.constant 8 : i32
      %eq3A_86 = arith.constant 0 : i32
      %eq3A_87 = arith.cmpi eq, %jit3A_85, %eq3A_86 : i32
      %jit3A_88 = arith.constant 1 : i32
      %select_n3A_89 = arith.select %eq3A_87, %jit3A_88, %jit3A_85 : i32
      %rem3A_90 = arith.remsi %scan3A_66, %select_n3A_89 : i32
      %ne3A_91 = arith.constant 0 : i32
      %ne3A_92 = arith.cmpi ne, %rem3A_90, %ne3A_91 : i32
      %lt3A_93 = arith.constant 0 : i32
      %lt3A_94 = arith.cmpi slt, %rem3A_90, %lt3A_93 : i32
      %lt3A_95 = arith.constant 0 : i32
      %lt3A_96 = arith.cmpi slt, %select_n3A_89, %lt3A_95 : i32
      %ne3A_97 = arith.xori %lt3A_94, %lt3A_96 : i1
      %and3A_98 = arith.andi %ne3A_97, %ne3A_92 : i1
      %add3A_99 = arith.addi %rem3A_90, %select_n3A_89 : i32
      %select_n3A_100 = arith.select %and3A_98, %add3A_99, %rem3A_90 : i32
      %mul3A_101 = arith.constant 16 : i32
      %mul3A_102 = arith.muli %select_n3A_100, %mul3A_101 : i32
      %swap3A = arith.index_cast %select_n3A : i32 to index
      %swap3A_103 = arith.index_cast %mul3A_102 : i32 to index
      %swap3A_104 = tpu.vector_load %arg8[%swap3A, %swap3A_103] {strides = array<i32>} : memref<128x128xf32, #tpu.memory_space<vmem>>, vector<1x16xf32>,
      %swap3A_105 = vector.shape_cast %swap3A_104 : vector<1x16xf32> to vector<16xf32>
      %swap3A_106 = vector.shape_cast %broadcast_in_dim3A_68 : vector<16xf32> to vector<1x16xf32>
      tpu.vector_store %arg8[%swap3A, %swap3A_103], %swap3A_106 {strides = array<i32>} : memref<128x128xf32, #tpu.memory_space<vmem>>, vector<1x16xf32>,
      %scan3A_107 = arith.constant 0 : i32
      scf.yield %scan3A_107 : i32
    }
    %scan3A_6 = arith.constant 1024 : i32
    %mul3A_7 = arith.constant 5 : i32
    %mul3A_8 = arith.muli %arg1, %mul3A_7 : i32
    %add3A_9 = arith.constant 0 : i32
    %add3A_10 = arith.addi %mul3A_8, %add3A_9 : i32
    %lt3A = arith.constant 79 : i32
    %lt3A_11 = arith.cmpi slt, %add3A_10, %lt3A : i32
    %convert_element_type3A = arith.extui %lt3A_11 : i1 to i32
    %cond3A = arith.constant 0 : i32
    %cond3A_12 = arith.cmpi ne, %convert_element_type3A, %cond3A : i32
    scf.if %cond3A_12 {
      %mul3A_66 = arith.constant 128 : i32
      %mul3A_67 = arith.muli %add3A_10, %mul3A_66 : i32
      "tpu.region"() ({
        %run_scoped3A = tpu.sem_alloc : memref<!tpu.dma_semaphore, #tpu.memory_space<semaphore_mem>>
        %dma_start3A = arith.constant 0 : i32
        %dma_start3A_68 = tpu.memref_slice %arg9[%mul3A_67, %dma_start3A] : memref<10112x128xf32, #tpu.memory_space<vmem_shared>> -> memref<128x128xf32, #tpu.memory_space<vmem_shared>>
        %dma_start3A_69 = arith.constant 0 : i32
        %dma_start3A_70 = tpu.memref_slice %arg9[%mul3A_67, %dma_start3A_69] : memref<10112x128xf32, #tpu.memory_space<vmem_shared>> -> memref<128x128xf32, #tpu.memory_space<vmem_shared>>
        tpu.enqueue_dma source(%arg8 : memref<128x128xf32, #tpu.memory_space<vmem>>) target(%dma_start3A_70 : memref<128x128xf32, #tpu.memory_space<vmem_shared>>) target_semaphore(%run_scoped3A : memref<!tpu.dma_semaphore, #tpu.memory_space<semaphore_mem>>)
        %dma_wait3A = arith.constant 0 : i32
        %dma_wait3A_71 = tpu.memref_slice %arg9[%mul3A_67, %dma_wait3A] : memref<10112x128xf32, #tpu.memory_space<vmem_shared>> -> memref<128x128xf32, #tpu.memory_space<vmem_shared>>
        %dma_wait3A_72 = arith.constant 0 : i32
        %dma_wait3A_73 = tpu.memref_slice %arg9[%mul3A_67, %dma_wait3A_72] : memref<10112x128xf32, #tpu.memory_space<vmem_shared>> -> memref<128x128xf32, #tpu.memory_space<vmem_shared>>
        tpu.wait_dma2 semaphore(%run_scoped3A : memref<!tpu.dma_semaphore, #tpu.memory_space<semaphore_mem>>) src(%arg8 : memref<128x128xf32, #tpu.memory_space<vmem>>) dst(%dma_wait3A_73 : memref<128x128xf32, #tpu.memory_space<vmem_shared>>)
        tpu.yield
      }) : () -> ()
    } else {
    }
    %mul3A_13 = arith.constant 5 : i32
    %mul3A_14 = arith.muli %arg1, %mul3A_13 : i32
    %add3A_15 = arith.constant 1 : i32
    %add3A_16 = arith.addi %mul3A_14, %add3A_15 : i32
    %lt3A_17 = arith.constant 79 : i32
    %lt3A_18 = arith.cmpi slt, %add3A_16, %lt3A_17 : i32
    %convert_element_type3A_19 = arith.extui %lt3A_18 : i1 to i32
    %cond3A_20 = arith.constant 0 : i32
    %cond3A_21 = arith.cmpi ne, %convert_element_type3A_19, %cond3A_20 : i32
    scf.if %cond3A_21 {
      %mul3A_66 = arith.constant 128 : i32
      %mul3A_67 = arith.muli %add3A_16, %mul3A_66 : i32
      "tpu.region"() ({
        %run_scoped3A = tpu.sem_alloc : memref<!tpu.dma_semaphore, #tpu.memory_space<semaphore_mem>>
        %dma_start3A = arith.constant 0 : i32
        %dma_start3A_68 = tpu.memref_slice %arg9[%mul3A_67, %dma_start3A] : memref<10112x128xf32, #tpu.memory_space<vmem_shared>> -> memref<128x128xf32, #tpu.memory_space<vmem_shared>>
        %dma_start3A_69 = arith.constant 0 : i32
        %dma_start3A_70 = tpu.memref_slice %arg9[%mul3A_67, %dma_start3A_69] : memref<10112x128xf32, #tpu.memory_space<vmem_shared>> -> memref<128x128xf32, #tpu.memory_space<vmem_shared>>
        tpu.enqueue_dma source(%arg8 : memref<128x128xf32, #tpu.memory_space<vmem>>) target(%dma_start3A_70 : memref<128x128xf32, #tpu.memory_space<vmem_shared>>) target_semaphore(%run_scoped3A : memref<!tpu.dma_semaphore, #tpu.memory_space<semaphore_mem>>)
        %dma_wait3A = arith.constant 0 : i32
        %dma_wait3A_71 = tpu.memref_slice %arg9[%mul3A_67, %dma_wait3A] : memref<10112x128xf32, #tpu.memory_space<vmem_shared>> -> memref<128x128xf32, #tpu.memory_space<vmem_shared>>
        %dma_wait3A_72 = arith.constant 0 : i32
        %dma_wait3A_73 = tpu.memref_slice %arg9[%mul3A_67, %dma_wait3A_72] : memref<10112x128xf32, #tpu.memory_space<vmem_shared>> -> memref<128x128xf32, #tpu.memory_space<vmem_shared>>
        tpu.wait_dma2 semaphore(%run_scoped3A : memref<!tpu.dma_semaphore, #tpu.memory_space<semaphore_mem>>) src(%arg8 : memref<128x128xf32, #tpu.memory_space<vmem>>) dst(%dma_wait3A_73 : memref<128x128xf32, #tpu.memory_space<vmem_shared>>)
        tpu.yield
      }) : () -> ()
    } else {
    }
    %mul3A_22 = arith.constant 5 : i32
    %mul3A_23 = arith.muli %arg1, %mul3A_22 : i32
    %add3A_24 = arith.constant 2 : i32
    %add3A_25 = arith.addi %mul3A_23, %add3A_24 : i32
    %lt3A_26 = arith.constant 79 : i32
    %lt3A_27 = arith.cmpi slt, %add3A_25, %lt3A_26 : i32
    %convert_element_type3A_28 = arith.extui %lt3A_27 : i1 to i32
    %cond3A_29 = arith.constant 0 : i32
    %cond3A_30 = arith.cmpi ne, %convert_element_type3A_28, %cond3A_29 : i32
    scf.if %cond3A_30 {
      %mul3A_66 = arith.constant 128 : i32
      %mul3A_67 = arith.muli %add3A_25, %mul3A_66 : i32
      "tpu.region"() ({
        %run_scoped3A = tpu.sem_alloc : memref<!tpu.dma_semaphore, #tpu.memory_space<semaphore_mem>>
        %dma_start3A = arith.constant 0 : i32
        %dma_start3A_68 = tpu.memref_slice %arg9[%mul3A_67, %dma_start3A] : memref<10112x128xf32, #tpu.memory_space<vmem_shared>> -> memref<128x128xf32, #tpu.memory_space<vmem_shared>>
        %dma_start3A_69 = arith.constant 0 : i32
        %dma_start3A_70 = tpu.memref_slice %arg9[%mul3A_67, %dma_start3A_69] : memref<10112x128xf32, #tpu.memory_space<vmem_shared>> -> memref<128x128xf32, #tpu.memory_space<vmem_shared>>
        tpu.enqueue_dma source(%arg8 : memref<128x128xf32, #tpu.memory_space<vmem>>) target(%dma_start3A_70 : memref<128x128xf32, #tpu.memory_space<vmem_shared>>) target_semaphore(%run_scoped3A : memref<!tpu.dma_semaphore, #tpu.memory_space<semaphore_mem>>)
        %dma_wait3A = arith.constant 0 : i32
        %dma_wait3A_71 = tpu.memref_slice %arg9[%mul3A_67, %dma_wait3A] : memref<10112x128xf32, #tpu.memory_space<vmem_shared>> -> memref<128x128xf32, #tpu.memory_space<vmem_shared>>
        %dma_wait3A_72 = arith.constant 0 : i32
        %dma_wait3A_73 = tpu.memref_slice %arg9[%mul3A_67, %dma_wait3A_72] : memref<10112x128xf32, #tpu.memory_space<vmem_shared>> -> memref<128x128xf32, #tpu.memory_space<vmem_shared>>
        tpu.wait_dma2 semaphore(%run_scoped3A : memref<!tpu.dma_semaphore, #tpu.memory_space<semaphore_mem>>) src(%arg8 : memref<128x128xf32, #tpu.memory_space<vmem>>) dst(%dma_wait3A_73 : memref<128x128xf32, #tpu.memory_space<vmem_shared>>)
        tpu.yield
      }) : () -> ()
    } else {
    }
    %mul3A_31 = arith.constant 5 : i32
    %mul3A_32 = arith.muli %arg1, %mul3A_31 : i32
    %add3A_33 = arith.constant 3 : i32
    %add3A_34 = arith.addi %mul3A_32, %add3A_33 : i32
    %lt3A_35 = arith.constant 79 : i32
    %lt3A_36 = arith.cmpi slt, %add3A_34, %lt3A_35 : i32
    %convert_element_type3A_37 = arith.extui %lt3A_36 : i1 to i32
    %cond3A_38 = arith.constant 0 : i32
    %cond3A_39 = arith.cmpi ne, %convert_element_type3A_37, %cond3A_38 : i32
    scf.if %cond3A_39 {
      %mul3A_66 = arith.constant 128 : i32
      %mul3A_67 = arith.muli %add3A_34, %mul3A_66 : i32
      "tpu.region"() ({
        %run_scoped3A = tpu.sem_alloc : memref<!tpu.dma_semaphore, #tpu.memory_space<semaphore_mem>>
        %dma_start3A = arith.constant 0 : i32
        %dma_start3A_68 = tpu.memref_slice %arg9[%mul3A_67, %dma_start3A] : memref<10112x128xf32, #tpu.memory_space<vmem_shared>> -> memref<128x128xf32, #tpu.memory_space<vmem_shared>>
        %dma_start3A_69 = arith.constant 0 : i32
        %dma_start3A_70 = tpu.memref_slice %arg9[%mul3A_67, %dma_start3A_69] : memref<10112x128xf32, #tpu.memory_space<vmem_shared>> -> memref<128x128xf32, #tpu.memory_space<vmem_shared>>
        tpu.enqueue_dma source(%arg8 : memref<128x128xf32, #tpu.memory_space<vmem>>) target(%dma_start3A_70 : memref<128x128xf32, #tpu.memory_space<vmem_shared>>) target_semaphore(%run_scoped3A : memref<!tpu.dma_semaphore, #tpu.memory_space<semaphore_mem>>)
        %dma_wait3A = arith.constant 0 : i32
        %dma_wait3A_71 = tpu.memref_slice %arg9[%mul3A_67, %dma_wait3A] : memref<10112x128xf32, #tpu.memory_space<vmem_shared>> -> memref<128x128xf32, #tpu.memory_space<vmem_shared>>
        %dma_wait3A_72 = arith.constant 0 : i32
        %dma_wait3A_73 = tpu.memref_slice %arg9[%mul3A_67, %dma_wait3A_72] : memref<10112x128xf32, #tpu.memory_space<vmem_shared>> -> memref<128x128xf32, #tpu.memory_space<vmem_shared>>
        tpu.wait_dma2 semaphore(%run_scoped3A : memref<!tpu.dma_semaphore, #tpu.memory_space<semaphore_mem>>) src(%arg8 : memref<128x128xf32, #tpu.memory_space<vmem>>) dst(%dma_wait3A_73 : memref<128x128xf32, #tpu.memory_space<vmem_shared>>)
        tpu.yield
      }) : () -> ()
    } else {
    }
    %mul3A_40 = arith.constant 5 : i32
    %mul3A_41 = arith.muli %arg1, %mul3A_40 : i32
    %add3A_42 = arith.constant 4 : i32
    %add3A_43 = arith.addi %mul3A_41, %add3A_42 : i32
    %lt3A_44 = arith.constant 79 : i32
    %lt3A_45 = arith.cmpi slt, %add3A_43, %lt3A_44 : i32
    %convert_element_type3A_46 = arith.extui %lt3A_45 : i1 to i32
    %cond3A_47 = arith.constant 0 : i32
    %cond3A_48 = arith.cmpi ne, %convert_element_type3A_46, %cond3A_47 : i32
    scf.if %cond3A_48 {
      %mul3A_66 = arith.constant 128 : i32
      %mul3A_67 = arith.muli %add3A_43, %mul3A_66 : i32
      "tpu.region"() ({
        %run_scoped3A = tpu.sem_alloc : memref<!tpu.dma_semaphore, #tpu.memory_space<semaphore_mem>>
        %dma_start3A = arith.constant 0 : i32
        %dma_start3A_68 = tpu.memref_slice %arg9[%mul3A_67, %dma_start3A] : memref<10112x128xf32, #tpu.memory_space<vmem_shared>> -> memref<128x128xf32, #tpu.memory_space<vmem_shared>>
        %dma_start3A_69 = arith.constant 0 : i32
        %dma_start3A_70 = tpu.memref_slice %arg9[%mul3A_67, %dma_start3A_69] : memref<10112x128xf32, #tpu.memory_space<vmem_shared>> -> memref<128x128xf32, #tpu.memory_space<vmem_shared>>
        tpu.enqueue_dma source(%arg8 : memref<128x128xf32, #tpu.memory_space<vmem>>) target(%dma_start3A_70 : memref<128x128xf32, #tpu.memory_space<vmem_shared>>) target_semaphore(%run_scoped3A : memref<!tpu.dma_semaphore, #tpu.memory_space<semaphore_mem>>)
        %dma_wait3A = arith.constant 0 : i32
        %dma_wait3A_71 = tpu.memref_slice %arg9[%mul3A_67, %dma_wait3A] : memref<10112x128xf32, #tpu.memory_space<vmem_shared>> -> memref<128x128xf32, #tpu.memory_space<vmem_shared>>
        %dma_wait3A_72 = arith.constant 0 : i32
        %dma_wait3A_73 = tpu.memref_slice %arg9[%mul3A_67, %dma_wait3A_72] : memref<10112x128xf32, #tpu.memory_space<vmem_shared>> -> memref<128x128xf32, #tpu.memory_space<vmem_shared>>
        tpu.wait_dma2 semaphore(%run_scoped3A : memref<!tpu.dma_semaphore, #tpu.memory_space<semaphore_mem>>) src(%arg8 : memref<128x128xf32, #tpu.memory_space<vmem>>) dst(%dma_wait3A_73 : memref<128x128xf32, #tpu.memory_space<vmem_shared>>)
        tpu.yield
      }) : () -> ()
    } else {
    }
    %barrier3A = arith.constant 0 : index
    tpu.barrier barrier_id(%barrier3A)
    "tpu.region"() ({
      %run_scoped3A = tpu.sem_alloc : memref<!tpu.dma_semaphore, #tpu.memory_space<semaphore_mem>>
      %dma_start3A = arith.constant 0 : i32
      %dma_start3A_66 = arith.constant 0 : i32
      %dma_start3A_67 = tpu.memref_slice %arg2[%add3A, %dma_start3A, %dma_start3A_66] : memref<32x79x128xi32, #tpu.memory_space<hbm>> -> memref<1x79x128xi32, #tpu.memory_space<hbm>>
      %dma_start3A_68 = tpu.memref_squeeze %dma_start3A_67 : memref<1x79x128xi32, #tpu.memory_space<hbm>> -> memref<79x128xi32, #tpu.memory_space<hbm>>
      %dma_start3A_69 = arith.constant 0 : i32
      %dma_start3A_70 = arith.constant 0 : i32
      %dma_start3A_71 = tpu.memref_slice %arg2[%add3A, %dma_start3A_69, %dma_start3A_70] : memref<32x79x128xi32, #tpu.memory_space<hbm>> -> memref<1x79x128xi32, #tpu.memory_space<hbm>>
      %dma_start3A_72 = tpu.memref_squeeze %dma_start3A_71 : memref<1x79x128xi32, #tpu.memory_space<hbm>> -> memref<79x128xi32, #tpu.memory_space<hbm>>
      tpu.enqueue_dma source(%dma_start3A_72 : memref<79x128xi32, #tpu.memory_space<hbm>>) target(%arg6 : memref<79x128xi32, #tpu.memory_space<vmem>>) target_semaphore(%run_scoped3A : memref<!tpu.dma_semaphore, #tpu.memory_space<semaphore_mem>>)
      %dma_wait3A = arith.constant 0 : i32
      %dma_wait3A_73 = arith.constant 0 : i32
      %dma_wait3A_74 = tpu.memref_slice %arg2[%add3A, %dma_wait3A, %dma_wait3A_73] : memref<32x79x128xi32, #tpu.memory_space<hbm>> -> memref<1x79x128xi32, #tpu.memory_space<hbm>>
      %dma_wait3A_75 = tpu.memref_squeeze %dma_wait3A_74 : memref<1x79x128xi32, #tpu.memory_space<hbm>> -> memref<79x128xi32, #tpu.memory_space<hbm>>
      %dma_wait3A_76 = arith.constant 0 : i32
      %dma_wait3A_77 = arith.constant 0 : i32
      %dma_wait3A_78 = tpu.memref_slice %arg2[%add3A, %dma_wait3A_76, %dma_wait3A_77] : memref<32x79x128xi32, #tpu.memory_space<hbm>> -> memref<1x79x128xi32, #tpu.memory_space<hbm>>
      %dma_wait3A_79 = tpu.memref_squeeze %dma_wait3A_78 : memref<1x79x128xi32, #tpu.memory_space<hbm>> -> memref<79x128xi32, #tpu.memory_space<hbm>>
      tpu.wait_dma2 semaphore(%run_scoped3A : memref<!tpu.dma_semaphore, #tpu.memory_space<semaphore_mem>>) src(%dma_wait3A_79 : memref<79x128xi32, #tpu.memory_space<hbm>>) dst(%arg6 : memref<79x128xi32, #tpu.memory_space<vmem>>)
      tpu.yield
    }) : () -> ()
    "tpu.region"() ({
      %run_scoped3A = tpu.sem_alloc : memref<!tpu.dma_semaphore, #tpu.memory_space<semaphore_mem>>
      %dma_start3A = arith.constant 0 : i32
      %dma_start3A_66 = arith.constant 0 : i32
      %dma_start3A_67 = tpu.memref_slice %arg3[%add3A, %dma_start3A, %dma_start3A_66] : memref<32x79x128xi32, #tpu.memory_space<hbm>> -> memref<1x79x128xi32, #tpu.memory_space<hbm>>
      %dma_start3A_68 = tpu.memref_squeeze %dma_start3A_67 : memref<1x79x128xi32, #tpu.memory_space<hbm>> -> memref<79x128xi32, #tpu.memory_space<hbm>>
      %dma_start3A_69 = arith.constant 0 : i32
      %dma_start3A_70 = arith.constant 0 : i32
      %dma_start3A_71 = tpu.memref_slice %arg3[%add3A, %dma_start3A_69, %dma_start3A_70] : memref<32x79x128xi32, #tpu.memory_space<hbm>> -> memref<1x79x128xi32, #tpu.memory_space<hbm>>
      %dma_start3A_72 = tpu.memref_squeeze %dma_start3A_71 : memref<1x79x128xi32, #tpu.memory_space<hbm>> -> memref<79x128xi32, #tpu.memory_space<hbm>>
      tpu.enqueue_dma source(%dma_start3A_72 : memref<79x128xi32, #tpu.memory_space<hbm>>) target(%arg7 : memref<79x128xi32, #tpu.memory_space<vmem>>) target_semaphore(%run_scoped3A : memref<!tpu.dma_semaphore, #tpu.memory_space<semaphore_mem>>)
      %dma_wait3A = arith.constant 0 : i32
      %dma_wait3A_73 = arith.constant 0 : i32
      %dma_wait3A_74 = tpu.memref_slice %arg3[%add3A, %dma_wait3A, %dma_wait3A_73] : memref<32x79x128xi32, #tpu.memory_space<hbm>> -> memref<1x79x128xi32, #tpu.memory_space<hbm>>
      %dma_wait3A_75 = tpu.memref_squeeze %dma_wait3A_74 : memref<1x79x128xi32, #tpu.memory_space<hbm>> -> memref<79x128xi32, #tpu.memory_space<hbm>>
      %dma_wait3A_76 = arith.constant 0 : i32
      %dma_wait3A_77 = arith.constant 0 : i32
      %dma_wait3A_78 = tpu.memref_slice %arg3[%add3A, %dma_wait3A_76, %dma_wait3A_77] : memref<32x79x128xi32, #tpu.memory_space<hbm>> -> memref<1x79x128xi32, #tpu.memory_space<hbm>>
      %dma_wait3A_79 = tpu.memref_squeeze %dma_wait3A_78 : memref<1x79x128xi32, #tpu.memory_space<hbm>> -> memref<79x128xi32, #tpu.memory_space<hbm>>
      tpu.wait_dma2 semaphore(%run_scoped3A : memref<!tpu.dma_semaphore, #tpu.memory_space<semaphore_mem>>) src(%dma_wait3A_79 : memref<79x128xi32, #tpu.memory_space<hbm>>) dst(%arg7 : memref<79x128xi32, #tpu.memory_space<vmem>>)
      tpu.yield
    }) : () -> ()
    %scan3A_49 = arith.constant 0 : i32
    %scan3A_50 = arith.constant 0 : i32
    %scan3A_51 = arith.constant 79 : i32
    %scan3A_52 = arith.addi %scan3A_50, %scan3A_51 : i32
    %scan3A_53 = arith.constant 1 : i32
    %scan3A_54 = scf.for %scan3A_66 = %scan3A_50 to %scan3A_52 step %scan3A_53 iter_args(%scan3A_67 = %scan3A_49) -> (i32)  : i32 {
      %dma_start3A = arith.constant 0 : i32
      %dma_start3A_68 = tpu.memref_slice %arg6[%scan3A_66, %dma_start3A] : memref<79x128xi32, #tpu.memory_space<vmem>> -> memref<1x128xi32, #tpu.memory_space<vmem>>
      %dma_start3A_69 = tpu.memref_squeeze %dma_start3A_68 : memref<1x128xi32, #tpu.memory_space<vmem>> -> memref<128xi32, #tpu.memory_space<vmem>>
      %dma_start3A_70 = arith.constant 0 : i32
      %dma_start3A_71 = arith.constant 0 : i32
      %dma_start3A_72 = tpu.memref_slice %arg4[%dma_start3A_70, %dma_start3A_71] : memref<10000x128xf32, #tpu.memory_space<hbm>> -> memref<10000x128xf32, #tpu.memory_space<hbm>>
      tpu.enqueue_indirect_dma source(%dma_start3A_72 : memref<10000x128xf32, #tpu.memory_space<hbm>>) target(%arg8 : memref<128x128xf32, #tpu.memory_space<vmem>>) offsets(%dma_start3A_69 : memref<128xi32, #tpu.memory_space<vmem>>) semaphore(%arg10 : memref<!tpu.dma_semaphore, #tpu.memory_space<semaphore_mem>>)
      %dma_wait3A = arith.constant 0 : i32
      %dma_wait3A_73 = tpu.memref_slice %arg6[%scan3A_66, %dma_wait3A] : memref<79x128xi32, #tpu.memory_space<vmem>> -> memref<1x128xi32, #tpu.memory_space<vmem>>
      %dma_wait3A_74 = tpu.memref_squeeze %dma_wait3A_73 : memref<1x128xi32, #tpu.memory_space<vmem>> -> memref<128xi32, #tpu.memory_space<vmem>>
      %dma_wait3A_75 = arith.constant 0 : i32
      %dma_wait3A_76 = arith.constant 0 : i32
      %dma_wait3A_77 = tpu.memref_slice %arg4[%dma_wait3A_75, %dma_wait3A_76] : memref<10000x128xf32, #tpu.memory_space<hbm>> -> memref<10000x128xf32, #tpu.memory_space<hbm>>
      tpu.wait_indirect_dma semaphore(%arg10 : memref<!tpu.dma_semaphore, #tpu.memory_space<semaphore_mem>>) src(%dma_wait3A_77 : memref<10000x128xf32, #tpu.memory_space<hbm>>) dst(%arg8 : memref<128x128xf32, #tpu.memory_space<vmem>>)
      "tpu.region"() ({
        %run_scoped3A = tpu.sem_alloc : memref<!tpu.dma_semaphore, #tpu.memory_space<semaphore_mem>>
        %dma_start3A_79 = arith.constant 0 : i32
        %dma_start3A_80 = tpu.memref_slice %arg7[%scan3A_66, %dma_start3A_79] : memref<79x128xi32, #tpu.memory_space<vmem>> -> memref<1x128xi32, #tpu.memory_space<vmem>>
        %dma_start3A_81 = tpu.memref_squeeze %dma_start3A_80 : memref<1x128xi32, #tpu.memory_space<vmem>> -> memref<128xi32, #tpu.memory_space<vmem>>
        %dma_start3A_82 = arith.constant 0 : i32
        %dma_start3A_83 = arith.constant 0 : i32
        %dma_start3A_84 = tpu.memref_slice %arg9[%dma_start3A_82, %dma_start3A_83] : memref<10112x128xf32, #tpu.memory_space<vmem_shared>> -> memref<10112x128xf32, #tpu.memory_space<vmem_shared>>
        tpu.enqueue_indirect_dma source(%arg8 : memref<128x128xf32, #tpu.memory_space<vmem>>) target(%dma_start3A_84 : memref<10112x128xf32, #tpu.memory_space<vmem_shared>>) offsets(%dma_start3A_81 : memref<128xi32, #tpu.memory_space<vmem>>) semaphore(%run_scoped3A : memref<!tpu.dma_semaphore, #tpu.memory_space<semaphore_mem>>) {add = true}
        %dma_wait3A_85 = arith.constant 0 : i32
        %dma_wait3A_86 = tpu.memref_slice %arg7[%scan3A_66, %dma_wait3A_85] : memref<79x128xi32, #tpu.memory_space<vmem>> -> memref<1x128xi32, #tpu.memory_space<vmem>>
        %dma_wait3A_87 = tpu.memref_squeeze %dma_wait3A_86 : memref<1x128xi32, #tpu.memory_space<vmem>> -> memref<128xi32, #tpu.memory_space<vmem>>
        %dma_wait3A_88 = arith.constant 0 : i32
        %dma_wait3A_89 = arith.constant 0 : i32
        %dma_wait3A_90 = tpu.memref_slice %arg9[%dma_wait3A_88, %dma_wait3A_89] : memref<10112x128xf32, #tpu.memory_space<vmem_shared>> -> memref<10112x128xf32, #tpu.memory_space<vmem_shared>>
        tpu.wait_indirect_dma semaphore(%run_scoped3A : memref<!tpu.dma_semaphore, #tpu.memory_space<semaphore_mem>>) src(%arg8 : memref<128x128xf32, #tpu.memory_space<vmem>>) dst(%dma_wait3A_90 : memref<10112x128xf32, #tpu.memory_space<vmem_shared>>)
        tpu.yield
      }) : () -> ()
      %scan3A_78 = arith.constant 0 : i32
      scf.yield %scan3A_78 : i32
    }
    %scan3A_55 = arith.constant 79 : i32
    %barrier3A_56 = arith.constant 0 : index
    tpu.barrier barrier_id(%barrier3A_56)
    %lt3A_57 = arith.constant 15 : i32
    %lt3A_58 = arith.cmpi slt, %arg1, %lt3A_57 : i32
    %convert_element_type3A_59 = arith.extui %lt3A_58 : i1 to i32
    %cond3A_60 = arith.constant 0 : i32
    %cond3A_61 = arith.cmpi ne, %convert_element_type3A_59, %cond3A_60 : i32
    scf.if %cond3A_61 {
      %mul3A_66 = arith.constant 632 : i32
      %mul3A_67 = arith.muli %arg1, %mul3A_66 : i32
      %mul3A_68 = arith.constant 632 : i32
      %mul3A_69 = arith.muli %arg1, %mul3A_68 : i32
      "tpu.region"() ({
        %run_scoped3A = tpu.sem_alloc : memref<!tpu.dma_semaphore, #tpu.memory_space<semaphore_mem>>
        %dma_start3A = arith.constant 0 : i32
        %dma_start3A_70 = tpu.memref_slice %arg5[%arg0, %mul3A_69, %dma_start3A] : memref<2x10000x128xf32, #tpu.memory_space<hbm>> -> memref<1x632x128xf32, #tpu.memory_space<hbm>>
        %dma_start3A_71 = tpu.memref_squeeze %dma_start3A_70 : memref<1x632x128xf32, #tpu.memory_space<hbm>> -> memref<632x128xf32, #tpu.memory_space<hbm>>
        %dma_start3A_72 = arith.constant 0 : i32
        %dma_start3A_73 = tpu.memref_slice %arg9[%mul3A_67, %dma_start3A_72] : memref<10112x128xf32, #tpu.memory_space<vmem_shared>> -> memref<632x128xf32, #tpu.memory_space<vmem_shared>>
        tpu.enqueue_dma source(%dma_start3A_73 : memref<632x128xf32, #tpu.memory_space<vmem_shared>>) target(%dma_start3A_71 : memref<632x128xf32, #tpu.memory_space<hbm>>) target_semaphore(%run_scoped3A : memref<!tpu.dma_semaphore, #tpu.memory_space<semaphore_mem>>)
        %dma_wait3A = arith.constant 0 : i32
        %dma_wait3A_74 = tpu.memref_slice %arg5[%arg0, %mul3A_69, %dma_wait3A] : memref<2x10000x128xf32, #tpu.memory_space<hbm>> -> memref<1x632x128xf32, #tpu.memory_space<hbm>>
        %dma_wait3A_75 = tpu.memref_squeeze %dma_wait3A_74 : memref<1x632x128xf32, #tpu.memory_space<hbm>> -> memref<632x128xf32, #tpu.memory_space<hbm>>
        %dma_wait3A_76 = arith.constant 0 : i32
        %dma_wait3A_77 = tpu.memref_slice %arg9[%mul3A_67, %dma_wait3A_76] : memref<10112x128xf32, #tpu.memory_space<vmem_shared>> -> memref<632x128xf32, #tpu.memory_space<vmem_shared>>
        tpu.wait_dma2 semaphore(%run_scoped3A : memref<!tpu.dma_semaphore, #tpu.memory_space<semaphore_mem>>) src(%dma_wait3A_77 : memref<632x128xf32, #tpu.memory_space<vmem_shared>>) dst(%dma_wait3A_75 : memref<632x128xf32, #tpu.memory_space<hbm>>)
        tpu.yield
      }) : () -> ()
    } else {
    }
    %eq3A = arith.constant 15 : i32
    %eq3A_62 = arith.cmpi eq, %arg1, %eq3A : i32
    %convert_element_type3A_63 = arith.extui %eq3A_62 : i1 to i32
    %cond3A_64 = arith.constant 0 : i32
    %cond3A_65 = arith.cmpi ne, %convert_element_type3A_63, %cond3A_64 : i32
    scf.if %cond3A_65 {
      "tpu.region"() ({
        %run_scoped3A = tpu.sem_alloc : memref<!tpu.dma_semaphore, #tpu.memory_space<semaphore_mem>>
        %dma_start3A = arith.constant 9480 : i32
        %dma_start3A_66 = arith.constant 0 : i32
        %dma_start3A_67 = tpu.memref_slice %arg5[%arg0, %dma_start3A, %dma_start3A_66] : memref<2x10000x128xf32, #tpu.memory_space<hbm>> -> memref<1x520x128xf32, #tpu.memory_space<hbm>>
        %dma_start3A_68 = tpu.memref_squeeze %dma_start3A_67 : memref<1x520x128xf32, #tpu.memory_space<hbm>> -> memref<520x128xf32, #tpu.memory_space<hbm>>
        %dma_start3A_69 = arith.constant 9480 : i32
        %dma_start3A_70 = arith.constant 0 : i32
        %dma_start3A_71 = tpu.memref_slice %arg9[%dma_start3A_69, %dma_start3A_70] : memref<10112x128xf32, #tpu.memory_space<vmem_shared>> -> memref<520x128xf32, #tpu.memory_space<vmem_shared>>
        tpu.enqueue_dma source(%dma_start3A_71 : memref<520x128xf32, #tpu.memory_space<vmem_shared>>) target(%dma_start3A_68 : memref<520x128xf32, #tpu.memory_space<hbm>>) target_semaphore(%run_scoped3A : memref<!tpu.dma_semaphore, #tpu.memory_space<semaphore_mem>>)
        %dma_wait3A = arith.constant 9480 : i32
        %dma_wait3A_72 = arith.constant 0 : i32
        %dma_wait3A_73 = tpu.memref_slice %arg5[%arg0, %dma_wait3A, %dma_wait3A_72] : memref<2x10000x128xf32, #tpu.memory_space<hbm>> -> memref<1x520x128xf32, #tpu.memory_space<hbm>>
        %dma_wait3A_74 = tpu.memref_squeeze %dma_wait3A_73 : memref<1x520x128xf32, #tpu.memory_space<hbm>> -> memref<520x128xf32, #tpu.memory_space<hbm>>
        %dma_wait3A_75 = arith.constant 9480 : i32
        %dma_wait3A_76 = arith.constant 0 : i32
        %dma_wait3A_77 = tpu.memref_slice %arg9[%dma_wait3A_75, %dma_wait3A_76] : memref<10112x128xf32, #tpu.memory_space<vmem_shared>> -> memref<520x128xf32, #tpu.memory_space<vmem_shared>>
        tpu.wait_dma2 semaphore(%run_scoped3A : memref<!tpu.dma_semaphore, #tpu.memory_space<semaphore_mem>>) src(%dma_wait3A_77 : memref<520x128xf32, #tpu.memory_space<vmem_shared>>) dst(%dma_wait3A_74 : memref<520x128xf32, #tpu.memory_space<hbm>>)
        tpu.yield
      }) : () -> ()
    } else {
    }
    return
  }
}

#map = affine_map<(d0, d1) -> (0, 0, 0)>
#map1 = affine_map<(d0, d1) -> (0, 0)>
module attributes {stable_mosaic.version = 14 : i64} {
  func.func @scatter_kernel(%arg0: i32, %arg1: i32, %arg2: memref<32x79x128xi32, #tpu.memory_space<hbm>>, %arg3: memref<32x79x128xi32, #tpu.memory_space<hbm>>, %arg4: memref<10000x128xf32, #tpu.memory_space<hbm>>, %arg5: memref<2x10000x128xf32, #tpu.memory_space<hbm>>, %arg6: memref<79x128xi32, #tpu.memory_space<vmem>>, %arg7: memref<79x128xi32, #tpu.memory_space<vmem>>, %arg8: memref<128x128xf32, #tpu.memory_space<vmem>>, %arg9: memref<10112x128xf32, #tpu.memory_space<vmem_shared>>, %arg10: memref<!tpu.dma_semaphore, #tpu.memory_space<semaphore_mem>>) attributes {dimension_semantics = [#tpu.dimension_semantics<core_parallel>, #tpu.dimension_semantics<subcore_parallel>], iteration_bounds = array<i64: 2, 16>, scalar_prefetch = 0 : i64, scratch_operands = 5 : i64, tpu.core_type = #tpu.core_type<sc_vector_subcore>, window_params = [{transform_indices = #map}, {transform_indices = #map}, {transform_indices = #map1}, {transform_indices = #map}]} {
    %mul3A = arith.constant 2 : i32
    %mul3A_0 = arith.muli %arg1, %mul3A : i32
    %add3A = arith.addi %mul3A_0, %arg0 : i32
    %scan3A = arith.constant 0 : i32
    %scan3A_1 = arith.constant 0 : i32
    %scan3A_2 = arith.constant 1024 : i32
    %scan3A_3 = arith.addi %scan3A_1, %scan3A_2 : i32
    %scan3A_4 = arith.constant 1 : i32
    %scan3A_5 = scf.for %scan3A_66 = %scan3A_1 to %scan3A_3 step %scan3A_4 iter_args(%scan3A_67 = %scan3A) -> (i32)  : i32 {
      %broadcast_in_dim3A = arith.constant 0.000000e+00 : f32
      %broadcast_in_dim3A_68 = vector.broadcast %broadcast_in_dim3A : f32 to vector<16xf32>
      %jit3A = arith.constant 8 : i32
      %div3A = arith.divsi %scan3A_66, %jit3A : i32
      %sign3A = arith.constant 0 : i32
      %sign3A_69 = arith.cmpi sgt, %scan3A_66, %sign3A : i32
      %sign3A_70 = arith.extui %sign3A_69 : i1 to i32
      %sign3A_71 = arith.constant 0 : i32
      %sign3A_72 = arith.cmpi slt, %scan3A_66, %sign3A_71 : i32
      %sign3A_73 = arith.extui %sign3A_72 : i1 to i32
      %sign3A_74 = arith.subi %sign3A_70, %sign3A_73 : i32
      %sign3A_75 = arith.constant 0 : i32
      %sign3A_76 = arith.cmpi sgt, %jit3A, %sign3A_75 : i32
      %sign3A_77 = arith.extui %sign3A_76 : i1 to i32
      %sign3A_78 = arith.constant 0 : i32
      %sign3A_79 = arith.cmpi slt, %jit3A, %sign3A_78 : i32
      %sign3A_80 = arith.extui %sign3A_79 : i1 to i32
      %sign3A_81 = arith.subi %sign3A_77, %sign3A_80 : i32
      %ne3A = arith.cmpi ne, %sign3A_74, %sign3A_81 : i32
      %rem3A = arith.remsi %scan3A_66, %jit3A : i32
      %ne3A_82 = arith.constant 0 : i32
      %ne3A_83 = arith.cmpi ne, %rem3A, %ne3A_82 : i32
      %and3A = arith.andi %ne3A, %ne3A_83 : i1
      %sub3A = arith.constant 1 : i32
      %sub3A_84 = arith.subi %div3A, %sub3A : i32
      %select_n3A = arith.select %and3A, %sub3A_84, %div3A : i32
      %jit3A_85 = arith.constant 8 : i32
      %eq3A_86 = arith.constant 0 : i32
      %eq3A_87 = arith.cmpi eq, %jit3A_85, %eq3A_86 : i32
      %jit3A_88 = arith.constant 1 : i32
      %select_n3A_89 = arith.select %eq3A_87, %jit3A_88, %jit3A_85 : i32
      %rem3A_90 = arith.remsi %scan3A_66, %select_n3A_89 : i32
      %ne3A_91 = arith.constant 0 : i32
      %ne3A_92 = arith.cmpi ne, %rem3A_90, %ne3A_91 : i32
      %lt3A_93 = arith.constant 0 : i32
      %lt3A_94 = arith.cmpi slt, %rem3A_90, %lt3A_93 : i32
      %lt3A_95 = arith.constant 0 : i32
      %lt3A_96 = arith.cmpi slt, %select_n3A_89, %lt3A_95 : i32
      %ne3A_97 = arith.xori %lt3A_94, %lt3A_96 : i1
      %and3A_98 = arith.andi %ne3A_97, %ne3A_92 : i1
      %add3A_99 = arith.addi %rem3A_90, %select_n3A_89 : i32
      %select_n3A_100 = arith.select %and3A_98, %add3A_99, %rem3A_90 : i32
      %mul3A_101 = arith.constant 16 : i32
      %mul3A_102 = arith.muli %select_n3A_100, %mul3A_101 : i32
      %swap3A = arith.index_cast %select_n3A : i32 to index
      %swap3A_103 = arith.index_cast %mul3A_102 : i32 to index
      %swap3A_104 = tpu.vector_load %arg8[%swap3A, %swap3A_103] {strides = array<i32>} : memref<128x128xf32, #tpu.memory_space<vmem>>, vector<1x16xf32>,
      %swap3A_105 = vector.shape_cast %swap3A_104 : vector<1x16xf32> to vector<16xf32>
      %swap3A_106 = vector.shape_cast %broadcast_in_dim3A_68 : vector<16xf32> to vector<1x16xf32>
      tpu.vector_store %arg8[%swap3A, %swap3A_103], %swap3A_106 {strides = array<i32>} : memref<128x128xf32, #tpu.memory_space<vmem>>, vector<1x16xf32>,
      %scan3A_107 = arith.constant 0 : i32
      scf.yield %scan3A_107 : i32
    }
    %scan3A_6 = arith.constant 1024 : i32
    %mul3A_7 = arith.constant 5 : i32
    %mul3A_8 = arith.muli %arg1, %mul3A_7 : i32
    %add3A_9 = arith.constant 0 : i32
    %add3A_10 = arith.addi %mul3A_8, %add3A_9 : i32
    %lt3A = arith.constant 79 : i32
    %lt3A_11 = arith.cmpi slt, %add3A_10, %lt3A : i32
    %convert_element_type3A = arith.extui %lt3A_11 : i1 to i32
    %cond3A = arith.constant 0 : i32
    %cond3A_12 = arith.cmpi ne, %convert_element_type3A, %cond3A : i32
    scf.if %cond3A_12 {
      %mul3A_66 = arith.constant 128 : i32
      %mul3A_67 = arith.muli %add3A_10, %mul3A_66 : i32
      "tpu.region"() ({
        %run_scoped3A = tpu.sem_alloc : memref<!tpu.dma_semaphore, #tpu.memory_space<semaphore_mem>>
        %dma_start3A = arith.constant 0 : i32
        %dma_start3A_68 = tpu.memref_slice %arg9[%mul3A_67, %dma_start3A] : memref<10112x128xf32, #tpu.memory_space<vmem_shared>> -> memref<128x128xf32, #tpu.memory_space<vmem_shared>>
        %dma_start3A_69 = arith.constant 0 : i32
        %dma_start3A_70 = tpu.memref_slice %arg9[%mul3A_67, %dma_start3A_69] : memref<10112x128xf32, #tpu.memory_space<vmem_shared>> -> memref<128x128xf32, #tpu.memory_space<vmem_shared>>
        tpu.enqueue_dma source(%arg8 : memref<128x128xf32, #tpu.memory_space<vmem>>) target(%dma_start3A_70 : memref<128x128xf32, #tpu.memory_space<vmem_shared>>) target_semaphore(%run_scoped3A : memref<!tpu.dma_semaphore, #tpu.memory_space<semaphore_mem>>)
        %dma_wait3A = arith.constant 0 : i32
        %dma_wait3A_71 = tpu.memref_slice %arg9[%mul3A_67, %dma_wait3A] : memref<10112x128xf32, #tpu.memory_space<vmem_shared>> -> memref<128x128xf32, #tpu.memory_space<vmem_shared>>
        %dma_wait3A_72 = arith.constant 0 : i32
        %dma_wait3A_73 = tpu.memref_slice %arg9[%mul3A_67, %dma_wait3A_72] : memref<10112x128xf32, #tpu.memory_space<vmem_shared>> -> memref<128x128xf32, #tpu.memory_space<vmem_shared>>
        tpu.wait_dma2 semaphore(%run_scoped3A : memref<!tpu.dma_semaphore, #tpu.memory_space<semaphore_mem>>) src(%arg8 : memref<128x128xf32, #tpu.memory_space<vmem>>) dst(%dma_wait3A_73 : memref<128x128xf32, #tpu.memory_space<vmem_shared>>)
        tpu.yield
      }) : () -> ()
    } else {
    }
    %mul3A_13 = arith.constant 5 : i32
    %mul3A_14 = arith.muli %arg1, %mul3A_13 : i32
    %add3A_15 = arith.constant 1 : i32
    %add3A_16 = arith.addi %mul3A_14, %add3A_15 : i32
    %lt3A_17 = arith.constant 79 : i32
    %lt3A_18 = arith.cmpi slt, %add3A_16, %lt3A_17 : i32
    %convert_element_type3A_19 = arith.extui %lt3A_18 : i1 to i32
    %cond3A_20 = arith.constant 0 : i32
    %cond3A_21 = arith.cmpi ne, %convert_element_type3A_19, %cond3A_20 : i32
    scf.if %cond3A_21 {
      %mul3A_66 = arith.constant 128 : i32
      %mul3A_67 = arith.muli %add3A_16, %mul3A_66 : i32
      "tpu.region"() ({
        %run_scoped3A = tpu.sem_alloc : memref<!tpu.dma_semaphore, #tpu.memory_space<semaphore_mem>>
        %dma_start3A = arith.constant 0 : i32
        %dma_start3A_68 = tpu.memref_slice %arg9[%mul3A_67, %dma_start3A] : memref<10112x128xf32, #tpu.memory_space<vmem_shared>> -> memref<128x128xf32, #tpu.memory_space<vmem_shared>>
        %dma_start3A_69 = arith.constant 0 : i32
        %dma_start3A_70 = tpu.memref_slice %arg9[%mul3A_67, %dma_start3A_69] : memref<10112x128xf32, #tpu.memory_space<vmem_shared>> -> memref<128x128xf32, #tpu.memory_space<vmem_shared>>
        tpu.enqueue_dma source(%arg8 : memref<128x128xf32, #tpu.memory_space<vmem>>) target(%dma_start3A_70 : memref<128x128xf32, #tpu.memory_space<vmem_shared>>) target_semaphore(%run_scoped3A : memref<!tpu.dma_semaphore, #tpu.memory_space<semaphore_mem>>)
        %dma_wait3A = arith.constant 0 : i32
        %dma_wait3A_71 = tpu.memref_slice %arg9[%mul3A_67, %dma_wait3A] : memref<10112x128xf32, #tpu.memory_space<vmem_shared>> -> memref<128x128xf32, #tpu.memory_space<vmem_shared>>
        %dma_wait3A_72 = arith.constant 0 : i32
        %dma_wait3A_73 = tpu.memref_slice %arg9[%mul3A_67, %dma_wait3A_72] : memref<10112x128xf32, #tpu.memory_space<vmem_shared>> -> memref<128x128xf32, #tpu.memory_space<vmem_shared>>
        tpu.wait_dma2 semaphore(%run_scoped3A : memref<!tpu.dma_semaphore, #tpu.memory_space<semaphore_mem>>) src(%arg8 : memref<128x128xf32, #tpu.memory_space<vmem>>) dst(%dma_wait3A_73 : memref<128x128xf32, #tpu.memory_space<vmem_shared>>)
        tpu.yield
      }) : () -> ()
    } else {
    }
    %mul3A_22 = arith.constant 5 : i32
    %mul3A_23 = arith.muli %arg1, %mul3A_22 : i32
    %add3A_24 = arith.constant 2 : i32
    %add3A_25 = arith.addi %mul3A_23, %add3A_24 : i32
    %lt3A_26 = arith.constant 79 : i32
    %lt3A_27 = arith.cmpi slt, %add3A_25, %lt3A_26 : i32
    %convert_element_type3A_28 = arith.extui %lt3A_27 : i1 to i32
    %cond3A_29 = arith.constant 0 : i32
    %cond3A_30 = arith.cmpi ne, %convert_element_type3A_28, %cond3A_29 : i32
    scf.if %cond3A_30 {
      %mul3A_66 = arith.constant 128 : i32
      %mul3A_67 = arith.muli %add3A_25, %mul3A_66 : i32
      "tpu.region"() ({
        %run_scoped3A = tpu.sem_alloc : memref<!tpu.dma_semaphore, #tpu.memory_space<semaphore_mem>>
        %dma_start3A = arith.constant 0 : i32
        %dma_start3A_68 = tpu.memref_slice %arg9[%mul3A_67, %dma_start3A] : memref<10112x128xf32, #tpu.memory_space<vmem_shared>> -> memref<128x128xf32, #tpu.memory_space<vmem_shared>>
        %dma_start3A_69 = arith.constant 0 : i32
        %dma_start3A_70 = tpu.memref_slice %arg9[%mul3A_67, %dma_start3A_69] : memref<10112x128xf32, #tpu.memory_space<vmem_shared>> -> memref<128x128xf32, #tpu.memory_space<vmem_shared>>
        tpu.enqueue_dma source(%arg8 : memref<128x128xf32, #tpu.memory_space<vmem>>) target(%dma_start3A_70 : memref<128x128xf32, #tpu.memory_space<vmem_shared>>) target_semaphore(%run_scoped3A : memref<!tpu.dma_semaphore, #tpu.memory_space<semaphore_mem>>)
        %dma_wait3A = arith.constant 0 : i32
        %dma_wait3A_71 = tpu.memref_slice %arg9[%mul3A_67, %dma_wait3A] : memref<10112x128xf32, #tpu.memory_space<vmem_shared>> -> memref<128x128xf32, #tpu.memory_space<vmem_shared>>
        %dma_wait3A_72 = arith.constant 0 : i32
        %dma_wait3A_73 = tpu.memref_slice %arg9[%mul3A_67, %dma_wait3A_72] : memref<10112x128xf32, #tpu.memory_space<vmem_shared>> -> memref<128x128xf32, #tpu.memory_space<vmem_shared>>
        tpu.wait_dma2 semaphore(%run_scoped3A : memref<!tpu.dma_semaphore, #tpu.memory_space<semaphore_mem>>) src(%arg8 : memref<128x128xf32, #tpu.memory_space<vmem>>) dst(%dma_wait3A_73 : memref<128x128xf32, #tpu.memory_space<vmem_shared>>)
        tpu.yield
      }) : () -> ()
    } else {
    }
    %mul3A_31 = arith.constant 5 : i32
    %mul3A_32 = arith.muli %arg1, %mul3A_31 : i32
    %add3A_33 = arith.constant 3 : i32
    %add3A_34 = arith.addi %mul3A_32, %add3A_33 : i32
    %lt3A_35 = arith.constant 79 : i32
    %lt3A_36 = arith.cmpi slt, %add3A_34, %lt3A_35 : i32
    %convert_element_type3A_37 = arith.extui %lt3A_36 : i1 to i32
    %cond3A_38 = arith.constant 0 : i32
    %cond3A_39 = arith.cmpi ne, %convert_element_type3A_37, %cond3A_38 : i32
    scf.if %cond3A_39 {
      %mul3A_66 = arith.constant 128 : i32
      %mul3A_67 = arith.muli %add3A_34, %mul3A_66 : i32
      "tpu.region"() ({
        %run_scoped3A = tpu.sem_alloc : memref<!tpu.dma_semaphore, #tpu.memory_space<semaphore_mem>>
        %dma_start3A = arith.constant 0 : i32
        %dma_start3A_68 = tpu.memref_slice %arg9[%mul3A_67, %dma_start3A] : memref<10112x128xf32, #tpu.memory_space<vmem_shared>> -> memref<128x128xf32, #tpu.memory_space<vmem_shared>>
        %dma_start3A_69 = arith.constant 0 : i32
        %dma_start3A_70 = tpu.memref_slice %arg9[%mul3A_67, %dma_start3A_69] : memref<10112x128xf32, #tpu.memory_space<vmem_shared>> -> memref<128x128xf32, #tpu.memory_space<vmem_shared>>
        tpu.enqueue_dma source(%arg8 : memref<128x128xf32, #tpu.memory_space<vmem>>) target(%dma_start3A_70 : memref<128x128xf32, #tpu.memory_space<vmem_shared>>) target_semaphore(%run_scoped3A : memref<!tpu.dma_semaphore, #tpu.memory_space<semaphore_mem>>)
        %dma_wait3A = arith.constant 0 : i32
        %dma_wait3A_71 = tpu.memref_slice %arg9[%mul3A_67, %dma_wait3A] : memref<10112x128xf32, #tpu.memory_space<vmem_shared>> -> memref<128x128xf32, #tpu.memory_space<vmem_shared>>
        %dma_wait3A_72 = arith.constant 0 : i32
        %dma_wait3A_73 = tpu.memref_slice %arg9[%mul3A_67, %dma_wait3A_72] : memref<10112x128xf32, #tpu.memory_space<vmem_shared>> -> memref<128x128xf32, #tpu.memory_space<vmem_shared>>
        tpu.wait_dma2 semaphore(%run_scoped3A : memref<!tpu.dma_semaphore, #tpu.memory_space<semaphore_mem>>) src(%arg8 : memref<128x128xf32, #tpu.memory_space<vmem>>) dst(%dma_wait3A_73 : memref<128x128xf32, #tpu.memory_space<vmem_shared>>)
        tpu.yield
      }) : () -> ()
    } else {
    }
    %mul3A_40 = arith.constant 5 : i32
    %mul3A_41 = arith.muli %arg1, %mul3A_40 : i32
    %add3A_42 = arith.constant 4 : i32
    %add3A_43 = arith.addi %mul3A_41, %add3A_42 : i32
    %lt3A_44 = arith.constant 79 : i32
    %lt3A_45 = arith.cmpi slt, %add3A_43, %lt3A_44 : i32
    %convert_element_type3A_46 = arith.extui %lt3A_45 : i1 to i32
    %cond3A_47 = arith.constant 0 : i32
    %cond3A_48 = arith.cmpi ne, %convert_element_type3A_46, %cond3A_47 : i32
    scf.if %cond3A_48 {
      %mul3A_66 = arith.constant 128 : i32
      %mul3A_67 = arith.muli %add3A_43, %mul3A_66 : i32
      "tpu.region"() ({
        %run_scoped3A = tpu.sem_alloc : memref<!tpu.dma_semaphore, #tpu.memory_space<semaphore_mem>>
        %dma_start3A = arith.constant 0 : i32
        %dma_start3A_68 = tpu.memref_slice %arg9[%mul3A_67, %dma_start3A] : memref<10112x128xf32, #tpu.memory_space<vmem_shared>> -> memref<128x128xf32, #tpu.memory_space<vmem_shared>>
        %dma_start3A_69 = arith.constant 0 : i32
        %dma_start3A_70 = tpu.memref_slice %arg9[%mul3A_67, %dma_start3A_69] : memref<10112x128xf32, #tpu.memory_space<vmem_shared>> -> memref<128x128xf32, #tpu.memory_space<vmem_shared>>
        tpu.enqueue_dma source(%arg8 : memref<128x128xf32, #tpu.memory_space<vmem>>) target(%dma_start3A_70 : memref<128x128xf32, #tpu.memory_space<vmem_shared>>) target_semaphore(%run_scoped3A : memref<!tpu.dma_semaphore, #tpu.memory_space<semaphore_mem>>)
        %dma_wait3A = arith.constant 0 : i32
        %dma_wait3A_71 = tpu.memref_slice %arg9[%mul3A_67, %dma_wait3A] : memref<10112x128xf32, #tpu.memory_space<vmem_shared>> -> memref<128x128xf32, #tpu.memory_space<vmem_shared>>
        %dma_wait3A_72 = arith.constant 0 : i32
        %dma_wait3A_73 = tpu.memref_slice %arg9[%mul3A_67, %dma_wait3A_72] : memref<10112x128xf32, #tpu.memory_space<vmem_shared>> -> memref<128x128xf32, #tpu.memory_space<vmem_shared>>
        tpu.wait_dma2 semaphore(%run_scoped3A : memref<!tpu.dma_semaphore, #tpu.memory_space<semaphore_mem>>) src(%arg8 : memref<128x128xf32, #tpu.memory_space<vmem>>) dst(%dma_wait3A_73 : memref<128x128xf32, #tpu.memory_space<vmem_shared>>)
        tpu.yield
      }) : () -> ()
    } else {
    }
    %barrier3A = arith.constant 0 : index
    tpu.barrier barrier_id(%barrier3A)
    "tpu.region"() ({
      %run_scoped3A = tpu.sem_alloc : memref<!tpu.dma_semaphore, #tpu.memory_space<semaphore_mem>>
      %dma_start3A = arith.constant 0 : i32
      %dma_start3A_66 = arith.constant 0 : i32
      %dma_start3A_67 = tpu.memref_slice %arg2[%add3A, %dma_start3A, %dma_start3A_66] : memref<32x79x128xi32, #tpu.memory_space<hbm>> -> memref<1x79x128xi32, #tpu.memory_space<hbm>>
      %dma_start3A_68 = tpu.memref_squeeze %dma_start3A_67 : memref<1x79x128xi32, #tpu.memory_space<hbm>> -> memref<79x128xi32, #tpu.memory_space<hbm>>
      %dma_start3A_69 = arith.constant 0 : i32
      %dma_start3A_70 = arith.constant 0 : i32
      %dma_start3A_71 = tpu.memref_slice %arg2[%add3A, %dma_start3A_69, %dma_start3A_70] : memref<32x79x128xi32, #tpu.memory_space<hbm>> -> memref<1x79x128xi32, #tpu.memory_space<hbm>>
      %dma_start3A_72 = tpu.memref_squeeze %dma_start3A_71 : memref<1x79x128xi32, #tpu.memory_space<hbm>> -> memref<79x128xi32, #tpu.memory_space<hbm>>
      tpu.enqueue_dma source(%dma_start3A_72 : memref<79x128xi32, #tpu.memory_space<hbm>>) target(%arg6 : memref<79x128xi32, #tpu.memory_space<vmem>>) target_semaphore(%run_scoped3A : memref<!tpu.dma_semaphore, #tpu.memory_space<semaphore_mem>>)
      %dma_wait3A = arith.constant 0 : i32
      %dma_wait3A_73 = arith.constant 0 : i32
      %dma_wait3A_74 = tpu.memref_slice %arg2[%add3A, %dma_wait3A, %dma_wait3A_73] : memref<32x79x128xi32, #tpu.memory_space<hbm>> -> memref<1x79x128xi32, #tpu.memory_space<hbm>>
      %dma_wait3A_75 = tpu.memref_squeeze %dma_wait3A_74 : memref<1x79x128xi32, #tpu.memory_space<hbm>> -> memref<79x128xi32, #tpu.memory_space<hbm>>
      %dma_wait3A_76 = arith.constant 0 : i32
      %dma_wait3A_77 = arith.constant 0 : i32
      %dma_wait3A_78 = tpu.memref_slice %arg2[%add3A, %dma_wait3A_76, %dma_wait3A_77] : memref<32x79x128xi32, #tpu.memory_space<hbm>> -> memref<1x79x128xi32, #tpu.memory_space<hbm>>
      %dma_wait3A_79 = tpu.memref_squeeze %dma_wait3A_78 : memref<1x79x128xi32, #tpu.memory_space<hbm>> -> memref<79x128xi32, #tpu.memory_space<hbm>>
      tpu.wait_dma2 semaphore(%run_scoped3A : memref<!tpu.dma_semaphore, #tpu.memory_space<semaphore_mem>>) src(%dma_wait3A_79 : memref<79x128xi32, #tpu.memory_space<hbm>>) dst(%arg6 : memref<79x128xi32, #tpu.memory_space<vmem>>)
      tpu.yield
    }) : () -> ()
    "tpu.region"() ({
      %run_scoped3A = tpu.sem_alloc : memref<!tpu.dma_semaphore, #tpu.memory_space<semaphore_mem>>
      %dma_start3A = arith.constant 0 : i32
      %dma_start3A_66 = arith.constant 0 : i32
      %dma_start3A_67 = tpu.memref_slice %arg3[%add3A, %dma_start3A, %dma_start3A_66] : memref<32x79x128xi32, #tpu.memory_space<hbm>> -> memref<1x79x128xi32, #tpu.memory_space<hbm>>
      %dma_start3A_68 = tpu.memref_squeeze %dma_start3A_67 : memref<1x79x128xi32, #tpu.memory_space<hbm>> -> memref<79x128xi32, #tpu.memory_space<hbm>>
      %dma_start3A_69 = arith.constant 0 : i32
      %dma_start3A_70 = arith.constant 0 : i32
      %dma_start3A_71 = tpu.memref_slice %arg3[%add3A, %dma_start3A_69, %dma_start3A_70] : memref<32x79x128xi32, #tpu.memory_space<hbm>> -> memref<1x79x128xi32, #tpu.memory_space<hbm>>
      %dma_start3A_72 = tpu.memref_squeeze %dma_start3A_71 : memref<1x79x128xi32, #tpu.memory_space<hbm>> -> memref<79x128xi32, #tpu.memory_space<hbm>>
      tpu.enqueue_dma source(%dma_start3A_72 : memref<79x128xi32, #tpu.memory_space<hbm>>) target(%arg7 : memref<79x128xi32, #tpu.memory_space<vmem>>) target_semaphore(%run_scoped3A : memref<!tpu.dma_semaphore, #tpu.memory_space<semaphore_mem>>)
      %dma_wait3A = arith.constant 0 : i32
      %dma_wait3A_73 = arith.constant 0 : i32
      %dma_wait3A_74 = tpu.memref_slice %arg3[%add3A, %dma_wait3A, %dma_wait3A_73] : memref<32x79x128xi32, #tpu.memory_space<hbm>> -> memref<1x79x128xi32, #tpu.memory_space<hbm>>
      %dma_wait3A_75 = tpu.memref_squeeze %dma_wait3A_74 : memref<1x79x128xi32, #tpu.memory_space<hbm>> -> memref<79x128xi32, #tpu.memory_space<hbm>>
      %dma_wait3A_76 = arith.constant 0 : i32
      %dma_wait3A_77 = arith.constant 0 : i32
      %dma_wait3A_78 = tpu.memref_slice %arg3[%add3A, %dma_wait3A_76, %dma_wait3A_77] : memref<32x79x128xi32, #tpu.memory_space<hbm>> -> memref<1x79x128xi32, #tpu.memory_space<hbm>>
      %dma_wait3A_79 = tpu.memref_squeeze %dma_wait3A_78 : memref<1x79x128xi32, #tpu.memory_space<hbm>> -> memref<79x128xi32, #tpu.memory_space<hbm>>
      tpu.wait_dma2 semaphore(%run_scoped3A : memref<!tpu.dma_semaphore, #tpu.memory_space<semaphore_mem>>) src(%dma_wait3A_79 : memref<79x128xi32, #tpu.memory_space<hbm>>) dst(%arg7 : memref<79x128xi32, #tpu.memory_space<vmem>>)
      tpu.yield
    }) : () -> ()
    %scan3A_49 = arith.constant 0 : i32
    %scan3A_50 = arith.constant 0 : i32
    %scan3A_51 = arith.constant 79 : i32
    %scan3A_52 = arith.addi %scan3A_50, %scan3A_51 : i32
    %scan3A_53 = arith.constant 1 : i32
    %scan3A_54 = scf.for %scan3A_66 = %scan3A_50 to %scan3A_52 step %scan3A_53 iter_args(%scan3A_67 = %scan3A_49) -> (i32)  : i32 {
      %dma_start3A = arith.constant 0 : i32
      %dma_start3A_68 = tpu.memref_slice %arg6[%scan3A_66, %dma_start3A] : memref<79x128xi32, #tpu.memory_space<vmem>> -> memref<1x128xi32, #tpu.memory_space<vmem>>
      %dma_start3A_69 = tpu.memref_squeeze %dma_start3A_68 : memref<1x128xi32, #tpu.memory_space<vmem>> -> memref<128xi32, #tpu.memory_space<vmem>>
      %dma_start3A_70 = arith.constant 0 : i32
      %dma_start3A_71 = arith.constant 0 : i32
      %dma_start3A_72 = tpu.memref_slice %arg4[%dma_start3A_70, %dma_start3A_71] : memref<10000x128xf32, #tpu.memory_space<hbm>> -> memref<10000x128xf32, #tpu.memory_space<hbm>>
      tpu.enqueue_indirect_dma source(%dma_start3A_72 : memref<10000x128xf32, #tpu.memory_space<hbm>>) target(%arg8 : memref<128x128xf32, #tpu.memory_space<vmem>>) offsets(%dma_start3A_69 : memref<128xi32, #tpu.memory_space<vmem>>) semaphore(%arg10 : memref<!tpu.dma_semaphore, #tpu.memory_space<semaphore_mem>>)
      %dma_wait3A = arith.constant 0 : i32
      %dma_wait3A_73 = tpu.memref_slice %arg6[%scan3A_66, %dma_wait3A] : memref<79x128xi32, #tpu.memory_space<vmem>> -> memref<1x128xi32, #tpu.memory_space<vmem>>
      %dma_wait3A_74 = tpu.memref_squeeze %dma_wait3A_73 : memref<1x128xi32, #tpu.memory_space<vmem>> -> memref<128xi32, #tpu.memory_space<vmem>>
      %dma_wait3A_75 = arith.constant 0 : i32
      %dma_wait3A_76 = arith.constant 0 : i32
      %dma_wait3A_77 = tpu.memref_slice %arg4[%dma_wait3A_75, %dma_wait3A_76] : memref<10000x128xf32, #tpu.memory_space<hbm>> -> memref<10000x128xf32, #tpu.memory_space<hbm>>
      tpu.wait_indirect_dma semaphore(%arg10 : memref<!tpu.dma_semaphore, #tpu.memory_space<semaphore_mem>>) src(%dma_wait3A_77 : memref<10000x128xf32, #tpu.memory_space<hbm>>) dst(%arg8 : memref<128x128xf32, #tpu.memory_space<vmem>>)
      "tpu.region"() ({
        %run_scoped3A = tpu.sem_alloc : memref<!tpu.dma_semaphore, #tpu.memory_space<semaphore_mem>>
        %dma_start3A_79 = arith.constant 0 : i32
        %dma_start3A_80 = tpu.memref_slice %arg7[%scan3A_66, %dma_start3A_79] : memref<79x128xi32, #tpu.memory_space<vmem>> -> memref<1x128xi32, #tpu.memory_space<vmem>>
        %dma_start3A_81 = tpu.memref_squeeze %dma_start3A_80 : memref<1x128xi32, #tpu.memory_space<vmem>> -> memref<128xi32, #tpu.memory_space<vmem>>
        %dma_start3A_82 = arith.constant 0 : i32
        %dma_start3A_83 = arith.constant 0 : i32
        %dma_start3A_84 = tpu.memref_slice %arg9[%dma_start3A_82, %dma_start3A_83] : memref<10112x128xf32, #tpu.memory_space<vmem_shared>> -> memref<10112x128xf32, #tpu.memory_space<vmem_shared>>
        tpu.enqueue_indirect_dma source(%arg8 : memref<128x128xf32, #tpu.memory_space<vmem>>) target(%dma_start3A_84 : memref<10112x128xf32, #tpu.memory_space<vmem_shared>>) offsets(%dma_start3A_81 : memref<128xi32, #tpu.memory_space<vmem>>) semaphore(%run_scoped3A : memref<!tpu.dma_semaphore, #tpu.memory_space<semaphore_mem>>) {add = true}
        %dma_wait3A_85 = arith.constant 0 : i32
        %dma_wait3A_86 = tpu.memref_slice %arg7[%scan3A_66, %dma_wait3A_85] : memref<79x128xi32, #tpu.memory_space<vmem>> -> memref<1x128xi32, #tpu.memory_space<vmem>>
        %dma_wait3A_87 = tpu.memref_squeeze %dma_wait3A_86 : memref<1x128xi32, #tpu.memory_space<vmem>> -> memref<128xi32, #tpu.memory_space<vmem>>
        %dma_wait3A_88 = arith.constant 0 : i32
        %dma_wait3A_89 = arith.constant 0 : i32
        %dma_wait3A_90 = tpu.memref_slice %arg9[%dma_wait3A_88, %dma_wait3A_89] : memref<10112x128xf32, #tpu.memory_space<vmem_shared>> -> memref<10112x128xf32, #tpu.memory_space<vmem_shared>>
        tpu.wait_indirect_dma semaphore(%run_scoped3A : memref<!tpu.dma_semaphore, #tpu.memory_space<semaphore_mem>>) src(%arg8 : memref<128x128xf32, #tpu.memory_space<vmem>>) dst(%dma_wait3A_90 : memref<10112x128xf32, #tpu.memory_space<vmem_shared>>)
        tpu.yield
      }) : () -> ()
      %scan3A_78 = arith.constant 0 : i32
      scf.yield %scan3A_78 : i32
    }
    %scan3A_55 = arith.constant 79 : i32
    %barrier3A_56 = arith.constant 0 : index
    tpu.barrier barrier_id(%barrier3A_56)
    %lt3A_57 = arith.constant 15 : i32
    %lt3A_58 = arith.cmpi slt, %arg1, %lt3A_57 : i32
    %convert_element_type3A_59 = arith.extui %lt3A_58 : i1 to i32
    %cond3A_60 = arith.constant 0 : i32
    %cond3A_61 = arith.cmpi ne, %convert_element_type3A_59, %cond3A_60 : i32
    scf.if %cond3A_61 {
      %mul3A_66 = arith.constant 632 : i32
      %mul3A_67 = arith.muli %arg1, %mul3A_66 : i32
      %mul3A_68 = arith.constant 632 : i32
      %mul3A_69 = arith.muli %arg1, %mul3A_68 : i32
      "tpu.region"() ({
        %run_scoped3A = tpu.sem_alloc : memref<!tpu.dma_semaphore, #tpu.memory_space<semaphore_mem>>
        %dma_start3A = arith.constant 0 : i32
        %dma_start3A_70 = tpu.memref_slice %arg5[%arg0, %mul3A_69, %dma_start3A] : memref<2x10000x128xf32, #tpu.memory_space<hbm>> -> memref<1x632x128xf32, #tpu.memory_space<hbm>>
        %dma_start3A_71 = tpu.memref_squeeze %dma_start3A_70 : memref<1x632x128xf32, #tpu.memory_space<hbm>> -> memref<632x128xf32, #tpu.memory_space<hbm>>
        %dma_start3A_72 = arith.constant 0 : i32
        %dma_start3A_73 = tpu.memref_slice %arg9[%mul3A_67, %dma_start3A_72] : memref<10112x128xf32, #tpu.memory_space<vmem_shared>> -> memref<632x128xf32, #tpu.memory_space<vmem_shared>>
        tpu.enqueue_dma source(%dma_start3A_73 : memref<632x128xf32, #tpu.memory_space<vmem_shared>>) target(%dma_start3A_71 : memref<632x128xf32, #tpu.memory_space<hbm>>) target_semaphore(%run_scoped3A : memref<!tpu.dma_semaphore, #tpu.memory_space<semaphore_mem>>)
        %dma_wait3A = arith.constant 0 : i32
        %dma_wait3A_74 = tpu.memref_slice %arg5[%arg0, %mul3A_69, %dma_wait3A] : memref<2x10000x128xf32, #tpu.memory_space<hbm>> -> memref<1x632x128xf32, #tpu.memory_space<hbm>>
        %dma_wait3A_75 = tpu.memref_squeeze %dma_wait3A_74 : memref<1x632x128xf32, #tpu.memory_space<hbm>> -> memref<632x128xf32, #tpu.memory_space<hbm>>
        %dma_wait3A_76 = arith.constant 0 : i32
        %dma_wait3A_77 = tpu.memref_slice %arg9[%mul3A_67, %dma_wait3A_76] : memref<10112x128xf32, #tpu.memory_space<vmem_shared>> -> memref<632x128xf32, #tpu.memory_space<vmem_shared>>
        tpu.wait_dma2 semaphore(%run_scoped3A : memref<!tpu.dma_semaphore, #tpu.memory_space<semaphore_mem>>) src(%dma_wait3A_77 : memref<632x128xf32, #tpu.memory_space<vmem_shared>>) dst(%dma_wait3A_75 : memref<632x128xf32, #tpu.memory_space<hbm>>)
        tpu.yield
      }) : () -> ()
    } else {
    }
    %eq3A = arith.constant 15 : i32
    %eq3A_62 = arith.cmpi eq, %arg1, %eq3A : i32
    %convert_element_type3A_63 = arith.extui %eq3A_62 : i1 to i32
    %cond3A_64 = arith.constant 0 : i32
    %cond3A_65 = arith.cmpi ne, %convert_element_type3A_63, %cond3A_64 : i32
    scf.if %cond3A_65 {
      "tpu.region"() ({
        %run_scoped3A = tpu.sem_alloc : memref<!tpu.dma_semaphore, #tpu.memory_space<semaphore_mem>>
        %dma_start3A = arith.constant 9480 : i32
        %dma_start3A_66 = arith.constant 0 : i32
        %dma_start3A_67 = tpu.memref_slice %arg5[%arg0, %dma_start3A, %dma_start3A_66] : memref<2x10000x128xf32, #tpu.memory_space<hbm>> -> memref<1x520x128xf32, #tpu.memory_space<hbm>>
        %dma_start3A_68 = tpu.memref_squeeze %dma_start3A_67 : memref<1x520x128xf32, #tpu.memory_space<hbm>> -> memref<520x128xf32, #tpu.memory_space<hbm>>
        %dma_start3A_69 = arith.constant 9480 : i32
        %dma_start3A_70 = arith.constant 0 : i32
        %dma_start3A_71 = tpu.memref_slice %arg9[%dma_start3A_69, %dma_start3A_70] : memref<10112x128xf32, #tpu.memory_space<vmem_shared>> -> memref<520x128xf32, #tpu.memory_space<vmem_shared>>
        tpu.enqueue_dma source(%dma_start3A_71 : memref<520x128xf32, #tpu.memory_space<vmem_shared>>) target(%dma_start3A_68 : memref<520x128xf32, #tpu.memory_space<hbm>>) target_semaphore(%run_scoped3A : memref<!tpu.dma_semaphore, #tpu.memory_space<semaphore_mem>>)
        %dma_wait3A = arith.constant 9480 : i32
        %dma_wait3A_72 = arith.constant 0 : i32
        %dma_wait3A_73 = tpu.memref_slice %arg5[%arg0, %dma_wait3A, %dma_wait3A_72] : memref<2x10000x128xf32, #tpu.memory_space<hbm>> -> memref<1x520x128xf32, #tpu.memory_space<hbm>>
        %dma_wait3A_74 = tpu.memref_squeeze %dma_wait3A_73 : memref<1x520x128xf32, #tpu.memory_space<hbm>> -> memref<520x128xf32, #tpu.memory_space<hbm>>
        %dma_wait3A_75 = arith.constant 9480 : i32
        %dma_wait3A_76 = arith.constant 0 : i32
        %dma_wait3A_77 = tpu.memref_slice %arg9[%dma_wait3A_75, %dma_wait3A_76] : memref<10112x128xf32, #tpu.memory_space<vmem_shared>> -> memref<520x128xf32, #tpu.memory_space<vmem_shared>>
        tpu.wait_dma2 semaphore(%run_scoped3A : memref<!tpu.dma_semaphore, #tpu.memory_space<semaphore_mem>>) src(%dma_wait3A_77 : memref<520x128xf32, #tpu.memory_space<vmem_shared>>) dst(%dma_wait3A_74 : memref<520x128xf32, #tpu.memory_space<hbm>>)
        tpu.yield
      }) : () -> ()
    } else {
    }
    return
  }
}

module attributes {stable_mosaic.version = 14 : i64} {
  func.func @body(%arg0: memref<2x10000x1xf32, #tpu.memory_space<vmem>>, %arg1: memref<10000x128xf32, #tpu.memory_space<vmem>>, %arg2: memref<10000x1xf32, #tpu.memory_space<vmem>>, %arg3: memref<10000x128xf32, #tpu.memory_space<vmem>>) attributes {dimension_semantics = [], scalar_prefetch = 0 : i64, scratch_operands = 0 : i64, tpu.core_type = #tpu.core_type<tc>} {
    %get3A = arith.constant 0 : index
    %get3A_0 = arith.constant 0 : index
    %get3A_1 = arith.constant 0 : index
    %get3A_2 = vector.load %arg0[%get3A, %get3A_0, %get3A_1] : memref<2x10000x1xf32, #tpu.memory_space<vmem>>, vector<1x10000x1xf32>
    %get3A_3 = vector.shape_cast %get3A_2 : vector<1x10000x1xf32> to vector<10000x1xf32>
    %get3A_4 = arith.constant 1 : index
    %get3A_5 = arith.constant 0 : index
    %get3A_6 = arith.constant 0 : index
    %get3A_7 = vector.load %arg0[%get3A_4, %get3A_5, %get3A_6] : memref<2x10000x1xf32, #tpu.memory_space<vmem>>, vector<1x10000x1xf32>
    %get3A_8 = vector.shape_cast %get3A_7 : vector<1x10000x1xf32> to vector<10000x1xf32>
    %add3A = arith.addf %get3A_3, %get3A_8 : vector<10000x1xf32>
    %gt3A = arith.constant 0.000000e+00 : f32
    %gt3A_9 = vector.broadcast %gt3A : f32 to vector<10000x1xf32>
    %gt3A_10 = arith.cmpf ogt, %add3A, %gt3A_9 : vector<10000x1xf32>
    %max3A = arith.constant 1.000000e-30 : f32
    %max3A_11 = vector.broadcast %max3A : f32 to vector<10000x1xf32>
    %max3A_12 = arith.maximumf %add3A, %max3A_11 : vector<10000x1xf32>
    %rsqrt3A = math.rsqrt %max3A_12 : vector<10000x1xf32>
    %jit3A = arith.constant 0.000000e+00 : f32
    %broadcast_in_dim3A = vector.broadcast %jit3A : f32 to vector<10000x1xf32>
    %select_n3A = arith.select %gt3A_10, %rsqrt3A, %broadcast_in_dim3A : vector<10000x1xi1>, vector<10000x1xf32>
    %swap3A = arith.constant 0 : index
    %swap3A_13 = arith.constant 0 : index
    %swap3A_14 = vector.load %arg2[%swap3A, %swap3A_13] : memref<10000x1xf32, #tpu.memory_space<vmem>>, vector<10000x1xf32>
    tpu.vector_store %arg2[%swap3A, %swap3A_13], %select_n3A {strides = array<i32>} : memref<10000x1xf32, #tpu.memory_space<vmem>>, vector<10000x1xf32>,
    %get3A_15 = arith.constant 0 : index
    %get3A_16 = arith.constant 0 : index
    %get3A_17 = vector.load %arg1[%get3A_15, %get3A_16] : memref<10000x128xf32, #tpu.memory_space<vmem>>, vector<10000x128xf32>
    %mul3A = vector.broadcast %select_n3A : vector<10000x1xf32> to vector<10000x128xf32>
    %mul3A_18 = arith.mulf %mul3A, %get3A_17 : vector<10000x128xf32>
    %swap3A_19 = arith.constant 0 : index
    %swap3A_20 = arith.constant 0 : index
    %swap3A_21 = vector.load %arg3[%swap3A_19, %swap3A_20] : memref<10000x128xf32, #tpu.memory_space<vmem>>, vector<10000x128xf32>
    tpu.vector_store %arg3[%swap3A_19, %swap3A_20], %mul3A_18 {strides = array<i32>} : memref<10000x128xf32, #tpu.memory_space<vmem>>, vector<10000x128xf32>,
    return
  }
}

module attributes {stable_mosaic.version = 14 : i64} {
  func.func @body(%arg0: memref<10000x128xf32, #tpu.memory_space<vmem>>, %arg1: memref<2x10000x128xf32, #tpu.memory_space<vmem>>, %arg2: memref<10000x1xf32, #tpu.memory_space<vmem>>, %arg3: memref<128x128xf32, #tpu.memory_space<vmem>>, %arg4: memref<128x128xf32, #tpu.memory_space<vmem>>, %arg5: memref<128xf32, #tpu.memory_space<vmem>>, %arg6: memref<10000x128xf32, #tpu.memory_space<vmem>>, %arg7: memref<10000x128xf32, #tpu.memory_space<vmem>>) attributes {dimension_semantics = [], scalar_prefetch = 0 : i64, scratch_operands = 0 : i64, tpu.core_type = #tpu.core_type<tc>} {
    %get3A = arith.constant 0 : index
    %get3A_0 = arith.constant 0 : index
    %get3A_1 = vector.load %arg2[%get3A, %get3A_0] : memref<10000x1xf32, #tpu.memory_space<vmem>>, vector<10000x1xf32>
    %get3A_2 = arith.constant 0 : index
    %get3A_3 = arith.constant 0 : index
    %get3A_4 = arith.constant 0 : index
    %get3A_5 = vector.load %arg1[%get3A_2, %get3A_3, %get3A_4] : memref<2x10000x128xf32, #tpu.memory_space<vmem>>, vector<1x10000x128xf32>
    %get3A_6 = vector.shape_cast %get3A_5 : vector<1x10000x128xf32> to vector<10000x128xf32>
    %get3A_7 = arith.constant 1 : index
    %get3A_8 = arith.constant 0 : index
    %get3A_9 = arith.constant 0 : index
    %get3A_10 = vector.load %arg1[%get3A_7, %get3A_8, %get3A_9] : memref<2x10000x128xf32, #tpu.memory_space<vmem>>, vector<1x10000x128xf32>
    %get3A_11 = vector.shape_cast %get3A_10 : vector<1x10000x128xf32> to vector<10000x128xf32>
    %add3A = arith.addf %get3A_6, %get3A_11 : vector<10000x128xf32>
    %mul3A = vector.broadcast %get3A_1 : vector<10000x1xf32> to vector<10000x128xf32>
    %mul3A_12 = arith.mulf %mul3A, %add3A : vector<10000x128xf32>
    %get3A_13 = arith.constant 0 : index
    %get3A_14 = arith.constant 0 : index
    %get3A_15 = vector.load %arg0[%get3A_13, %get3A_14] : memref<10000x128xf32, #tpu.memory_space<vmem>>, vector<10000x128xf32>
    %get3A_16 = arith.constant 0 : index
    %get3A_17 = arith.constant 0 : index
    %get3A_18 = vector.load %arg3[%get3A_16, %get3A_17] : memref<128x128xf32, #tpu.memory_space<vmem>>, vector<128x128xf32>
    %dot_general3A = arith.constant dense<0.000000e+00> : vector<10000x128xf32>
    %dot_general3A_19 = tpu.matmul %get3A_15, %get3A_18, %dot_general3A {dimension_numbers = #tpu.dot_dimension_numbers<[1], [0], [0], [1], [0, 0, 1, 1], [], []>, transpose_lhs_hint = false} : vector<10000x128xf32>, vector<128x128xf32>, vector<10000x128xf32> -> vector<10000x128xf32>
    %get3A_20 = arith.constant 0 : index
    %get3A_21 = arith.constant 0 : index
    %get3A_22 = vector.load %arg4[%get3A_20, %get3A_21] : memref<128x128xf32, #tpu.memory_space<vmem>>, vector<128x128xf32>
    %dot_general3A_23 = arith.constant dense<0.000000e+00> : vector<10000x128xf32>
    %dot_general3A_24 = tpu.matmul %mul3A_12, %get3A_22, %dot_general3A_23 {dimension_numbers = #tpu.dot_dimension_numbers<[1], [0], [0], [1], [0, 0, 1, 1], [], []>, transpose_lhs_hint = false} : vector<10000x128xf32>, vector<128x128xf32>, vector<10000x128xf32> -> vector<10000x128xf32>
    %sub3A = arith.subf %dot_general3A_19, %dot_general3A_24 : vector<10000x128xf32>
    %get3A_25 = arith.constant 0 : index
    %get3A_26 = vector.load %arg5[%get3A_25] : memref<128xf32, #tpu.memory_space<vmem>>, vector<128xf32>
    %broadcast_in_dim3A = vector.shape_cast %get3A_26 : vector<128xf32> to vector<1x128xf32>
    %add3A_27 = vector.broadcast %broadcast_in_dim3A : vector<1x128xf32> to vector<10000x128xf32>
    %add3A_28 = arith.addf %sub3A, %add3A_27 : vector<10000x128xf32>
    %max3A = arith.constant 0.000000e+00 : f32
    %max3A_29 = vector.broadcast %max3A : f32 to vector<10000x128xf32>
    %max3A_30 = arith.maximumf %add3A_28, %max3A_29 : vector<10000x128xf32>
    %swap3A = arith.constant 0 : index
    %swap3A_31 = arith.constant 0 : index
    %swap3A_32 = vector.load %arg6[%swap3A, %swap3A_31] : memref<10000x128xf32, #tpu.memory_space<vmem>>, vector<10000x128xf32>
    tpu.vector_store %arg6[%swap3A, %swap3A_31], %max3A_30 {strides = array<i32>} : memref<10000x128xf32, #tpu.memory_space<vmem>>, vector<10000x128xf32>,
    %get3A_33 = arith.constant 0 : index
    %get3A_34 = arith.constant 0 : index
    %get3A_35 = vector.load %arg2[%get3A_33, %get3A_34] : memref<10000x1xf32, #tpu.memory_space<vmem>>, vector<10000x1xf32>
    %mul3A_36 = vector.broadcast %get3A_35 : vector<10000x1xf32> to vector<10000x128xf32>
    %mul3A_37 = arith.mulf %mul3A_36, %max3A_30 : vector<10000x128xf32>
    %swap3A_38 = arith.constant 0 : index
    %swap3A_39 = arith.constant 0 : index
    %swap3A_40 = vector.load %arg7[%swap3A_38, %swap3A_39] : memref<10000x128xf32, #tpu.memory_space<vmem>>, vector<10000x128xf32>
    tpu.vector_store %arg7[%swap3A_38, %swap3A_39], %mul3A_37 {strides = array<i32>} : memref<10000x128xf32, #tpu.memory_space<vmem>>, vector<10000x128xf32>,
    return
  }
}

module attributes {stable_mosaic.version = 14 : i64} {
  func.func @body(%arg0: memref<10000x128xf32, #tpu.memory_space<vmem>>, %arg1: memref<2x10000x128xf32, #tpu.memory_space<vmem>>, %arg2: memref<10000x1xf32, #tpu.memory_space<vmem>>, %arg3: memref<128x128xf32, #tpu.memory_space<vmem>>, %arg4: memref<128x128xf32, #tpu.memory_space<vmem>>, %arg5: memref<128xf32, #tpu.memory_space<vmem>>, %arg6: memref<1x10000xi32, #tpu.memory_space<vmem>>, %arg7: memref<128x16xf32, #tpu.memory_space<vmem>>, %arg8: memref<16xf32, #tpu.memory_space<vmem>>, %arg9: memref<64x16xf32, #tpu.memory_space<vmem>>) attributes {dimension_semantics = [], scalar_prefetch = 0 : i64, scratch_operands = 0 : i64, tpu.core_type = #tpu.core_type<tc>} {
    %get3A = arith.constant 0 : index
    %get3A_0 = arith.constant 0 : index
    %get3A_1 = vector.load %arg2[%get3A, %get3A_0] : memref<10000x1xf32, #tpu.memory_space<vmem>>, vector<10000x1xf32>
    %get3A_2 = arith.constant 0 : index
    %get3A_3 = arith.constant 0 : index
    %get3A_4 = arith.constant 0 : index
    %get3A_5 = vector.load %arg1[%get3A_2, %get3A_3, %get3A_4] : memref<2x10000x128xf32, #tpu.memory_space<vmem>>, vector<1x10000x128xf32>
    %get3A_6 = vector.shape_cast %get3A_5 : vector<1x10000x128xf32> to vector<10000x128xf32>
    %get3A_7 = arith.constant 1 : index
    %get3A_8 = arith.constant 0 : index
    %get3A_9 = arith.constant 0 : index
    %get3A_10 = vector.load %arg1[%get3A_7, %get3A_8, %get3A_9] : memref<2x10000x128xf32, #tpu.memory_space<vmem>>, vector<1x10000x128xf32>
    %get3A_11 = vector.shape_cast %get3A_10 : vector<1x10000x128xf32> to vector<10000x128xf32>
    %add3A = arith.addf %get3A_6, %get3A_11 : vector<10000x128xf32>
    %mul3A = vector.broadcast %get3A_1 : vector<10000x1xf32> to vector<10000x128xf32>
    %mul3A_12 = arith.mulf %mul3A, %add3A : vector<10000x128xf32>
    %get3A_13 = arith.constant 0 : index
    %get3A_14 = arith.constant 0 : index
    %get3A_15 = vector.load %arg0[%get3A_13, %get3A_14] : memref<10000x128xf32, #tpu.memory_space<vmem>>, vector<10000x128xf32>
    %get3A_16 = arith.constant 0 : index
    %get3A_17 = arith.constant 0 : index
    %get3A_18 = vector.load %arg3[%get3A_16, %get3A_17] : memref<128x128xf32, #tpu.memory_space<vmem>>, vector<128x128xf32>
    %dot_general3A = arith.constant dense<0.000000e+00> : vector<10000x128xf32>
    %dot_general3A_19 = tpu.matmul %get3A_15, %get3A_18, %dot_general3A {dimension_numbers = #tpu.dot_dimension_numbers<[1], [0], [0], [1], [0, 0, 1, 1], [], []>, transpose_lhs_hint = false} : vector<10000x128xf32>, vector<128x128xf32>, vector<10000x128xf32> -> vector<10000x128xf32>
    %get3A_20 = arith.constant 0 : index
    %get3A_21 = arith.constant 0 : index
    %get3A_22 = vector.load %arg4[%get3A_20, %get3A_21] : memref<128x128xf32, #tpu.memory_space<vmem>>, vector<128x128xf32>
    %dot_general3A_23 = arith.constant dense<0.000000e+00> : vector<10000x128xf32>
    %dot_general3A_24 = tpu.matmul %mul3A_12, %get3A_22, %dot_general3A_23 {dimension_numbers = #tpu.dot_dimension_numbers<[1], [0], [0], [1], [0, 0, 1, 1], [], []>, transpose_lhs_hint = false} : vector<10000x128xf32>, vector<128x128xf32>, vector<10000x128xf32> -> vector<10000x128xf32>
    %sub3A = arith.subf %dot_general3A_19, %dot_general3A_24 : vector<10000x128xf32>
    %get3A_25 = arith.constant 0 : index
    %get3A_26 = vector.load %arg5[%get3A_25] : memref<128xf32, #tpu.memory_space<vmem>>, vector<128xf32>
    %broadcast_in_dim3A = vector.shape_cast %get3A_26 : vector<128xf32> to vector<1x128xf32>
    %add3A_27 = vector.broadcast %broadcast_in_dim3A : vector<1x128xf32> to vector<10000x128xf32>
    %add3A_28 = arith.addf %sub3A, %add3A_27 : vector<10000x128xf32>
    %iota3A = tpu.iota {dimensions = array<i32: 0>} : vector<64x10000xi32>
    %get3A_29 = arith.constant 0 : index
    %get3A_30 = arith.constant 0 : index
    %get3A_31 = vector.load %arg6[%get3A_29, %get3A_30] : memref<1x10000xi32, #tpu.memory_space<vmem>>, vector<1x10000xi32>
    %eq3A = vector.broadcast %get3A_31 : vector<1x10000xi32> to vector<64x10000xi32>
    %eq3A_32 = arith.cmpi eq, %eq3A, %iota3A : vector<64x10000xi32>
    %convert_element_type3A = arith.extui %eq3A_32 : vector<64x10000xi1> to vector<64x10000xi32>
    %convert_element_type3A_33 = arith.sitofp %convert_element_type3A : vector<64x10000xi32> to vector<64x10000xf32>
    %dot_general3A_34 = arith.constant dense<0.000000e+00> : vector<64x128xf32>
    %dot_general3A_35 = tpu.matmul %convert_element_type3A_33, %add3A_28, %dot_general3A_34 {dimension_numbers = #tpu.dot_dimension_numbers<[1], [0], [0], [1], [0, 0, 1, 1], [], []>, transpose_lhs_hint = false} : vector<64x10000xf32>, vector<10000x128xf32>, vector<64x128xf32> -> vector<64x128xf32>
    %reduce_sum3A = arith.constant dense<0.000000e+00> : vector<64xf32>
    %reduce_sum3A_36 = vector.multi_reduction <add>, %convert_element_type3A_33, %reduce_sum3A [1] : vector<64x10000xf32> to vector<64xf32>
    %broadcast_in_dim3A_37 = vector.shape_cast %reduce_sum3A_36 : vector<64xf32> to vector<64x1xf32>
    %max3A = arith.constant 1.000000e+00 : f32
    %max3A_38 = vector.broadcast %max3A : f32 to vector<64x1xf32>
    %max3A_39 = arith.maximumf %broadcast_in_dim3A_37, %max3A_38 : vector<64x1xf32>
    %div3A = vector.broadcast %max3A_39 : vector<64x1xf32> to vector<64x128xf32>
    %div3A_40 = arith.divf %dot_general3A_35, %div3A : vector<64x128xf32>
    %get3A_41 = arith.constant 0 : index
    %get3A_42 = arith.constant 0 : index
    %get3A_43 = vector.load %arg7[%get3A_41, %get3A_42] : memref<128x16xf32, #tpu.memory_space<vmem>>, vector<128x16xf32>
    %dot_general3A_44 = arith.constant dense<0.000000e+00> : vector<64x16xf32>
    %dot_general3A_45 = tpu.matmul %div3A_40, %get3A_43, %dot_general3A_44 {dimension_numbers = #tpu.dot_dimension_numbers<[1], [0], [0], [1], [0, 0, 1, 1], [], []>, transpose_lhs_hint = false} : vector<64x128xf32>, vector<128x16xf32>, vector<64x16xf32> -> vector<64x16xf32>
    %get3A_46 = arith.constant 0 : index
    %get3A_47 = vector.load %arg8[%get3A_46] : memref<16xf32, #tpu.memory_space<vmem>>, vector<16xf32>
    %broadcast_in_dim3A_48 = vector.shape_cast %get3A_47 : vector<16xf32> to vector<1x16xf32>
    %add3A_49 = vector.broadcast %broadcast_in_dim3A_48 : vector<1x16xf32> to vector<64x16xf32>
    %add3A_50 = arith.addf %dot_general3A_45, %add3A_49 : vector<64x16xf32>
    %swap3A = arith.constant 0 : index
    %swap3A_51 = arith.constant 0 : index
    %swap3A_52 = vector.load %arg9[%swap3A, %swap3A_51] : memref<64x16xf32, #tpu.memory_space<vmem>>, vector<64x16xf32>
    tpu.vector_store %arg9[%swap3A, %swap3A_51], %add3A_50 {strides = array<i32>} : memref<64x16xf32, #tpu.memory_space<vmem>>, vector<64x16xf32>,
    return
  }
}

</mosaic_0001>

<sc_bundles>
// kernel: kernel.10.cloned.1.call-start
scs
__scs_entry_jumppad:
0x0: {  	(pc) =	sbr.rel $0x88, $3  }
0x1: {  	(tag) =	ssettag $0x0;
	lr =	simm.s32 $0x1  }
0x2: {  	[smem:$0x3F93] =	sst lr;
	_ =	strace $0xD0000000  }
0x3: {  	_ = 	snop  }
0x4: {  	_ = 	snop  }
0x5: {  	_ = 	snop  }
0x6: {  	_ = 	snop  }
0x7: {  	_ = 	snop  }
__scs_overlays_trampoline_lowered:
0x8: {  	[smem:$0x3FA2] =	sst s0  }
0x9: {  	[smem:$0x3FA3] =	sst s1  }
0xa: {  	[smem:$0x3FA4] =	sst s2  }
0xb: {  	[smem:$0x3FA5] =	sst s3  }
0xc: {  	[smem:$0x3FA6] =	sst s4  }
0xd: {  	[smem:$0x3FA7] =	sst s5  }
0xe: {  	[smem:$0x3FA8] =	sst s6  }
0xf: {  	[smem:$0x3FA9] =	sst s7  }
0x10: {  	[smem:$0x3FAA] =	sst s8  }
0x11: {  	[smem:$0x3FAB] =	sst s9;
	s0 =	simm.s32 @!p0 $0x0  }
0x12: {  	s1 =	sld [smem:$0x3F91];
	s0 =	simm.s32 @p0 $0x1  }
0x13: {  	[smem:$0x3FAC] =	sst s0;
	s0 =	simm.s32 @!p1 $0x0  }
0x14: {  	s2 =	sld [smem:$0x3F90];
	s0 =	simm.s32 @p1 $0x1  }
0x15: {  	[smem:$0x3FAD] =	sst s0;
	s0 =	simm.s32 @!p2 $0x0  }
0x16: {  	s3 =	sld [smem:$0x3FDB];
	s0 =	simm.s32 @p2 $0x1  }
0x17: {  	s4 =	simm.s32 $0x1BF5;
	[smem:$0x3FAF] =	sst s0  }
0x18: {  	s0 =	sld [smem:$0x3F92];
	_ =	swait.ge [sflag:s4], $0x0  }
0x19: {  	s7 =	sld [smem:$0x3F93]  }
0x1a: {  	s8 =	sadd.s32 $0xFFFFE003, lr  }
0x1b: {  	s9 =	sadd.s32 $0xFFFFFEF7, lr;
	s5 =	simm.s32 $0xFFFFFFFF;
	p2 =	slt.u32 s8, $0xFFFFF086  }
0x1c: {  	p1 =	slt.u32 s9, $0xF7A;
	s5 =	simm.s32 @!p2 $0x0  }
0x1d: {  	s5 =	simm.s32 @p1 $0x1;
	p0 =	seq.s32 s7, s2  }
0x1e: {  	s7 =	smul.u32 @!p0 $0xF7A, s2;
	p2 =	seq.s32 @!p0 s5, $0x0  }
0x1f: {  	s9 =	smul.u32 $0xF7A, s1;
	s8 =	simm.s32 @!p0 $0x1BF5;
	p2 =	por !p2, p0  }
0x20: {  	[sflag:s8] =	ssyncset.s32 @!p0 $0xFFFFF086;
	s6 =	sadd.s32 @!p0 s3, s7;
	s7 =	simm.s32 @!p0 $0x108  }
0x21: {  	s3 =	sadd.s32 s3, s9;
	s6 =	sadd.s32 @!p0 $0x88, s6;
	s7 =	simm.s32 @p2 $0x1082  }
0x22: {  	[simem:s7], [sflag:s8] =	dma.local @!p0 [hbm:s6], $0xF7A  }
0x23: {  	s9 =	sor.u32 $0xD0000000, s2;
	s6 =	simm.s32 $0x108;
	_ =	swait.ge @!p0 [sflag:s8], $0x0  }
0x24: {  	s3 =	sadd.s32 $0x88, s3;
	s6 =	simm.s32 @!p1 $0x1082;
	[sflag:s4] =	ssyncset.s32 $0xFFFFF086  }
0x25: {  	[simem:s6], [sflag:s4] =	dma.local [hbm:s3], $0xF7A  }
0x26: {  	[smem:$0x3F93] =	sst s1;
	(tag) =	ssettag s2;
	_ =	strace s9  }
0x27: {  	s1 =	sld [smem:$0x3FA3]  }
0x28: {  	s2 =	sld [smem:$0x3FA4]  }
0x29: {  	s4 =	sld [smem:$0x3FA6]  }
0x2a: {  	p0 =	seq.s32 s5, $0x0;
	s5 =	sld [smem:$0x3FA7]  }
0x2b: {  	s6 =	sld [smem:$0x3FA8]  }
0x2c: {  	s7 =	sld [smem:$0x3FA9]  }
0x2d: {  	s3 =	simm.s32 $0x108;
	s8 =	sld [smem:$0x3FAA]  }
0x2e: {  	s3 =	simm.s32 @!p0 $0x1082;
	s9 =	sld [smem:$0x3FAB]  }
0x2f: {  	lr =	sadd.s32 s0, s3;
	s0 =	sld [smem:$0x3FA2]  }
0x30: {  	s3 =	sld [smem:$0x3FA5]  }
0x31: {  	[smem:$0x3FAE] =	sst s10  }
0x32: {  	s10 =	sld [smem:$0x3FAC];
	_ =	sdelay $0x3  }
0x33: {  	p0 =	seq.s32 s10, $0x1;
	s10 =	sld [smem:$0x3FAE];
	_ =	sdelay $0x3  }
0x34: {  	[smem:$0x3FAE] =	sst s10  }
0x35: {  	s10 =	sld [smem:$0x3FAD];
	_ =	sdelay $0x3  }
0x36: {  	p1 =	seq.s32 s10, $0x1;
	s10 =	sld [smem:$0x3FAE];
	_ =	sdelay $0x3  }
0x37: {  	[smem:$0x3FAE] =	sst s10  }
0x38: {  	s10 =	sld [smem:$0x3FAF]  }
0x39: {  	_ = 	snop;
	(pc) =	sbr.ind lr, $3  }
0x3a: {  	_ = 	snop  }
0x3b: {  	_ = 	snop  }
0x3c: {  	p2 =	seq.s32 s10, $0x1;
	s10 =	sld [smem:$0x3FAE]  }
0x3d: {  	_ =	shalt  }
0x3e: {  	_ =	shalt  }
0x3f: {  	_ =	shalt  }
0x40: {  	_ =	shalt  }
0x41: {  	_ =	shalt  }
0x42: {  	_ =	shalt  }
0x43: {  	_ =	shalt  }
0x44: {  	_ =	shalt  }
0x45: {  	_ =	shalt  }
0x46: {  	_ =	shalt  }
0x47: {  	_ =	shalt  }
0x48: {  	_ =	shalt  }
0x49: {  	_ =	shalt  }
0x4a: {  	_ =	shalt  }
0x4b: {  	_ =	shalt  }
0x4c: {  	_ =	shalt  }
0x4d: {  	_ =	shalt  }
0x4e: {  	_ =	shalt  }
0x4f: {  	_ =	shalt  }
0x50: {  	_ =	shalt  }
0x51: {  	_ =	shalt  }
0x52: {  	_ =	shalt  }
0x53: {  	_ =	shalt  }
0x54: {  	_ =	shalt  }
0x55: {  	_ =	shalt  }
0x56: {  	_ =	shalt  }
0x57: {  	_ =	shalt  }
0x58: {  	_ =	shalt  }
0x59: {  	_ =	shalt  }
0x5a: {  	_ =	shalt  }
0x5b: {  	_ =	shalt  }
0x5c: {  	_ =	shalt  }
0x5d: {  	_ =	shalt  }
0x5e: {  	_ =	shalt  }
0x5f: {  	_ =	shalt  }
0x60: {  	_ =	shalt  }
0x61: {  	_ =	shalt  }
0x62: {  	_ =	shalt  }
0x63: {  	_ =	shalt  }
0x64: {  	_ =	shalt  }
0x65: {  	_ =	shalt  }
0x66: {  	_ =	shalt  }
0x67: {  	_ =	shalt  }
0x68: {  	_ =	shalt  }
0x69: {  	_ =	shalt  }
0x6a: {  	_ =	shalt  }
0x6b: {  	_ =	shalt  }
0x6c: {  	_ =	shalt  }
0x6d: {  	_ =	shalt  }
0x6e: {  	_ =	shalt  }
0x6f: {  	_ =	shalt  }
0x70: {  	_ =	shalt  }
0x71: {  	_ =	shalt  }
0x72: {  	_ =	shalt  }
0x73: {  	_ =	shalt  }
0x74: {  	_ =	shalt  }
0x75: {  	_ =	shalt  }
0x76: {  	_ =	shalt  }
0x77: {  	_ =	shalt  }
0x78: {  	_ =	shalt  }
0x79: {  	_ =	shalt  }
0x7a: {  	_ =	shalt  }
0x7b: {  	_ =	shalt  }
0x7c: {  	_ =	shalt  }
0x7d: {  	_ =	shalt  }
0x7e: {  	_ =	shalt  }
0x7f: {  	_ =	shalt  }
0x80: {  	_ =	shalt  }
0x81: {  	_ =	shalt  }
0x82: {  	_ =	shalt  }
0x83: {  	_ =	shalt  }
0x84: {  	_ =	shalt  }
0x85: {  	_ =	shalt  }
0x86: {  	_ =	shalt  }
0x87: {  	_ =	shalt  }
.Lfunc_end0:
.L_simem_size_0:
called_computation_lowered:
.L_overlay_start_0:
0x88: {  	s2 =	sld [smem:$0x3FD9]  }
0x89: {  	s3 =	sld [smem:$0x3FFE];
	_ =	sdelay $0x1  }
0x8a: {  	s1 =	srdreg.scid  }
0x8b: {  	s0 =	sand.u32 $0x1, s1  }
0x8c: {  	s16 =	sshll.u32 s0, $0xA;
	s2 =	sadd.s32 s3, s2  }
0x8d: {  	s2 =	sadd.s32 s2, s16  }
0x8e: {  	[smem:$0x3FBA] =	sst s2  }
0x8f: {  	_ = 	snop  }
0x90: {  	(tm) =	ssettm $0x1  }
0x91: {  	s17 =	sld [smem:$0x3FFB];
	_ =	sdelay $0x3  }
0x92: {  	_ =	strace s17  }
0x93: {  	s2 =	sld [smem:$0x3FFC];
	_ =	sdelay $0x3  }
0x94: {  	_ =	strace s2  }
0x95: {  	s2 =	sld [smem:$0x3FFD];
	_ =	sdelay $0x3  }
0x96: {  	_ =	strace s2  }
0x97: {  	_ =	strace $0x8FFFFFFF  }
0x98: {  	s18 =	sld [smem:$0x3FDB];
	_ =	sdelay $0x1  }
0x99: {  	s19 =	simm.s32 $_scs_section_size  }
0x9a: {  	s4 =	simm.s32 $_size__tile_overlayer_lowered;
	s5 =	simm.s32 $_tile_overlayer_lowered  }
0x9b: {  	s22 =	simm.s32 $0x1BFF;
	s21 =	sshll.u32 s5, $0x1;
	s2 =	sadd.s32 s19, s18  }
0x9c: {  	s6 =	simm.s32 $0x0;
	s20 =	sshll.u32 s4, $0x1;
	s4 =	sadd.s32 s21, s2  }
0x9d: {  	[timem:s6], [sflag:s22] =	dma.local [hbm:s4], s20  }
0x9e: {  	_ =	swait.ge [sflag:s22], s20  }
0x9f: {  	s3 =	ssub.s32 $0x0, s20;
	[sflag:s22] =	ssyncset.done $0x0  }
0xa0: {  	[sflag:s22] =	ssyncadd.s32 s3;
	_ =	sdelay $0x1  }
0xa1: {  	s23 =	simm.s32 $0x1B8B  }
0xa2: {  	_ =	swait.ge [sflag:s23], $0x1  }
0xa3: {  	[sflag:s23] =	ssyncset.done $0x0  }
0xa4: {  	s25 =	simm.s32 $0x1B8E;
	s24 =	sld [smem:$0x3FFE];
	[sflag:s23] =	ssyncadd.s32 $0xFFFFFFFF  }
0xa5: {  	s26 =	simm.s32 $execute0_lowered;
	[smem:$0x3FD2] =	sst s25  }
0xa6: {  	s4 =	sshll.u32 s26, $0x1;
	_ =	strace $0x80000046;
	[dreg:$0x1] =	wrdreg $0xFFFFFFFF  }
0xa7: {  	s28 =	simm.s32 $_size_execute0_lowered;
	s2 =	sadd.s32 s2, s4;
	[dreg:$0x0] =	wrdreg $0x0  }
0xa8: {  	s4 =	sshll.u32 s28, $0x1;
	[dreg:$0x2] =	wrdreg s2  }
0xa9: {  	[dreg:$0x3] =	wrdreg s4  }
0xaa: {  	[dreg:$0x4] =	wrdreg $0xC0  }
0xab: {  	_ =	task [dreg:s6], $0x5FFFF  }
0xac: {  	[dreg:$0x1] =	wrdreg $0xFFFFFFFF  }
0xad: {  	[dreg:$0x0] =	wrdreg $0x60  }
0xae: {  	[dreg:$0x2] =	wrdreg s24  }
0xaf: {  	[dreg:$0x3] =	wrdreg $0x68000  }
0xb0: {  	[dreg:$0x4] =	wrdreg $0x9  }
0xb1: {  	_ =	task.clear_ibuf [dreg:s6], $0x5FFFF;
	_ =	strace $0x90000046  }
0xb2: {  	s29 =	simm.s32 $0x9;
	_ =	strace $0x80000048  }
0xb3: {  	_ =	swait.ge [sflag:s29], $0x1  }
0xb4: {  	[sflag:s29] =	ssyncadd.s32 $0xFFFFFFFF  }
0xb5: {  	_ =	strace $0x90000048  }
0xb6: {  	_ =	sfence  }
0xb7: {  	s30 =	sld [smem:$0x0];
	_ =	sdelay $0x2  }
0xb8: {  	s31 =	sshll.u32 s1, $0xD;
	s1 =	sshrl.u32 s1, $0x2  }
0xb9: {  	s3 =	sand.u32 $0x4000, s31;
	s1 =	sadd.s32 s1, s30  }
0xba: {  	s0 =	sor.u32 s3, s0;
	s1 =	sshll.u32 s1, $0x11  }
0xbb: {  	s0 =	sor.u32 s1, s0  }
0xbc: {  	s0 =	sadd.s32 $0x8F2B, s0  }
0xbd: {  	[sflag:s0] =	ssyncadd.remote.s32 $0x1  }
0xbe: {  	_ =	sfence.sel $0xFFFF  }
0xbf: {  	[dreg:$0x0] =	wrdreg $0xFFFFFFFF;
	(pc) =	sbr.abs _section_cstart, $3  }
0xc0: {  	[dreg:$0x1] =	wrdreg $0xFFFFFFFF  }
0xc1: {  	_ =	task.clear_ibuf [dreg:s6], $0x2FFFF;
	_ =	strace $0x9FFFFFFF  }
0xc2: {  	(tm) =	ssettm $0x7FFFFFFF  }
0xc3: {  	_ =	shalt  }
tec
execute0_lowered:
.L_overlay_start_1:
0x0: {  	(tag) =	ssettag $0x1  }
0x1: {  	s4 =	rddreg [dreg:$0x0];
	s1 =	srdreg.scid  }
0x2: {  	s0 =	stileid.u32;
	s2 =	rddreg [dreg:$0x1]  }
0x3: {  	s3 =	simm.s32 $0x0;
	s16 =	simm.s32 $0x100;
	s17 =	simm.s32 $0x180  }
0x4: {  	s18 =	simm.s32 $0x200;
	s19 =	simm.s32 $0x280;
	s20 =	simm.s32 $0x300  }
0x5: {  	s21 =	simm.s32 $0x380;
	s22 =	simm.s32 $0x1;
	s25 =	simm.s32 $0x0  }
0x6: {  	s5 =	sand.u32 $0x1, s1;
	s1 =	rddreg [dreg:$0x2];
	s7 =	smul.u32 $0x50000, s0  }
0x7: {  	s6 =	sshll.u32 s0, $0x1;
	[smem:$0x7FF] =	sst s3;
	s13 =	smul.u32 $0x13C00, s0  }
0x8: {  	s11 =	sadd.s32 $0xD800, s4;
	s14 =	smul.u32 $0x4F000, s0;
	s23 =	sadd.s32 $0x128400, s2  }
0x9: {  	p0 =	seq.s32 s0, $0xF;
	s6 =	sor.u32 s5, s6;
	_ =	strace $0x80000047  }
0xa: {  	s29 =	ssub.s32 $0x2, s5;
	s10 =	smul.u32 $0x138800, s5;
	s23 =	sshrl.u32 @p0 s23, $0x3  }
0xb: {  	s6 =	smul.u32 $0x500, s6;
	s30 =	sshrl.u32 s29, $0x1;
	s7 =	sshrl.u32 s7, $0x2  }
0xc: {  	s31 =	sshrl.u32 s14, $0x2;
	s14 =	simm.s32 $0x2;
	s12 =	ssub.s32 s29, s30  }
0xd: {  	s13 =	sadd.s32 s13, s10;
	s15 =	sshrl.u32 s10, $0x3;
	s24 =	sadd.s32 s31, s2  }
0xe: {  	s9 =	sadd.s32 s6, s4;
	s4 =	sadd.s32 s7, s2;
	s13 =	sshrl.u32 s13, $0x3  }
0xf: {  	s12 =	smax.u32 s12, $0x1;
	s24 =	sshrl.u32 @!p0 s24, $0x3;
	s5 =	sadd.s32 $0x4000, s4  }
0x10: {  	s6 =	sadd.s32 $0x8000, s4;
	s7 =	sadd.s32 $0xC000, s4;
	s8 =	sadd.s32 $0x10000, s4  }
0x11: {  	s9 =	sadd.s32 $0x3800, s9;
	s10 =	sadd.s32 s11, s13;
	s11 =	sadd.s32 s11, s15  }
0x12: {  	v0 =	vimm.f32 $0.0e+00;
	v1 =	vimm.f32 $1.000000000e+00;
	s13 =	simm.s32 $0x2800;
	s15 =	simm.s32 $0x80;
	s11 =	sadd.s32 $0x25080, s11  }
.LBB2_1:
0x13: {  	s26 =	sand.u32 $0xFE00, s3  }
0x14: {  	s28 =	sand.u32 $0x70, s3;
	s29 =	sshrl.u32 s26, $0x2  }
0x15: {  	s26 =	simm.s32 $0x40;
	s29 =	sor.u32 s28, s29;
	s28 =	simm.s32 $0x0  }
.LBB2_2:
0x16: {  	p1 =	sne.s32 s26, $0xFFC0  }
0x17: {  	[tilespmem:s29+$0x2800] =	vst v0;
	s28 =	sadd.s32 $0x10, s28;
	s29 =	smov.u32 s26;
	s26 =	sadd.s32 $0x40, s26  }
.Ltmp0:
0x18: {  	(pc) =	sbr.rel @p1 .LBB2_2-.Ltmp0, $4  }
0x19: {  	_ = 	snop  }
0x1a: {  	s29 =	sand.u32 $0xFE00, s29  }
0x1b: {  	s30 =	sand.u32 $0x70, s28;
	s29 =	sshrl.u32 s29, $0x2  }
0x1c: {  	s29 =	sor.u32 s30, s29  }
0x1d: {  	[tilespmem:s29+$0x2800] =	vst v0  }
0x1e: {  	[spmem:s4] =	stream.linear.scatter [tilespmem:s13], [sflag:$0x2], $0x4000, $0x38;
	[tilespmem:$0x1A400] =	vst v63  }
0x1f: {  	_ =	swait.ge [sflag:s14], $0x4000  }
0x20: {  	[sflag:s14] =	ssyncset.done $0x0  }
0x21: {  	[sflag:s14] =	ssyncadd.s32 $0xFFFFC000  }
0x22: {  	[spmem:s5] =	stream.linear.scatter [tilespmem:s13], [sflag:$0x2], $0x4000, $0x38;
	[tilespmem:$0x1A400] =	vst v63  }
0x23: {  	_ =	swait.ge [sflag:s14], $0x4000  }
0x24: {  	[sflag:s14] =	ssyncset.done $0x0  }
0x25: {  	[sflag:s14] =	ssyncadd.s32 $0xFFFFC000  }
0x26: {  	[spmem:s6] =	stream.linear.scatter [tilespmem:s13], [sflag:$0x2], $0x4000, $0x38;
	[tilespmem:$0x1A400] =	vst v63  }
0x27: {  	_ =	swait.ge [sflag:s14], $0x4000  }
0x28: {  	[sflag:s14] =	ssyncset.done $0x0  }
0x29: {  	[sflag:s14] =	ssyncadd.s32 $0xFFFFC000  }
0x2a: {  	[spmem:s7] =	stream.linear.scatter [tilespmem:s13], [sflag:$0x2], $0x4000, $0x38;
	[tilespmem:$0x1A400] =	vst v63  }
0x2b: {  	_ =	swait.ge [sflag:s14], $0x4000  }
0x2c: {  	[sflag:s14] =	ssyncset.done $0x0  }
0x2d: {  	s26 =	simm.s32 @!p0 $0x2800;
	s28 =	simm.s32 @!p0 $0x2;
	[sflag:s14] =	ssyncadd.s32 $0xFFFFC000  }
0x2e: {  	[spmem:s8] =	stream.linear.scatter @!p0 [tilespmem:s26], [sflag:$0x2], $0x4000, $0x38;
	[tilespmem:$0x1A400] =	vst v63  }
0x2f: {  	s26 =	simm.s32 $0x0;
	_ =	swait.ge @!p0 [sflag:s28], $0x4000  }
0x30: {  	s29 =	sand.u32 $0xFE00, s26;
	[sflag:s28] =	ssyncset.done @!p0 $0x0  }
0x31: {  	s30 =	sand.u32 $0x70, s26;
	s29 =	sshrl.u32 s29, $0x2;
	[sflag:s28] =	ssyncadd.s32 @!p0 $0xFFFFC000  }
0x32: {  	s28 =	simm.s32 $0x40;
	s29 =	sor.u32 s30, s29;
	[bflag:$0x0] =	sbarrier.arrive $0xFFFF  }
.LBB2_4:
0x33: {  	p1 =	sne.s32 s28, $0xFFC0  }
0x34: {  	[tilespmem:s29+$0x2800] =	vst v1;
	s26 =	sadd.s32 $0x10, s26;
	s29 =	smov.u32 s28;
	s28 =	sadd.s32 $0x40, s28  }
.Ltmp1:
0x35: {  	(pc) =	sbr.rel @p1 .LBB2_4-.Ltmp1, $4  }
0x36: {  	_ = 	snop  }
0x37: {  	s29 =	sand.u32 $0xFE00, s29  }
0x38: {  	s30 =	sand.u32 $0x70, s26;
	s29 =	sshrl.u32 s29, $0x2  }
0x39: {  	s29 =	sor.u32 s30, s29  }
0x3a: {  	[tilespmem:s29+$0x2800] =	vst v1  }
0x3b: {  	[tilespmem:s3], [sflag:$0x2] =	stream.linear.gather [hbm4b:s9+s3], $0x2780, $0x38;
	[tilespmem:$0x1A400] =	vst v63  }
0x3c: {  	_ =	swait.ge [sflag:s14], $0x2780  }
0x3d: {  	[sflag:s14] =	ssyncset.done $0x0  }
0x3e: {  	[sflag:s14] =	ssyncadd.s32 $0xFFFFD880  }
0x3f: {  	[spmem:s2] =	stream.indirect.scatter.add.f32 [tilespmem:s13], [sflag:$0x1], $0x80, s3, s15, $0xb8;
	[tilespmem:$0x1A400] =	vst v63  }
0x40: {  	_ = 	snop  }
0x41: {  	[spmem:s2] =	stream.indirect.scatter.add.f32 [tilespmem:s13], [sflag:$0x1], $0x80, s15, s15, $0xb8;
	[tilespmem:$0x1A400] =	vst v63  }
0x42: {  	_ = 	snop  }
0x43: {  	[spmem:s2] =	stream.indirect.scatter.add.f32 [tilespmem:s13], [sflag:$0x1], $0x80, s16, s15, $0xb8;
	[tilespmem:$0x1A400] =	vst v63  }
0x44: {  	_ = 	snop  }
0x45: {  	[spmem:s2] =	stream.indirect.scatter.add.f32 [tilespmem:s13], [sflag:$0x1], $0x80, s17, s15, $0xb8;
	[tilespmem:$0x1A400] =	vst v63  }
0x46: {  	_ = 	snop  }
0x47: {  	[spmem:s2] =	stream.indirect.scatter.add.f32 [tilespmem:s13], [sflag:$0x1], $0x80, s18, s15, $0xb8;
	[tilespmem:$0x1A400] =	vst v63  }
0x48: {  	_ = 	snop  }
0x49: {  	[spmem:s2] =	stream.indirect.scatter.add.f32 [tilespmem:s13], [sflag:$0x1], $0x80, s19, s15, $0xb8;
	[tilespmem:$0x1A400] =	vst v63  }
0x4a: {  	_ = 	snop  }
0x4b: {  	[spmem:s2] =	stream.indirect.scatter.add.f32 [tilespmem:s13], [sflag:$0x1], $0x80, s20, s15, $0xb8;
	[tilespmem:$0x1A400] =	vst v63  }
0x4c: {  	_ = 	snop  }
0x4d: {  	[spmem:s2] =	stream.indirect.scatter.add.f32 [tilespmem:s13], [sflag:$0x1], $0x80, s21, s15, $0xb8;
	[tilespmem:$0x1A400] =	vst v63  }
0x4e: {  	_ =	swait.ge [sflag:s22], $0x4000  }
0x4f: {  	[sflag:s22] =	ssyncset.done $0x0  }
0x50: {  	s26 =	simm.s32 $0x1200;
	s28 =	simm.s32 $0x400;
	[sflag:s22] =	ssyncadd.s32 $0xFFFFC000  }
.LBB2_6:
0x51: {  	[spmem:s2] =	stream.indirect.scatter.add.f32 [tilespmem:s13], [sflag:$0x1], $0x80, s28, s15, $0xb8;
	[tilespmem:$0x1A400] =	vst v63  }
0x52: {  	s28 =	smov.u32 s26;
	p1 =	sne.s32 s26, $0x9C00  }
.Ltmp2:
0x53: {  	s26 =	sadd.s32 $0x200, s26;
	(pc) =	sbr.rel @p1 .LBB2_6-.Ltmp2, $4  }
0x54: {  	_ = 	snop  }
0x55: {  	_ =	swait.ge [sflag:s22], $0x4000  }
0x56: {  	[sflag:s22] =	ssyncset.done $0x0  }
0x57: {  	s28 =	sshra.s32 s28, $0x2;
	[sflag:s22] =	ssyncadd.s32 $0xFFFFC000  }
0x58: {  	[spmem:s2] =	stream.indirect.scatter.add.f32 [tilespmem:s13], [sflag:$0x1], $0x80, s28, s15, $0xb8;
	[tilespmem:$0x1A400] =	vst v63  }
0x59: {  	_ =	swait.ge [sflag:s22], $0x4000  }
0x5a: {  	[sflag:s22] =	ssyncset.done $0x0  }
0x5b: {  	[sflag:s22] =	ssyncadd.s32 $0xFFFFC000  }
0x5c: {  	_ =	swait.ge [sflag:s22], $0x4000  }
0x5d: {  	[sflag:s22] =	ssyncset.done $0x0  }
0x5e: {  	[sflag:s22] =	ssyncadd.s32 $0xFFFFC000  }
0x5f: {  	_ =	swait.ge [sflag:s22], $0x4000  }
0x60: {  	[sflag:s22] =	ssyncset.done $0x0  }
0x61: {  	[sflag:s22] =	ssyncadd.s32 $0xFFFFC000  }
0x62: {  	_ =	swait.ge [sflag:s22], $0x4000  }
0x63: {  	[sflag:s22] =	ssyncset.done $0x0  }
0x64: {  	[sflag:s22] =	ssyncadd.s32 $0xFFFFC000  }
0x65: {  	_ =	swait.ge [sflag:s22], $0x4000  }
0x66: {  	[sflag:s22] =	ssyncset.done $0x0  }
0x67: {  	[sflag:s22] =	ssyncadd.s32 $0xFFFFC000  }
0x68: {  	_ =	swait.ge [sflag:s22], $0x4000  }
0x69: {  	[sflag:s22] =	ssyncset.done $0x0  }
0x6a: {  	[sflag:s22] =	ssyncadd.s32 $0xFFFFC000  }
0x6b: {  	_ =	swait.ge [sflag:s22], $0x4000  }
0x6c: {  	[sflag:s22] =	ssyncset.done $0x0  }
0x6d: {  	[sflag:s22] =	ssyncadd.s32 $0xFFFFC000  }
0x6e: {  	_ =	swait.ge [sflag:s22], $0x4000  }
0x6f: {  	[sflag:s22] =	ssyncset.done $0x0  }
0x70: {  	[sflag:s22] =	ssyncadd.s32 $0xFFFFC000  }
0x71: {  	s26 =	simm.s32 @p0 $0x1FC2;
	[bflag:$0x0] =	sbarrier.arrive $0xFFFF  }
0x72: {  	[hbm:s11], [sflag:s26] =	dma.local @p0 [spmem:s23], $0x2080  }
0x73: {  	s26 =	simm.s32 @p0 $0x2  }
0x74: {  	_ =	swait.ge @p0 [sflag:s26], $0x2080  }
0x75: {  	s28 =	sshll.u32 @!p0 s0, $0x6;
	s25 =	sadd.s32 $0x1, s25;
	[sflag:s26] =	ssyncset.done @p0 $0x0  }
0x76: {  	p1 =	sne.s32 s25, s12;
	[sflag:s26] =	ssyncadd.s32 @p0 $0xFFFFDF80;
	s26 =	sor.u32 @!p0 $0x1C02, s28  }
0x77: {  	[hbm:s10], [sflag:s26] =	dma.local @!p0 [spmem:s24], $0x2780  }
.Ltmp3:
0x78: {  	_ = 	snop;
	(pc) =	sbr.rel @p1 .LBB2_1-.Ltmp3, $4  }
0x79: {  	s26 =	simm.s32 @!p0 $0x2  }
0x7a: {  	_ =	swait.ge @!p0 [sflag:s26], $0x2780  }
0x7b: {  	[sflag:s26] =	ssyncset.done @!p0 $0x0  }
0x7c: {  	[sflag:s26] =	ssyncadd.s32 @!p0 $0xFFFFD880  }
0x7d: {  	_ =	sfence.sel $0x180000  }
0x7e: {  	[bflag:$0x0] =	sbarrier.arrive $0xFFFF  }
0x7f: {  	p0 =	sne.s32 s0, $0x0;
	_ =	strace $0x90000047  }
0x80: {  	s0 =	sadd.s32 @!p0 $0x100000, s1;
	[bflag:$0x2] =	sbarrier.arrive $0xFFFF  }
0x81: {  	[sflag:s0] =	ssyncadd.tile.s32 @!p0 $0x1;
	_ =	shalt  }
.Lfunc_end2:
_tile_overlayer_lowered:
.L_overlay_start_2:
0x82: {  	(tag) =	ssettag $0x2  }
0x83: {  	s0 =	rddreg [dreg:$0x0];
	s2 =	stileid.u32  }
0x84: {  	s1 =	rddreg [dreg:$0x1];
	p0 =	sne.s32 s2, $0x0  }
0x85: {  	s3 =	rddreg [dreg:$0x2];
	[bflag:$0x3] =	sbarrier.arrive $0xFFFF;
	s2 =	simm.s32 @!p0 $0x1C02  }
0x86: {  	[timem:s3], [sflag:s2] =	dma.local @!p0 [hbm:s0], s1  }
0x87: {  	s0 =	simm.s32 @!p0 $0x2  }
0x88: {  	_ =	swait.ge @!p0 [sflag:s0], s1  }
0x89: {  	s1 =	ssub.s32 @!p0 $0x0, s1;
	[sflag:s0] =	ssyncset.done @!p0 $0x0  }
0x8a: {  	[sflag:s0] =	ssyncadd.s32 @!p0 s1  }
0x8b: {  	[bflag:$0x3] =	sbarrier.arrive $0xFFFF  }
0x8c: {  	_ =	shalt  }

// kernel: kernel.13.cloned.1.call-start
scs
__scs_entry_jumppad:
0x0: {  	(pc) =	sbr.rel $0x88, $3  }
0x1: {  	(tag) =	ssettag $0x0;
	lr =	simm.s32 $0x1  }
0x2: {  	[smem:$0x3F93] =	sst lr;
	_ =	strace $0xD0000000  }
0x3: {  	_ = 	snop  }
0x4: {  	_ = 	snop  }
0x5: {  	_ = 	snop  }
0x6: {  	_ = 	snop  }
0x7: {  	_ = 	snop  }
__scs_overlays_trampoline_lowered:
0x8: {  	[smem:$0x3FA2] =	sst s0  }
0x9: {  	[smem:$0x3FA3] =	sst s1  }
0xa: {  	[smem:$0x3FA4] =	sst s2  }
0xb: {  	[smem:$0x3FA5] =	sst s3  }
0xc: {  	[smem:$0x3FA6] =	sst s4  }
0xd: {  	[smem:$0x3FA7] =	sst s5  }
0xe: {  	[smem:$0x3FA8] =	sst s6  }
0xf: {  	[smem:$0x3FA9] =	sst s7  }
0x10: {  	[smem:$0x3FAA] =	sst s8  }
0x11: {  	[smem:$0x3FAB] =	sst s9;
	s0 =	simm.s32 @!p0 $0x0  }
0x12: {  	s1 =	sld [smem:$0x3F91];
	s0 =	simm.s32 @p0 $0x1  }
0x13: {  	[smem:$0x3FAC] =	sst s0;
	s0 =	simm.s32 @!p1 $0x0  }
0x14: {  	s2 =	sld [smem:$0x3F90];
	s0 =	simm.s32 @p1 $0x1  }
0x15: {  	[smem:$0x3FAD] =	sst s0;
	s0 =	simm.s32 @!p2 $0x0  }
0x16: {  	s3 =	sld [smem:$0x3FDB];
	s0 =	simm.s32 @p2 $0x1  }
0x17: {  	s4 =	simm.s32 $0x1BF5;
	[smem:$0x3FAF] =	sst s0  }
0x18: {  	s0 =	sld [smem:$0x3F92];
	_ =	swait.ge [sflag:s4], $0x0  }
0x19: {  	s7 =	sld [smem:$0x3F93]  }
0x1a: {  	s8 =	sadd.s32 $0xFFFFE003, lr  }
0x1b: {  	s9 =	sadd.s32 $0xFFFFFEF7, lr;
	s5 =	simm.s32 $0xFFFFFFFF;
	p2 =	slt.u32 s8, $0xFFFFF086  }
0x1c: {  	p1 =	slt.u32 s9, $0xF7A;
	s5 =	simm.s32 @!p2 $0x0  }
0x1d: {  	s5 =	simm.s32 @p1 $0x1;
	p0 =	seq.s32 s7, s2  }
0x1e: {  	s7 =	smul.u32 @!p0 $0xF7A, s2;
	p2 =	seq.s32 @!p0 s5, $0x0  }
0x1f: {  	s9 =	smul.u32 $0xF7A, s1;
	s8 =	simm.s32 @!p0 $0x1BF5;
	p2 =	por !p2, p0  }
0x20: {  	[sflag:s8] =	ssyncset.s32 @!p0 $0xFFFFF086;
	s6 =	sadd.s32 @!p0 s3, s7;
	s7 =	simm.s32 @!p0 $0x108  }
0x21: {  	s3 =	sadd.s32 s3, s9;
	s6 =	sadd.s32 @!p0 $0x88, s6;
	s7 =	simm.s32 @p2 $0x1082  }
0x22: {  	[simem:s7], [sflag:s8] =	dma.local @!p0 [hbm:s6], $0xF7A  }
0x23: {  	s9 =	sor.u32 $0xD0000000, s2;
	s6 =	simm.s32 $0x108;
	_ =	swait.ge @!p0 [sflag:s8], $0x0  }
0x24: {  	s3 =	sadd.s32 $0x88, s3;
	s6 =	simm.s32 @!p1 $0x1082;
	[sflag:s4] =	ssyncset.s32 $0xFFFFF086  }
0x25: {  	[simem:s6], [sflag:s4] =	dma.local [hbm:s3], $0xF7A  }
0x26: {  	[smem:$0x3F93] =	sst s1;
	(tag) =	ssettag s2;
	_ =	strace s9  }
0x27: {  	s1 =	sld [smem:$0x3FA3]  }
0x28: {  	s2 =	sld [smem:$0x3FA4]  }
0x29: {  	s4 =	sld [smem:$0x3FA6]  }
0x2a: {  	p0 =	seq.s32 s5, $0x0;
	s5 =	sld [smem:$0x3FA7]  }
0x2b: {  	s6 =	sld [smem:$0x3FA8]  }
0x2c: {  	s7 =	sld [smem:$0x3FA9]  }
0x2d: {  	s3 =	simm.s32 $0x108;
	s8 =	sld [smem:$0x3FAA]  }
0x2e: {  	s3 =	simm.s32 @!p0 $0x1082;
	s9 =	sld [smem:$0x3FAB]  }
0x2f: {  	lr =	sadd.s32 s0, s3;
	s0 =	sld [smem:$0x3FA2]  }
0x30: {  	s3 =	sld [smem:$0x3FA5]  }
0x31: {  	[smem:$0x3FAE] =	sst s10  }
0x32: {  	s10 =	sld [smem:$0x3FAC];
	_ =	sdelay $0x3  }
0x33: {  	p0 =	seq.s32 s10, $0x1;
	s10 =	sld [smem:$0x3FAE];
	_ =	sdelay $0x3  }
0x34: {  	[smem:$0x3FAE] =	sst s10  }
0x35: {  	s10 =	sld [smem:$0x3FAD];
	_ =	sdelay $0x3  }
0x36: {  	p1 =	seq.s32 s10, $0x1;
	s10 =	sld [smem:$0x3FAE];
	_ =	sdelay $0x3  }
0x37: {  	[smem:$0x3FAE] =	sst s10  }
0x38: {  	s10 =	sld [smem:$0x3FAF]  }
0x39: {  	_ = 	snop;
	(pc) =	sbr.ind lr, $3  }
0x3a: {  	_ = 	snop  }
0x3b: {  	_ = 	snop  }
0x3c: {  	p2 =	seq.s32 s10, $0x1;
	s10 =	sld [smem:$0x3FAE]  }
0x3d: {  	_ =	shalt  }
0x3e: {  	_ =	shalt  }
0x3f: {  	_ =	shalt  }
0x40: {  	_ =	shalt  }
0x41: {  	_ =	shalt  }
0x42: {  	_ =	shalt  }
0x43: {  	_ =	shalt  }
0x44: {  	_ =	shalt  }
0x45: {  	_ =	shalt  }
0x46: {  	_ =	shalt  }
0x47: {  	_ =	shalt  }
0x48: {  	_ =	shalt  }
0x49: {  	_ =	shalt  }
0x4a: {  	_ =	shalt  }
0x4b: {  	_ =	shalt  }
0x4c: {  	_ =	shalt  }
0x4d: {  	_ =	shalt  }
0x4e: {  	_ =	shalt  }
0x4f: {  	_ =	shalt  }
0x50: {  	_ =	shalt  }
0x51: {  	_ =	shalt  }
0x52: {  	_ =	shalt  }
0x53: {  	_ =	shalt  }
0x54: {  	_ =	shalt  }
0x55: {  	_ =	shalt  }
0x56: {  	_ =	shalt  }
0x57: {  	_ =	shalt  }
0x58: {  	_ =	shalt  }
0x59: {  	_ =	shalt  }
0x5a: {  	_ =	shalt  }
0x5b: {  	_ =	shalt  }
0x5c: {  	_ =	shalt  }
0x5d: {  	_ =	shalt  }
0x5e: {  	_ =	shalt  }
0x5f: {  	_ =	shalt  }
0x60: {  	_ =	shalt  }
0x61: {  	_ =	shalt  }
0x62: {  	_ =	shalt  }
0x63: {  	_ =	shalt  }
0x64: {  	_ =	shalt  }
0x65: {  	_ =	shalt  }
0x66: {  	_ =	shalt  }
0x67: {  	_ =	shalt  }
0x68: {  	_ =	shalt  }
0x69: {  	_ =	shalt  }
0x6a: {  	_ =	shalt  }
0x6b: {  	_ =	shalt  }
0x6c: {  	_ =	shalt  }
0x6d: {  	_ =	shalt  }
0x6e: {  	_ =	shalt  }
0x6f: {  	_ =	shalt  }
0x70: {  	_ =	shalt  }
0x71: {  	_ =	shalt  }
0x72: {  	_ =	shalt  }
0x73: {  	_ =	shalt  }
0x74: {  	_ =	shalt  }
0x75: {  	_ =	shalt  }
0x76: {  	_ =	shalt  }
0x77: {  	_ =	shalt  }
0x78: {  	_ =	shalt  }
0x79: {  	_ =	shalt  }
0x7a: {  	_ =	shalt  }
0x7b: {  	_ =	shalt  }
0x7c: {  	_ =	shalt  }
0x7d: {  	_ =	shalt  }
0x7e: {  	_ =	shalt  }
0x7f: {  	_ =	shalt  }
0x80: {  	_ =	shalt  }
0x81: {  	_ =	shalt  }
0x82: {  	_ =	shalt  }
0x83: {  	_ =	shalt  }
0x84: {  	_ =	shalt  }
0x85: {  	_ =	shalt  }
0x86: {  	_ =	shalt  }
0x87: {  	_ =	shalt  }
.Lfunc_end0:
.L_simem_size_0:
called_computation.1_lowered:
.L_overlay_start_0:
0x88: {  	s2 =	sld [smem:$0x3FD9]  }
0x89: {  	s3 =	sld [smem:$0x3FFE];
	_ =	sdelay $0x1  }
0x8a: {  	s1 =	srdreg.scid  }
0x8b: {  	s0 =	sand.u32 $0x1, s1  }
0x8c: {  	s16 =	sshll.u32 s0, $0xA;
	s2 =	sadd.s32 s3, s2  }
0x8d: {  	s2 =	sadd.s32 s2, s16  }
0x8e: {  	[smem:$0x3FBA] =	sst s2  }
0x8f: {  	_ = 	snop  }
0x90: {  	(tm) =	ssettm $0x1  }
0x91: {  	s17 =	sld [smem:$0x3FFB];
	_ =	sdelay $0x3  }
0x92: {  	_ =	strace s17  }
0x93: {  	s2 =	sld [smem:$0x3FFC];
	_ =	sdelay $0x3  }
0x94: {  	_ =	strace s2  }
0x95: {  	s2 =	sld [smem:$0x3FFD];
	_ =	sdelay $0x3  }
0x96: {  	_ =	strace s2  }
0x97: {  	_ =	strace $0x8FFFFFFF  }
0x98: {  	s18 =	sld [smem:$0x3FDB];
	_ =	sdelay $0x1  }
0x99: {  	s19 =	simm.s32 $_scs_section_size  }
0x9a: {  	s4 =	simm.s32 $_size__tile_overlayer_lowered;
	s5 =	simm.s32 $_tile_overlayer_lowered  }
0x9b: {  	s22 =	simm.s32 $0x1BFF;
	s21 =	sshll.u32 s5, $0x1;
	s2 =	sadd.s32 s19, s18  }
0x9c: {  	s6 =	simm.s32 $0x0;
	s20 =	sshll.u32 s4, $0x1;
	s4 =	sadd.s32 s21, s2  }
0x9d: {  	[timem:s6], [sflag:s22] =	dma.local [hbm:s4], s20  }
0x9e: {  	_ =	swait.ge [sflag:s22], s20  }
0x9f: {  	s3 =	ssub.s32 $0x0, s20;
	[sflag:s22] =	ssyncset.done $0x0  }
0xa0: {  	[sflag:s22] =	ssyncadd.s32 s3;
	_ =	sdelay $0x1  }
0xa1: {  	s23 =	simm.s32 $0x1B8B  }
0xa2: {  	_ =	swait.ge [sflag:s23], $0x1  }
0xa3: {  	[sflag:s23] =	ssyncset.done $0x0  }
0xa4: {  	s25 =	simm.s32 $0x1B8E;
	s24 =	sld [smem:$0x3FFE];
	[sflag:s23] =	ssyncadd.s32 $0xFFFFFFFF  }
0xa5: {  	s26 =	simm.s32 $execute0_lowered;
	[smem:$0x3FD2] =	sst s25  }
0xa6: {  	s4 =	sshll.u32 s26, $0x1;
	_ =	strace $0x80000049;
	[dreg:$0x1] =	wrdreg $0xFFFFFFFF  }
0xa7: {  	s28 =	simm.s32 $_size_execute0_lowered;
	s2 =	sadd.s32 s2, s4;
	[dreg:$0x0] =	wrdreg $0x0  }
0xa8: {  	s4 =	sshll.u32 s28, $0x1;
	[dreg:$0x2] =	wrdreg s2  }
0xa9: {  	[dreg:$0x3] =	wrdreg s4  }
0xaa: {  	[dreg:$0x4] =	wrdreg $0xC0  }
0xab: {  	_ =	task [dreg:s6], $0x5FFFF  }
0xac: {  	[dreg:$0x1] =	wrdreg $0xFFFFFFFF  }
0xad: {  	[dreg:$0x0] =	wrdreg $0x60  }
0xae: {  	[dreg:$0x2] =	wrdreg s24  }
0xaf: {  	[dreg:$0x3] =	wrdreg $0x90000  }
0xb0: {  	[dreg:$0x4] =	wrdreg $0x9  }
0xb1: {  	_ =	task.clear_ibuf [dreg:s6], $0x5FFFF;
	_ =	strace $0x90000049  }
0xb2: {  	s29 =	simm.s32 $0x9;
	_ =	strace $0x8000004B  }
0xb3: {  	_ =	swait.ge [sflag:s29], $0x1  }
0xb4: {  	[sflag:s29] =	ssyncadd.s32 $0xFFFFFFFF  }
0xb5: {  	_ =	strace $0x9000004B  }
0xb6: {  	_ =	sfence  }
0xb7: {  	s30 =	sld [smem:$0x0];
	_ =	sdelay $0x2  }
0xb8: {  	s31 =	sshll.u32 s1, $0xD;
	s1 =	sshrl.u32 s1, $0x2  }
0xb9: {  	s3 =	sand.u32 $0x4000, s31;
	s1 =	sadd.s32 s1, s30  }
0xba: {  	s0 =	sor.u32 s3, s0;
	s1 =	sshll.u32 s1, $0x11  }
0xbb: {  	s0 =	sor.u32 s1, s0  }
0xbc: {  	s0 =	sadd.s32 $0x8F2B, s0  }
0xbd: {  	[sflag:s0] =	ssyncadd.remote.s32 $0x1  }
0xbe: {  	_ =	sfence.sel $0xFFFF  }
0xbf: {  	[dreg:$0x0] =	wrdreg $0xFFFFFFFF;
	(pc) =	sbr.abs _section_cstart, $3  }
0xc0: {  	[dreg:$0x1] =	wrdreg $0xFFFFFFFF  }
0xc1: {  	_ =	task.clear_ibuf [dreg:s6], $0x2FFFF;
	_ =	strace $0x9FFFFFFF  }
0xc2: {  	(tm) =	ssettm $0x7FFFFFFF  }
0xc3: {  	_ =	shalt  }
tec
execute0_lowered:
.L_overlay_start_1:
0x0: {  	(tag) =	ssettag $0x1  }
0x1: {  	s5 =	rddreg [dreg:$0x0];
	s1 =	srdreg.scid  }
0x2: {  	s0 =	stileid.u32;
	s2 =	rddreg [dreg:$0x1]  }
0x3: {  	s3 =	simm.s32 $0x0;
	s18 =	simm.s32 $0x80;
	s19 =	simm.s32 $0x1  }
0x4: {  	s22 =	simm.s32 $0x0;
	s6 =	sand.u32 $0x1, s1;
	s7 =	smul.u32 $0x50000, s0  }
0x5: {  	s4 =	sshll.u32 s0, $0x1;
	s1 =	rddreg [dreg:$0x2];
	s15 =	smul.u32 $0x13C00, s0  }
0x6: {  	[smem:$0x7FF] =	sst s3;
	s13 =	sadd.s32 $0x6FA00, s5;
	s16 =	smul.u32 $0x4F000, s0  }
0x7: {  	s20 =	sadd.s32 $0x128400, s2;
	p0 =	seq.s32 s0, $0xF;
	s4 =	sor.u32 s6, s4  }
0x8: {  	_ =	strace $0x8000004A;
	s8 =	ssub.s32 $0x2, s6;
	s12 =	smul.u32 $0x138800, s6  }
0x9: {  	s20 =	sshrl.u32 @p0 s20, $0x3;
	s4 =	smul.u32 $0x500, s4;
	s31 =	sshrl.u32 s8, $0x1  }
0xa: {  	s7 =	sshrl.u32 s7, $0x2;
	s16 =	sshrl.u32 s16, $0x2;
	s14 =	ssub.s32 s8, s31  }
0xb: {  	s15 =	sadd.s32 s15, s12;
	s17 =	sshrl.u32 s12, $0x3;
	s21 =	sadd.s32 s16, s2  }
0xc: {  	s16 =	simm.s32 $0x2;
	s11 =	sadd.s32 s4, s5;
	s4 =	sadd.s32 $0x3800, s5  }
0xd: {  	s5 =	sadd.s32 s7, s2;
	s15 =	sshrl.u32 s15, $0x3;
	s14 =	smax.u32 s14, $0x1  }
0xe: {  	s21 =	sshrl.u32 @!p0 s21, $0x3;
	s6 =	sadd.s32 $0x4000, s5;
	s7 =	sadd.s32 $0x8000, s5  }
0xf: {  	s8 =	sadd.s32 $0xC000, s5;
	s9 =	sadd.s32 $0x10000, s5;
	s10 =	sadd.s32 $0x5BA00, s11  }
0x10: {  	s11 =	sadd.s32 $0x65A00, s11;
	s12 =	sadd.s32 s13, s15;
	s13 =	sadd.s32 s13, s17  }
0x11: {  	v0 =	vimm.f32 $0.0e+00;
	s15 =	simm.s32 $0x5000;
	s17 =	simm.s32 $0x2800;
	s13 =	sadd.s32 $0x25080, s13  }
.LBB2_1:
0x12: {  	s23 =	sand.u32 $0xFE00, s3  }
0x13: {  	s24 =	sand.u32 $0x70, s3;
	s25 =	sshrl.u32 s23, $0x2  }
0x14: {  	s23 =	simm.s32 $0x40;
	s25 =	sor.u32 s24, s25;
	s24 =	simm.s32 $0x0  }
.LBB2_2:
0x15: {  	p1 =	sne.s32 s23, $0xFFC0  }
0x16: {  	[tilespmem:s25+$0x5000] =	vst v0;
	s24 =	sadd.s32 $0x10, s24;
	s25 =	smov.u32 s23;
	s23 =	sadd.s32 $0x40, s23  }
.Ltmp0:
0x17: {  	(pc) =	sbr.rel @p1 .LBB2_2-.Ltmp0, $4  }
0x18: {  	_ = 	snop  }
0x19: {  	s25 =	sand.u32 $0xFE00, s25  }
0x1a: {  	s26 =	sand.u32 $0x70, s24;
	s25 =	sshrl.u32 s25, $0x2  }
0x1b: {  	s25 =	sor.u32 s26, s25  }
0x1c: {  	[tilespmem:s25+$0x5000] =	vst v0  }
0x1d: {  	[spmem:s5] =	stream.linear.scatter [tilespmem:s15], [sflag:$0x2], $0x4000, $0x38;
	[tilespmem:$0x1CC00] =	vst v63  }
0x1e: {  	_ =	swait.ge [sflag:s16], $0x4000  }
0x1f: {  	[sflag:s16] =	ssyncset.done $0x0  }
0x20: {  	[sflag:s16] =	ssyncadd.s32 $0xFFFFC000  }
0x21: {  	[spmem:s6] =	stream.linear.scatter [tilespmem:s15], [sflag:$0x2], $0x4000, $0x38;
	[tilespmem:$0x1CC00] =	vst v63  }
0x22: {  	_ =	swait.ge [sflag:s16], $0x4000  }
0x23: {  	[sflag:s16] =	ssyncset.done $0x0  }
0x24: {  	[sflag:s16] =	ssyncadd.s32 $0xFFFFC000  }
0x25: {  	[spmem:s7] =	stream.linear.scatter [tilespmem:s15], [sflag:$0x2], $0x4000, $0x38;
	[tilespmem:$0x1CC00] =	vst v63  }
0x26: {  	_ =	swait.ge [sflag:s16], $0x4000  }
0x27: {  	[sflag:s16] =	ssyncset.done $0x0  }
0x28: {  	[sflag:s16] =	ssyncadd.s32 $0xFFFFC000  }
0x29: {  	[spmem:s8] =	stream.linear.scatter [tilespmem:s15], [sflag:$0x2], $0x4000, $0x38;
	[tilespmem:$0x1CC00] =	vst v63  }
0x2a: {  	_ =	swait.ge [sflag:s16], $0x4000  }
0x2b: {  	[sflag:s16] =	ssyncset.done $0x0  }
0x2c: {  	s23 =	simm.s32 @!p0 $0x5000;
	[sflag:s16] =	ssyncadd.s32 $0xFFFFC000  }
0x2d: {  	[spmem:s9] =	stream.linear.scatter @!p0 [tilespmem:s23], [sflag:$0x2], $0x4000, $0x38;
	[tilespmem:$0x1CC00] =	vst v63  }
0x2e: {  	s23 =	simm.s32 @!p0 $0x2  }
0x2f: {  	_ =	swait.ge @!p0 [sflag:s23], $0x4000  }
0x30: {  	[sflag:s23] =	ssyncset.done @!p0 $0x0  }
0x31: {  	[sflag:s23] =	ssyncadd.s32 @!p0 $0xFFFFC000  }
0x32: {  	s29 =	simm.s32 $0x0;
	[bflag:$0x0] =	sbarrier.arrive $0xFFFF  }
0x33: {  	[tilespmem:s29], [sflag:$0x2] =	stream.linear.gather [hbm4b:s10+s29], $0x2780, $0x38;
	[tilespmem:$0x1CC00] =	vst v63  }
0x34: {  	_ =	swait.ge [sflag:s16], $0x2780  }
0x35: {  	[sflag:s16] =	ssyncset.done $0x0  }
0x36: {  	[sflag:s16] =	ssyncadd.s32 $0xFFFFD880  }
0x37: {  	[tilespmem:s17], [sflag:$0x2] =	stream.linear.gather [hbm4b:s11+s29], $0x2780, $0x38;
	[tilespmem:$0x1CC00] =	vst v63  }
0x38: {  	_ =	swait.ge [sflag:s16], $0x2780  }
0x39: {  	[sflag:s16] =	ssyncset.done $0x0  }
0x3a: {  	s30 =	simm.s32 $0x0;
	[sflag:s16] =	ssyncadd.s32 $0xFFFFD880  }
0x3b: {  	[tilespmem:s15], [sflag:$0x1] =	stream.indirect.gather [hbm4b:s4+s18], $0x80, s30, s18, $0xb8;
	[tilespmem:$0x1CC00] =	vst v63  }
0x3c: {  	_ =	swait.ge [sflag:s19], $0x4000  }
0x3d: {  	[sflag:s19] =	ssyncset.done $0x0  }
0x3e: {  	s31 =	simm.s32 $0x2800;
	[sflag:s19] =	ssyncadd.s32 $0xFFFFC000  }
0x3f: {  	[spmem:s2] =	stream.indirect.scatter.add.f32 [tilespmem:s15], [sflag:$0x2], $0x80, s31, s18, $0xb8;
	[tilespmem:$0x1CC00] =	vst v63  }
0x40: {  	_ =	swait.ge [sflag:s16], $0x4000  }
0x41: {  	s24 =	simm.s32 $0x400;
	s23 =	simm.s32 $0x200;
	[sflag:s16] =	ssyncset.done $0x0  }
.LBB2_4:
0x42: {  	s25 =	sshra.s32 s23, $0x2  }
0x43: {  	[sflag:s16] =	ssyncadd.s32 $0xFFFFC000;
	s23 =	smov.u32 s24;
	s26 =	sadd.s32 $0x200, s24  }
0x44: {  	[tilespmem:s15], [sflag:$0x1] =	stream.indirect.gather [hbm4b:s4+s18], $0x80, s25, s18, $0xb8;
	[tilespmem:$0x1CC00] =	vst v63  }
0x45: {  	p1 =	sne.s32 s24, $0x9C00;
	_ =	swait.ge [sflag:s19], $0x4000  }
.Ltmp1:
0x46: {  	[sflag:s19] =	ssyncset.done $0x0;
	(pc) =	sbr.rel @p1 .LBB2_4-.Ltmp1, $4  }
0x47: {  	s24 =	sadd.s32 $0x2800, s25;
	[sflag:s19] =	ssyncadd.s32 $0xFFFFC000  }
0x48: {  	[spmem:s2] =	stream.indirect.scatter.add.f32 [tilespmem:s15], [sflag:$0x2], $0x80, s24, s18, $0xb8;
	[tilespmem:$0x1CC00] =	vst v63  }
0x49: {  	_ =	swait.ge [sflag:s16], $0x4000  }
0x4a: {  	s24 =	smov.u32 s26;
	[sflag:s16] =	ssyncset.done $0x0  }
0x4b: {  	s23 =	sshra.s32 s23, $0x2;
	[sflag:s16] =	ssyncadd.s32 $0xFFFFC000  }
0x4c: {  	[tilespmem:s15], [sflag:$0x1] =	stream.indirect.gather [hbm4b:s4+s18], $0x80, s23, s18, $0xb8;
	[tilespmem:$0x1CC00] =	vst v63  }
0x4d: {  	_ =	swait.ge [sflag:s19], $0x4000  }
0x4e: {  	[sflag:s19] =	ssyncset.done $0x0  }
0x4f: {  	s23 =	sadd.s32 $0x2800, s23;
	[sflag:s19] =	ssyncadd.s32 $0xFFFFC000  }
0x50: {  	[spmem:s2] =	stream.indirect.scatter.add.f32 [tilespmem:s15], [sflag:$0x2], $0x80, s23, s18, $0xb8;
	[tilespmem:$0x1CC00] =	vst v63  }
0x51: {  	_ =	swait.ge [sflag:s16], $0x4000  }
0x52: {  	[sflag:s16] =	ssyncset.done $0x0  }
0x53: {  	[sflag:s16] =	ssyncadd.s32 $0xFFFFC000  }
0x54: {  	s23 =	simm.s32 @p0 $0x1FC2;
	[bflag:$0x0] =	sbarrier.arrive $0xFFFF  }
0x55: {  	[hbm:s13], [sflag:s23] =	dma.local @p0 [spmem:s20], $0x2080  }
0x56: {  	s23 =	simm.s32 @p0 $0x2  }
0x57: {  	_ =	swait.ge @p0 [sflag:s23], $0x2080  }
0x58: {  	s24 =	sshll.u32 @!p0 s0, $0x6;
	s22 =	sadd.s32 $0x1, s22;
	[sflag:s23] =	ssyncset.done @p0 $0x0  }
0x59: {  	p1 =	sne.s32 s22, s14;
	[sflag:s23] =	ssyncadd.s32 @p0 $0xFFFFDF80;
	s23 =	sor.u32 @!p0 $0x1C02, s24  }
0x5a: {  	[hbm:s12], [sflag:s23] =	dma.local @!p0 [spmem:s21], $0x2780  }
.Ltmp2:
0x5b: {  	_ = 	snop;
	(pc) =	sbr.rel @p1 .LBB2_1-.Ltmp2, $4  }
0x5c: {  	s23 =	simm.s32 @!p0 $0x2  }
0x5d: {  	_ =	swait.ge @!p0 [sflag:s23], $0x2780  }
0x5e: {  	[sflag:s23] =	ssyncset.done @!p0 $0x0  }
0x5f: {  	[sflag:s23] =	ssyncadd.s32 @!p0 $0xFFFFD880  }
0x60: {  	_ =	sfence.sel $0x180000  }
0x61: {  	[bflag:$0x0] =	sbarrier.arrive $0xFFFF  }
0x62: {  	p0 =	sne.s32 s0, $0x0;
	_ =	strace $0x9000004A  }
0x63: {  	s0 =	sadd.s32 @!p0 $0x100000, s1;
	[bflag:$0x2] =	sbarrier.arrive $0xFFFF  }
0x64: {  	[sflag:s0] =	ssyncadd.tile.s32 @!p0 $0x1;
	_ =	shalt  }
.Lfunc_end2:
_tile_overlayer_lowered:
.L_overlay_start_2:
0x65: {  	(tag) =	ssettag $0x2  }
0x66: {  	s0 =	rddreg [dreg:$0x0];
	s2 =	stileid.u32  }
0x67: {  	s1 =	rddreg [dreg:$0x1];
	p0 =	sne.s32 s2, $0x0  }
0x68: {  	s3 =	rddreg [dreg:$0x2];
	[bflag:$0x3] =	sbarrier.arrive $0xFFFF;
	s2 =	simm.s32 @!p0 $0x1C02  }
0x69: {  	[timem:s3], [sflag:s2] =	dma.local @!p0 [hbm:s0], s1  }
0x6a: {  	s0 =	simm.s32 @!p0 $0x2  }
0x6b: {  	_ =	swait.ge @!p0 [sflag:s0], s1  }
0x6c: {  	s1 =	ssub.s32 @!p0 $0x0, s1;
	[sflag:s0] =	ssyncset.done @!p0 $0x0  }
0x6d: {  	[sflag:s0] =	ssyncadd.s32 @!p0 s1  }
0x6e: {  	[bflag:$0x3] =	sbarrier.arrive $0xFFFF  }
0x6f: {  	_ =	shalt  }

// kernel: kernel.16.cloned.1.call-start
scs
__scs_entry_jumppad:
0x0: {  	(pc) =	sbr.rel $0x88, $3  }
0x1: {  	(tag) =	ssettag $0x0;
	lr =	simm.s32 $0x1  }
0x2: {  	[smem:$0x3F93] =	sst lr;
	_ =	strace $0xD0000000  }
0x3: {  	_ = 	snop  }
0x4: {  	_ = 	snop  }
0x5: {  	_ = 	snop  }
0x6: {  	_ = 	snop  }
0x7: {  	_ = 	snop  }
__scs_overlays_trampoline_lowered:
0x8: {  	[smem:$0x3FA2] =	sst s0  }
0x9: {  	[smem:$0x3FA3] =	sst s1  }
0xa: {  	[smem:$0x3FA4] =	sst s2  }
0xb: {  	[smem:$0x3FA5] =	sst s3  }
0xc: {  	[smem:$0x3FA6] =	sst s4  }
0xd: {  	[smem:$0x3FA7] =	sst s5  }
0xe: {  	[smem:$0x3FA8] =	sst s6  }
0xf: {  	[smem:$0x3FA9] =	sst s7  }
0x10: {  	[smem:$0x3FAA] =	sst s8  }
0x11: {  	[smem:$0x3FAB] =	sst s9;
	s0 =	simm.s32 @!p0 $0x0  }
0x12: {  	s1 =	sld [smem:$0x3F91];
	s0 =	simm.s32 @p0 $0x1  }
0x13: {  	[smem:$0x3FAC] =	sst s0;
	s0 =	simm.s32 @!p1 $0x0  }
0x14: {  	s2 =	sld [smem:$0x3F90];
	s0 =	simm.s32 @p1 $0x1  }
0x15: {  	[smem:$0x3FAD] =	sst s0;
	s0 =	simm.s32 @!p2 $0x0  }
0x16: {  	s3 =	sld [smem:$0x3FDB];
	s0 =	simm.s32 @p2 $0x1  }
0x17: {  	s4 =	simm.s32 $0x1BF5;
	[smem:$0x3FAF] =	sst s0  }
0x18: {  	s0 =	sld [smem:$0x3F92];
	_ =	swait.ge [sflag:s4], $0x0  }
0x19: {  	s7 =	sld [smem:$0x3F93]  }
0x1a: {  	s8 =	sadd.s32 $0xFFFFE003, lr  }
0x1b: {  	s9 =	sadd.s32 $0xFFFFFEF7, lr;
	s5 =	simm.s32 $0xFFFFFFFF;
	p2 =	slt.u32 s8, $0xFFFFF086  }
0x1c: {  	p1 =	slt.u32 s9, $0xF7A;
	s5 =	simm.s32 @!p2 $0x0  }
0x1d: {  	s5 =	simm.s32 @p1 $0x1;
	p0 =	seq.s32 s7, s2  }
0x1e: {  	s7 =	smul.u32 @!p0 $0xF7A, s2;
	p2 =	seq.s32 @!p0 s5, $0x0  }
0x1f: {  	s9 =	smul.u32 $0xF7A, s1;
	s8 =	simm.s32 @!p0 $0x1BF5;
	p2 =	por !p2, p0  }
0x20: {  	[sflag:s8] =	ssyncset.s32 @!p0 $0xFFFFF086;
	s6 =	sadd.s32 @!p0 s3, s7;
	s7 =	simm.s32 @!p0 $0x108  }
0x21: {  	s3 =	sadd.s32 s3, s9;
	s6 =	sadd.s32 @!p0 $0x88, s6;
	s7 =	simm.s32 @p2 $0x1082  }
0x22: {  	[simem:s7], [sflag:s8] =	dma.local @!p0 [hbm:s6], $0xF7A  }
0x23: {  	s9 =	sor.u32 $0xD0000000, s2;
	s6 =	simm.s32 $0x108;
	_ =	swait.ge @!p0 [sflag:s8], $0x0  }
0x24: {  	s3 =	sadd.s32 $0x88, s3;
	s6 =	simm.s32 @!p1 $0x1082;
	[sflag:s4] =	ssyncset.s32 $0xFFFFF086  }
0x25: {  	[simem:s6], [sflag:s4] =	dma.local [hbm:s3], $0xF7A  }
0x26: {  	[smem:$0x3F93] =	sst s1;
	(tag) =	ssettag s2;
	_ =	strace s9  }
0x27: {  	s1 =	sld [smem:$0x3FA3]  }
0x28: {  	s2 =	sld [smem:$0x3FA4]  }
0x29: {  	s4 =	sld [smem:$0x3FA6]  }
0x2a: {  	p0 =	seq.s32 s5, $0x0;
	s5 =	sld [smem:$0x3FA7]  }
0x2b: {  	s6 =	sld [smem:$0x3FA8]  }
0x2c: {  	s7 =	sld [smem:$0x3FA9]  }
0x2d: {  	s3 =	simm.s32 $0x108;
	s8 =	sld [smem:$0x3FAA]  }
0x2e: {  	s3 =	simm.s32 @!p0 $0x1082;
	s9 =	sld [smem:$0x3FAB]  }
0x2f: {  	lr =	sadd.s32 s0, s3;
	s0 =	sld [smem:$0x3FA2]  }
0x30: {  	s3 =	sld [smem:$0x3FA5]  }
0x31: {  	[smem:$0x3FAE] =	sst s10  }
0x32: {  	s10 =	sld [smem:$0x3FAC];
	_ =	sdelay $0x3  }
0x33: {  	p0 =	seq.s32 s10, $0x1;
	s10 =	sld [smem:$0x3FAE];
	_ =	sdelay $0x3  }
0x34: {  	[smem:$0x3FAE] =	sst s10  }
0x35: {  	s10 =	sld [smem:$0x3FAD];
	_ =	sdelay $0x3  }
0x36: {  	p1 =	seq.s32 s10, $0x1;
	s10 =	sld [smem:$0x3FAE];
	_ =	sdelay $0x3  }
0x37: {  	[smem:$0x3FAE] =	sst s10  }
0x38: {  	s10 =	sld [smem:$0x3FAF]  }
0x39: {  	_ = 	snop;
	(pc) =	sbr.ind lr, $3  }
0x3a: {  	_ = 	snop  }
0x3b: {  	_ = 	snop  }
0x3c: {  	p2 =	seq.s32 s10, $0x1;
	s10 =	sld [smem:$0x3FAE]  }
0x3d: {  	_ =	shalt  }
0x3e: {  	_ =	shalt  }
0x3f: {  	_ =	shalt  }
0x40: {  	_ =	shalt  }
0x41: {  	_ =	shalt  }
0x42: {  	_ =	shalt  }
0x43: {  	_ =	shalt  }
0x44: {  	_ =	shalt  }
0x45: {  	_ =	shalt  }
0x46: {  	_ =	shalt  }
0x47: {  	_ =	shalt  }
0x48: {  	_ =	shalt  }
0x49: {  	_ =	shalt  }
0x4a: {  	_ =	shalt  }
0x4b: {  	_ =	shalt  }
0x4c: {  	_ =	shalt  }
0x4d: {  	_ =	shalt  }
0x4e: {  	_ =	shalt  }
0x4f: {  	_ =	shalt  }
0x50: {  	_ =	shalt  }
0x51: {  	_ =	shalt  }
0x52: {  	_ =	shalt  }
0x53: {  	_ =	shalt  }
0x54: {  	_ =	shalt  }
0x55: {  	_ =	shalt  }
0x56: {  	_ =	shalt  }
0x57: {  	_ =	shalt  }
0x58: {  	_ =	shalt  }
0x59: {  	_ =	shalt  }
0x5a: {  	_ =	shalt  }
0x5b: {  	_ =	shalt  }
0x5c: {  	_ =	shalt  }
0x5d: {  	_ =	shalt  }
0x5e: {  	_ =	shalt  }
0x5f: {  	_ =	shalt  }
0x60: {  	_ =	shalt  }
0x61: {  	_ =	shalt  }
0x62: {  	_ =	shalt  }
0x63: {  	_ =	shalt  }
0x64: {  	_ =	shalt  }
0x65: {  	_ =	shalt  }
0x66: {  	_ =	shalt  }
0x67: {  	_ =	shalt  }
0x68: {  	_ =	shalt  }
0x69: {  	_ =	shalt  }
0x6a: {  	_ =	shalt  }
0x6b: {  	_ =	shalt  }
0x6c: {  	_ =	shalt  }
0x6d: {  	_ =	shalt  }
0x6e: {  	_ =	shalt  }
0x6f: {  	_ =	shalt  }
0x70: {  	_ =	shalt  }
0x71: {  	_ =	shalt  }
0x72: {  	_ =	shalt  }
0x73: {  	_ =	shalt  }
0x74: {  	_ =	shalt  }
0x75: {  	_ =	shalt  }
0x76: {  	_ =	shalt  }
0x77: {  	_ =	shalt  }
0x78: {  	_ =	shalt  }
0x79: {  	_ =	shalt  }
0x7a: {  	_ =	shalt  }
0x7b: {  	_ =	shalt  }
0x7c: {  	_ =	shalt  }
0x7d: {  	_ =	shalt  }
0x7e: {  	_ =	shalt  }
0x7f: {  	_ =	shalt  }
0x80: {  	_ =	shalt  }
0x81: {  	_ =	shalt  }
0x82: {  	_ =	shalt  }
0x83: {  	_ =	shalt  }
0x84: {  	_ =	shalt  }
0x85: {  	_ =	shalt  }
0x86: {  	_ =	shalt  }
0x87: {  	_ =	shalt  }
.Lfunc_end0:
.L_simem_size_0:
called_computation.2_lowered:
.L_overlay_start_0:
0x88: {  	s2 =	sld [smem:$0x3FD9]  }
0x89: {  	s3 =	sld [smem:$0x3FFE];
	_ =	sdelay $0x1  }
0x8a: {  	s1 =	srdreg.scid  }
0x8b: {  	s0 =	sand.u32 $0x1, s1  }
0x8c: {  	s16 =	sshll.u32 s0, $0xA;
	s2 =	sadd.s32 s3, s2  }
0x8d: {  	s2 =	sadd.s32 s2, s16  }
0x8e: {  	[smem:$0x3FBA] =	sst s2  }
0x8f: {  	_ = 	snop  }
0x90: {  	(tm) =	ssettm $0x1  }
0x91: {  	s17 =	sld [smem:$0x3FFB];
	_ =	sdelay $0x3  }
0x92: {  	_ =	strace s17  }
0x93: {  	s2 =	sld [smem:$0x3FFC];
	_ =	sdelay $0x3  }
0x94: {  	_ =	strace s2  }
0x95: {  	s2 =	sld [smem:$0x3FFD];
	_ =	sdelay $0x3  }
0x96: {  	_ =	strace s2  }
0x97: {  	_ =	strace $0x8FFFFFFF  }
0x98: {  	s18 =	sld [smem:$0x3FDB];
	_ =	sdelay $0x1  }
0x99: {  	s19 =	simm.s32 $_scs_section_size  }
0x9a: {  	s4 =	simm.s32 $_size__tile_overlayer_lowered;
	s5 =	simm.s32 $_tile_overlayer_lowered  }
0x9b: {  	s22 =	simm.s32 $0x1BFF;
	s21 =	sshll.u32 s5, $0x1;
	s2 =	sadd.s32 s19, s18  }
0x9c: {  	s6 =	simm.s32 $0x0;
	s20 =	sshll.u32 s4, $0x1;
	s4 =	sadd.s32 s21, s2  }
0x9d: {  	[timem:s6], [sflag:s22] =	dma.local [hbm:s4], s20  }
0x9e: {  	_ =	swait.ge [sflag:s22], s20  }
0x9f: {  	s3 =	ssub.s32 $0x0, s20;
	[sflag:s22] =	ssyncset.done $0x0  }
0xa0: {  	[sflag:s22] =	ssyncadd.s32 s3;
	_ =	sdelay $0x1  }
0xa1: {  	s23 =	simm.s32 $0x1B8B  }
0xa2: {  	_ =	swait.ge [sflag:s23], $0x1  }
0xa3: {  	[sflag:s23] =	ssyncset.done $0x0  }
0xa4: {  	s25 =	simm.s32 $0x1B8E;
	s24 =	sld [smem:$0x3FFE];
	[sflag:s23] =	ssyncadd.s32 $0xFFFFFFFF  }
0xa5: {  	s26 =	simm.s32 $execute0_lowered;
	[smem:$0x3FD2] =	sst s25  }
0xa6: {  	s4 =	sshll.u32 s26, $0x1;
	_ =	strace $0x8000004C;
	[dreg:$0x1] =	wrdreg $0xFFFFFFFF  }
0xa7: {  	s28 =	simm.s32 $_size_execute0_lowered;
	s2 =	sadd.s32 s2, s4;
	[dreg:$0x0] =	wrdreg $0x0  }
0xa8: {  	s4 =	sshll.u32 s28, $0x1;
	[dreg:$0x2] =	wrdreg s2  }
0xa9: {  	[dreg:$0x3] =	wrdreg s4  }
0xaa: {  	[dreg:$0x4] =	wrdreg $0xC0  }
0xab: {  	_ =	task [dreg:s6], $0x5FFFF  }
0xac: {  	[dreg:$0x1] =	wrdreg $0xFFFFFFFF  }
0xad: {  	[dreg:$0x0] =	wrdreg $0x60  }
0xae: {  	[dreg:$0x2] =	wrdreg s24  }
0xaf: {  	[dreg:$0x3] =	wrdreg $0x90000  }
0xb0: {  	[dreg:$0x4] =	wrdreg $0x9  }
0xb1: {  	_ =	task.clear_ibuf [dreg:s6], $0x5FFFF;
	_ =	strace $0x9000004C  }
0xb2: {  	s29 =	simm.s32 $0x9;
	_ =	strace $0x8000004E  }
0xb3: {  	_ =	swait.ge [sflag:s29], $0x1  }
0xb4: {  	[sflag:s29] =	ssyncadd.s32 $0xFFFFFFFF  }
0xb5: {  	_ =	strace $0x9000004E  }
0xb6: {  	_ =	sfence  }
0xb7: {  	s30 =	sld [smem:$0x0];
	_ =	sdelay $0x2  }
0xb8: {  	s31 =	sshll.u32 s1, $0xD;
	s1 =	sshrl.u32 s1, $0x2  }
0xb9: {  	s3 =	sand.u32 $0x4000, s31;
	s1 =	sadd.s32 s1, s30  }
0xba: {  	s0 =	sor.u32 s3, s0;
	s1 =	sshll.u32 s1, $0x11  }
0xbb: {  	s0 =	sor.u32 s1, s0  }
0xbc: {  	s0 =	sadd.s32 $0x8F2B, s0  }
0xbd: {  	[sflag:s0] =	ssyncadd.remote.s32 $0x1  }
0xbe: {  	_ =	sfence.sel $0xFFFF  }
0xbf: {  	[dreg:$0x0] =	wrdreg $0xFFFFFFFF;
	(pc) =	sbr.abs _section_cstart, $3  }
0xc0: {  	[dreg:$0x1] =	wrdreg $0xFFFFFFFF  }
0xc1: {  	_ =	task.clear_ibuf [dreg:s6], $0x2FFFF;
	_ =	strace $0x9FFFFFFF  }
0xc2: {  	(tm) =	ssettm $0x7FFFFFFF  }
0xc3: {  	_ =	shalt  }
tec
execute0_lowered:
.L_overlay_start_1:
0x0: {  	(tag) =	ssettag $0x1  }
0x1: {  	s5 =	rddreg [dreg:$0x0];
	s1 =	srdreg.scid  }
0x2: {  	s0 =	stileid.u32;
	s2 =	rddreg [dreg:$0x1]  }
0x3: {  	s3 =	simm.s32 $0x0;
	s18 =	simm.s32 $0x80;
	s19 =	simm.s32 $0x1  }
0x4: {  	s22 =	simm.s32 $0x0;
	s6 =	sand.u32 $0x1, s1;
	s7 =	smul.u32 $0x50000, s0  }
0x5: {  	s4 =	sshll.u32 s0, $0x1;
	s1 =	rddreg [dreg:$0x2];
	s15 =	smul.u32 $0x13C00, s0  }
0x6: {  	[smem:$0x7FF] =	sst s3;
	s13 =	sadd.s32 $0x6FA00, s5;
	s16 =	smul.u32 $0x4F000, s0  }
0x7: {  	s20 =	sadd.s32 $0x128400, s2;
	p0 =	seq.s32 s0, $0xF;
	s4 =	sor.u32 s6, s4  }
0x8: {  	_ =	strace $0x8000004D;
	s8 =	ssub.s32 $0x2, s6;
	s12 =	smul.u32 $0x138800, s6  }
0x9: {  	s20 =	sshrl.u32 @p0 s20, $0x3;
	s4 =	smul.u32 $0x500, s4;
	s31 =	sshrl.u32 s8, $0x1  }
0xa: {  	s7 =	sshrl.u32 s7, $0x2;
	s16 =	sshrl.u32 s16, $0x2;
	s14 =	ssub.s32 s8, s31  }
0xb: {  	s15 =	sadd.s32 s15, s12;
	s17 =	sshrl.u32 s12, $0x3;
	s21 =	sadd.s32 s16, s2  }
0xc: {  	s16 =	simm.s32 $0x2;
	s11 =	sadd.s32 s4, s5;
	s4 =	sadd.s32 $0x3800, s5  }
0xd: {  	s5 =	sadd.s32 s7, s2;
	s15 =	sshrl.u32 s15, $0x3;
	s14 =	smax.u32 s14, $0x1  }
0xe: {  	s21 =	sshrl.u32 @!p0 s21, $0x3;
	s6 =	sadd.s32 $0x4000, s5;
	s7 =	sadd.s32 $0x8000, s5  }
0xf: {  	s8 =	sadd.s32 $0xC000, s5;
	s9 =	sadd.s32 $0x10000, s5;
	s10 =	sadd.s32 $0x5BA00, s11  }
0x10: {  	s11 =	sadd.s32 $0x65A00, s11;
	s12 =	sadd.s32 s13, s15;
	s13 =	sadd.s32 s13, s17  }
0x11: {  	v0 =	vimm.f32 $0.0e+00;
	s15 =	simm.s32 $0x5000;
	s17 =	simm.s32 $0x2800;
	s13 =	sadd.s32 $0x25080, s13  }
.LBB2_1:
0x12: {  	s23 =	sand.u32 $0xFE00, s3  }
0x13: {  	s24 =	sand.u32 $0x70, s3;
	s25 =	sshrl.u32 s23, $0x2  }
0x14: {  	s23 =	simm.s32 $0x40;
	s25 =	sor.u32 s24, s25;
	s24 =	simm.s32 $0x0  }
.LBB2_2:
0x15: {  	p1 =	sne.s32 s23, $0xFFC0  }
0x16: {  	[tilespmem:s25+$0x5000] =	vst v0;
	s24 =	sadd.s32 $0x10, s24;
	s25 =	smov.u32 s23;
	s23 =	sadd.s32 $0x40, s23  }
.Ltmp0:
0x17: {  	(pc) =	sbr.rel @p1 .LBB2_2-.Ltmp0, $4  }
0x18: {  	_ = 	snop  }
0x19: {  	s25 =	sand.u32 $0xFE00, s25  }
0x1a: {  	s26 =	sand.u32 $0x70, s24;
	s25 =	sshrl.u32 s25, $0x2  }
0x1b: {  	s25 =	sor.u32 s26, s25  }
0x1c: {  	[tilespmem:s25+$0x5000] =	vst v0  }
0x1d: {  	[spmem:s5] =	stream.linear.scatter [tilespmem:s15], [sflag:$0x2], $0x4000, $0x38;
	[tilespmem:$0x1CC00] =	vst v63  }
0x1e: {  	_ =	swait.ge [sflag:s16], $0x4000  }
0x1f: {  	[sflag:s16] =	ssyncset.done $0x0  }
0x20: {  	[sflag:s16] =	ssyncadd.s32 $0xFFFFC000  }
0x21: {  	[spmem:s6] =	stream.linear.scatter [tilespmem:s15], [sflag:$0x2], $0x4000, $0x38;
	[tilespmem:$0x1CC00] =	vst v63  }
0x22: {  	_ =	swait.ge [sflag:s16], $0x4000  }
0x23: {  	[sflag:s16] =	ssyncset.done $0x0  }
0x24: {  	[sflag:s16] =	ssyncadd.s32 $0xFFFFC000  }
0x25: {  	[spmem:s7] =	stream.linear.scatter [tilespmem:s15], [sflag:$0x2], $0x4000, $0x38;
	[tilespmem:$0x1CC00] =	vst v63  }
0x26: {  	_ =	swait.ge [sflag:s16], $0x4000  }
0x27: {  	[sflag:s16] =	ssyncset.done $0x0  }
0x28: {  	[sflag:s16] =	ssyncadd.s32 $0xFFFFC000  }
0x29: {  	[spmem:s8] =	stream.linear.scatter [tilespmem:s15], [sflag:$0x2], $0x4000, $0x38;
	[tilespmem:$0x1CC00] =	vst v63  }
0x2a: {  	_ =	swait.ge [sflag:s16], $0x4000  }
0x2b: {  	[sflag:s16] =	ssyncset.done $0x0  }
0x2c: {  	s23 =	simm.s32 @!p0 $0x5000;
	[sflag:s16] =	ssyncadd.s32 $0xFFFFC000  }
0x2d: {  	[spmem:s9] =	stream.linear.scatter @!p0 [tilespmem:s23], [sflag:$0x2], $0x4000, $0x38;
	[tilespmem:$0x1CC00] =	vst v63  }
0x2e: {  	s23 =	simm.s32 @!p0 $0x2  }
0x2f: {  	_ =	swait.ge @!p0 [sflag:s23], $0x4000  }
0x30: {  	[sflag:s23] =	ssyncset.done @!p0 $0x0  }
0x31: {  	[sflag:s23] =	ssyncadd.s32 @!p0 $0xFFFFC000  }
0x32: {  	s29 =	simm.s32 $0x0;
	[bflag:$0x0] =	sbarrier.arrive $0xFFFF  }
0x33: {  	[tilespmem:s29], [sflag:$0x2] =	stream.linear.gather [hbm4b:s10+s29], $0x2780, $0x38;
	[tilespmem:$0x1CC00] =	vst v63  }
0x34: {  	_ =	swait.ge [sflag:s16], $0x2780  }
0x35: {  	[sflag:s16] =	ssyncset.done $0x0  }
0x36: {  	[sflag:s16] =	ssyncadd.s32 $0xFFFFD880  }
0x37: {  	[tilespmem:s17], [sflag:$0x2] =	stream.linear.gather [hbm4b:s11+s29], $0x2780, $0x38;
	[tilespmem:$0x1CC00] =	vst v63  }
0x38: {  	_ =	swait.ge [sflag:s16], $0x2780  }
0x39: {  	[sflag:s16] =	ssyncset.done $0x0  }
0x3a: {  	s30 =	simm.s32 $0x0;
	[sflag:s16] =	ssyncadd.s32 $0xFFFFD880  }
0x3b: {  	[tilespmem:s15], [sflag:$0x1] =	stream.indirect.gather [hbm4b:s4+s18], $0x80, s30, s18, $0xb8;
	[tilespmem:$0x1CC00] =	vst v63  }
0x3c: {  	_ =	swait.ge [sflag:s19], $0x4000  }
0x3d: {  	[sflag:s19] =	ssyncset.done $0x0  }
0x3e: {  	s31 =	simm.s32 $0x2800;
	[sflag:s19] =	ssyncadd.s32 $0xFFFFC000  }
0x3f: {  	[spmem:s2] =	stream.indirect.scatter.add.f32 [tilespmem:s15], [sflag:$0x2], $0x80, s31, s18, $0xb8;
	[tilespmem:$0x1CC00] =	vst v63  }
0x40: {  	_ =	swait.ge [sflag:s16], $0x4000  }
0x41: {  	s24 =	simm.s32 $0x400;
	s23 =	simm.s32 $0x200;
	[sflag:s16] =	ssyncset.done $0x0  }
.LBB2_4:
0x42: {  	s25 =	sshra.s32 s23, $0x2  }
0x43: {  	[sflag:s16] =	ssyncadd.s32 $0xFFFFC000;
	s23 =	smov.u32 s24;
	s26 =	sadd.s32 $0x200, s24  }
0x44: {  	[tilespmem:s15], [sflag:$0x1] =	stream.indirect.gather [hbm4b:s4+s18], $0x80, s25, s18, $0xb8;
	[tilespmem:$0x1CC00] =	vst v63  }
0x45: {  	p1 =	sne.s32 s24, $0x9C00;
	_ =	swait.ge [sflag:s19], $0x4000  }
.Ltmp1:
0x46: {  	[sflag:s19] =	ssyncset.done $0x0;
	(pc) =	sbr.rel @p1 .LBB2_4-.Ltmp1, $4  }
0x47: {  	s24 =	sadd.s32 $0x2800, s25;
	[sflag:s19] =	ssyncadd.s32 $0xFFFFC000  }
0x48: {  	[spmem:s2] =	stream.indirect.scatter.add.f32 [tilespmem:s15], [sflag:$0x2], $0x80, s24, s18, $0xb8;
	[tilespmem:$0x1CC00] =	vst v63  }
0x49: {  	_ =	swait.ge [sflag:s16], $0x4000  }
0x4a: {  	s24 =	smov.u32 s26;
	[sflag:s16] =	ssyncset.done $0x0  }
0x4b: {  	s23 =	sshra.s32 s23, $0x2;
	[sflag:s16] =	ssyncadd.s32 $0xFFFFC000  }
0x4c: {  	[tilespmem:s15], [sflag:$0x1] =	stream.indirect.gather [hbm4b:s4+s18], $0x80, s23, s18, $0xb8;
	[tilespmem:$0x1CC00] =	vst v63  }
0x4d: {  	_ =	swait.ge [sflag:s19], $0x4000  }
0x4e: {  	[sflag:s19] =	ssyncset.done $0x0  }
0x4f: {  	s23 =	sadd.s32 $0x2800, s23;
	[sflag:s19] =	ssyncadd.s32 $0xFFFFC000  }
0x50: {  	[spmem:s2] =	stream.indirect.scatter.add.f32 [tilespmem:s15], [sflag:$0x2], $0x80, s23, s18, $0xb8;
	[tilespmem:$0x1CC00] =	vst v63  }
0x51: {  	_ =	swait.ge [sflag:s16], $0x4000  }
0x52: {  	[sflag:s16] =	ssyncset.done $0x0  }
0x53: {  	[sflag:s16] =	ssyncadd.s32 $0xFFFFC000  }
0x54: {  	s23 =	simm.s32 @p0 $0x1FC2;
	[bflag:$0x0] =	sbarrier.arrive $0xFFFF  }
0x55: {  	[hbm:s13], [sflag:s23] =	dma.local @p0 [spmem:s20], $0x2080  }
0x56: {  	s23 =	simm.s32 @p0 $0x2  }
0x57: {  	_ =	swait.ge @p0 [sflag:s23], $0x2080  }
0x58: {  	s24 =	sshll.u32 @!p0 s0, $0x6;
	s22 =	sadd.s32 $0x1, s22;
	[sflag:s23] =	ssyncset.done @p0 $0x0  }
0x59: {  	p1 =	sne.s32 s22, s14;
	[sflag:s23] =	ssyncadd.s32 @p0 $0xFFFFDF80;
	s23 =	sor.u32 @!p0 $0x1C02, s24  }
0x5a: {  	[hbm:s12], [sflag:s23] =	dma.local @!p0 [spmem:s21], $0x2780  }
.Ltmp2:
0x5b: {  	_ = 	snop;
	(pc) =	sbr.rel @p1 .LBB2_1-.Ltmp2, $4  }
0x5c: {  	s23 =	simm.s32 @!p0 $0x2  }
0x5d: {  	_ =	swait.ge @!p0 [sflag:s23], $0x2780  }
0x5e: {  	[sflag:s23] =	ssyncset.done @!p0 $0x0  }
0x5f: {  	[sflag:s23] =	ssyncadd.s32 @!p0 $0xFFFFD880  }
0x60: {  	_ =	sfence.sel $0x180000  }
0x61: {  	[bflag:$0x0] =	sbarrier.arrive $0xFFFF  }
0x62: {  	p0 =	sne.s32 s0, $0x0;
	_ =	strace $0x9000004D  }
0x63: {  	s0 =	sadd.s32 @!p0 $0x100000, s1;
	[bflag:$0x2] =	sbarrier.arrive $0xFFFF  }
0x64: {  	[sflag:s0] =	ssyncadd.tile.s32 @!p0 $0x1;
	_ =	shalt  }
.Lfunc_end2:
_tile_overlayer_lowered:
.L_overlay_start_2:
0x65: {  	(tag) =	ssettag $0x2  }
0x66: {  	s0 =	rddreg [dreg:$0x0];
	s2 =	stileid.u32  }
0x67: {  	s1 =	rddreg [dreg:$0x1];
	p0 =	sne.s32 s2, $0x0  }
0x68: {  	s3 =	rddreg [dreg:$0x2];
	[bflag:$0x3] =	sbarrier.arrive $0xFFFF;
	s2 =	simm.s32 @!p0 $0x1C02  }
0x69: {  	[timem:s3], [sflag:s2] =	dma.local @!p0 [hbm:s0], s1  }
0x6a: {  	s0 =	simm.s32 @!p0 $0x2  }
0x6b: {  	_ =	swait.ge @!p0 [sflag:s0], s1  }
0x6c: {  	s1 =	ssub.s32 @!p0 $0x0, s1;
	[sflag:s0] =	ssyncset.done @!p0 $0x0  }
0x6d: {  	[sflag:s0] =	ssyncadd.s32 @!p0 s1  }
0x6e: {  	[bflag:$0x3] =	sbarrier.arrive $0xFFFF  }
0x6f: {  	_ =	shalt  }

// kernel: kernel.19.cloned.1.call-start
scs
__scs_entry_jumppad:
0x0: {  	(pc) =	sbr.rel $0x88, $3  }
0x1: {  	(tag) =	ssettag $0x0;
	lr =	simm.s32 $0x1  }
0x2: {  	[smem:$0x3F93] =	sst lr;
	_ =	strace $0xD0000000  }
0x3: {  	_ = 	snop  }
0x4: {  	_ = 	snop  }
0x5: {  	_ = 	snop  }
0x6: {  	_ = 	snop  }
0x7: {  	_ = 	snop  }
__scs_overlays_trampoline_lowered:
0x8: {  	[smem:$0x3FA2] =	sst s0  }
0x9: {  	[smem:$0x3FA3] =	sst s1  }
0xa: {  	[smem:$0x3FA4] =	sst s2  }
0xb: {  	[smem:$0x3FA5] =	sst s3  }
0xc: {  	[smem:$0x3FA6] =	sst s4  }
0xd: {  	[smem:$0x3FA7] =	sst s5  }
0xe: {  	[smem:$0x3FA8] =	sst s6  }
0xf: {  	[smem:$0x3FA9] =	sst s7  }
0x10: {  	[smem:$0x3FAA] =	sst s8  }
0x11: {  	[smem:$0x3FAB] =	sst s9;
	s0 =	simm.s32 @!p0 $0x0  }
0x12: {  	s1 =	sld [smem:$0x3F91];
	s0 =	simm.s32 @p0 $0x1  }
0x13: {  	[smem:$0x3FAC] =	sst s0;
	s0 =	simm.s32 @!p1 $0x0  }
0x14: {  	s2 =	sld [smem:$0x3F90];
	s0 =	simm.s32 @p1 $0x1  }
0x15: {  	[smem:$0x3FAD] =	sst s0;
	s0 =	simm.s32 @!p2 $0x0  }
0x16: {  	s3 =	sld [smem:$0x3FDB];
	s0 =	simm.s32 @p2 $0x1  }
0x17: {  	s4 =	simm.s32 $0x1BF5;
	[smem:$0x3FAF] =	sst s0  }
0x18: {  	s0 =	sld [smem:$0x3F92];
	_ =	swait.ge [sflag:s4], $0x0  }
0x19: {  	s7 =	sld [smem:$0x3F93]  }
0x1a: {  	s8 =	sadd.s32 $0xFFFFE003, lr  }
0x1b: {  	s9 =	sadd.s32 $0xFFFFFEF7, lr;
	s5 =	simm.s32 $0xFFFFFFFF;
	p2 =	slt.u32 s8, $0xFFFFF086  }
0x1c: {  	p1 =	slt.u32 s9, $0xF7A;
	s5 =	simm.s32 @!p2 $0x0  }
0x1d: {  	s5 =	simm.s32 @p1 $0x1;
	p0 =	seq.s32 s7, s2  }
0x1e: {  	s7 =	smul.u32 @!p0 $0xF7A, s2;
	p2 =	seq.s32 @!p0 s5, $0x0  }
0x1f: {  	s9 =	smul.u32 $0xF7A, s1;
	s8 =	simm.s32 @!p0 $0x1BF5;
	p2 =	por !p2, p0  }
0x20: {  	[sflag:s8] =	ssyncset.s32 @!p0 $0xFFFFF086;
	s6 =	sadd.s32 @!p0 s3, s7;
	s7 =	simm.s32 @!p0 $0x108  }
0x21: {  	s3 =	sadd.s32 s3, s9;
	s6 =	sadd.s32 @!p0 $0x88, s6;
	s7 =	simm.s32 @p2 $0x1082  }
0x22: {  	[simem:s7], [sflag:s8] =	dma.local @!p0 [hbm:s6], $0xF7A  }
0x23: {  	s9 =	sor.u32 $0xD0000000, s2;
	s6 =	simm.s32 $0x108;
	_ =	swait.ge @!p0 [sflag:s8], $0x0  }
0x24: {  	s3 =	sadd.s32 $0x88, s3;
	s6 =	simm.s32 @!p1 $0x1082;
	[sflag:s4] =	ssyncset.s32 $0xFFFFF086  }
0x25: {  	[simem:s6], [sflag:s4] =	dma.local [hbm:s3], $0xF7A  }
0x26: {  	[smem:$0x3F93] =	sst s1;
	(tag) =	ssettag s2;
	_ =	strace s9  }
0x27: {  	s1 =	sld [smem:$0x3FA3]  }
0x28: {  	s2 =	sld [smem:$0x3FA4]  }
0x29: {  	s4 =	sld [smem:$0x3FA6]  }
0x2a: {  	p0 =	seq.s32 s5, $0x0;
	s5 =	sld [smem:$0x3FA7]  }
0x2b: {  	s6 =	sld [smem:$0x3FA8]  }
0x2c: {  	s7 =	sld [smem:$0x3FA9]  }
0x2d: {  	s3 =	simm.s32 $0x108;
	s8 =	sld [smem:$0x3FAA]  }
0x2e: {  	s3 =	simm.s32 @!p0 $0x1082;
	s9 =	sld [smem:$0x3FAB]  }
0x2f: {  	lr =	sadd.s32 s0, s3;
	s0 =	sld [smem:$0x3FA2]  }
0x30: {  	s3 =	sld [smem:$0x3FA5]  }
0x31: {  	[smem:$0x3FAE] =	sst s10  }
0x32: {  	s10 =	sld [smem:$0x3FAC];
	_ =	sdelay $0x3  }
0x33: {  	p0 =	seq.s32 s10, $0x1;
	s10 =	sld [smem:$0x3FAE];
	_ =	sdelay $0x3  }
0x34: {  	[smem:$0x3FAE] =	sst s10  }
0x35: {  	s10 =	sld [smem:$0x3FAD];
	_ =	sdelay $0x3  }
0x36: {  	p1 =	seq.s32 s10, $0x1;
	s10 =	sld [smem:$0x3FAE];
	_ =	sdelay $0x3  }
0x37: {  	[smem:$0x3FAE] =	sst s10  }
0x38: {  	s10 =	sld [smem:$0x3FAF]  }
0x39: {  	_ = 	snop;
	(pc) =	sbr.ind lr, $3  }
0x3a: {  	_ = 	snop  }
0x3b: {  	_ = 	snop  }
0x3c: {  	p2 =	seq.s32 s10, $0x1;
	s10 =	sld [smem:$0x3FAE]  }
0x3d: {  	_ =	shalt  }
0x3e: {  	_ =	shalt  }
0x3f: {  	_ =	shalt  }
0x40: {  	_ =	shalt  }
0x41: {  	_ =	shalt  }
0x42: {  	_ =	shalt  }
0x43: {  	_ =	shalt  }
0x44: {  	_ =	shalt  }
0x45: {  	_ =	shalt  }
0x46: {  	_ =	shalt  }
0x47: {  	_ =	shalt  }
0x48: {  	_ =	shalt  }
0x49: {  	_ =	shalt  }
0x4a: {  	_ =	shalt  }
0x4b: {  	_ =	shalt  }
0x4c: {  	_ =	shalt  }
0x4d: {  	_ =	shalt  }
0x4e: {  	_ =	shalt  }
0x4f: {  	_ =	shalt  }
0x50: {  	_ =	shalt  }
0x51: {  	_ =	shalt  }
0x52: {  	_ =	shalt  }
0x53: {  	_ =	shalt  }
0x54: {  	_ =	shalt  }
0x55: {  	_ =	shalt  }
0x56: {  	_ =	shalt  }
0x57: {  	_ =	shalt  }
0x58: {  	_ =	shalt  }
0x59: {  	_ =	shalt  }
0x5a: {  	_ =	shalt  }
0x5b: {  	_ =	shalt  }
0x5c: {  	_ =	shalt  }
0x5d: {  	_ =	shalt  }
0x5e: {  	_ =	shalt  }
0x5f: {  	_ =	shalt  }
0x60: {  	_ =	shalt  }
0x61: {  	_ =	shalt  }
0x62: {  	_ =	shalt  }
0x63: {  	_ =	shalt  }
0x64: {  	_ =	shalt  }
0x65: {  	_ =	shalt  }
0x66: {  	_ =	shalt  }
0x67: {  	_ =	shalt  }
0x68: {  	_ =	shalt  }
0x69: {  	_ =	shalt  }
0x6a: {  	_ =	shalt  }
0x6b: {  	_ =	shalt  }
0x6c: {  	_ =	shalt  }
0x6d: {  	_ =	shalt  }
0x6e: {  	_ =	shalt  }
0x6f: {  	_ =	shalt  }
0x70: {  	_ =	shalt  }
0x71: {  	_ =	shalt  }
0x72: {  	_ =	shalt  }
0x73: {  	_ =	shalt  }
0x74: {  	_ =	shalt  }
0x75: {  	_ =	shalt  }
0x76: {  	_ =	shalt  }
0x77: {  	_ =	shalt  }
0x78: {  	_ =	shalt  }
0x79: {  	_ =	shalt  }
0x7a: {  	_ =	shalt  }
0x7b: {  	_ =	shalt  }
0x7c: {  	_ =	shalt  }
0x7d: {  	_ =	shalt  }
0x7e: {  	_ =	shalt  }
0x7f: {  	_ =	shalt  }
0x80: {  	_ =	shalt  }
0x81: {  	_ =	shalt  }
0x82: {  	_ =	shalt  }
0x83: {  	_ =	shalt  }
0x84: {  	_ =	shalt  }
0x85: {  	_ =	shalt  }
0x86: {  	_ =	shalt  }
0x87: {  	_ =	shalt  }
.Lfunc_end0:
.L_simem_size_0:
called_computation.3_lowered:
.L_overlay_start_0:
0x88: {  	s2 =	sld [smem:$0x3FD9]  }
0x89: {  	s3 =	sld [smem:$0x3FFE];
	_ =	sdelay $0x1  }
0x8a: {  	s1 =	srdreg.scid  }
0x8b: {  	s0 =	sand.u32 $0x1, s1  }
0x8c: {  	s16 =	sshll.u32 s0, $0xA;
	s2 =	sadd.s32 s3, s2  }
0x8d: {  	s2 =	sadd.s32 s2, s16  }
0x8e: {  	[smem:$0x3FBA] =	sst s2  }
0x8f: {  	_ = 	snop  }
0x90: {  	(tm) =	ssettm $0x1  }
0x91: {  	s17 =	sld [smem:$0x3FFB];
	_ =	sdelay $0x3  }
0x92: {  	_ =	strace s17  }
0x93: {  	s2 =	sld [smem:$0x3FFC];
	_ =	sdelay $0x3  }
0x94: {  	_ =	strace s2  }
0x95: {  	s2 =	sld [smem:$0x3FFD];
	_ =	sdelay $0x3  }
0x96: {  	_ =	strace s2  }
0x97: {  	_ =	strace $0x8FFFFFFF  }
0x98: {  	s18 =	sld [smem:$0x3FDB];
	_ =	sdelay $0x1  }
0x99: {  	s19 =	simm.s32 $_scs_section_size  }
0x9a: {  	s4 =	simm.s32 $_size__tile_overlayer_lowered;
	s5 =	simm.s32 $_tile_overlayer_lowered  }
0x9b: {  	s22 =	simm.s32 $0x1BFF;
	s21 =	sshll.u32 s5, $0x1;
	s2 =	sadd.s32 s19, s18  }
0x9c: {  	s6 =	simm.s32 $0x0;
	s20 =	sshll.u32 s4, $0x1;
	s4 =	sadd.s32 s21, s2  }
0x9d: {  	[timem:s6], [sflag:s22] =	dma.local [hbm:s4], s20  }
0x9e: {  	_ =	swait.ge [sflag:s22], s20  }
0x9f: {  	s3 =	ssub.s32 $0x0, s20;
	[sflag:s22] =	ssyncset.done $0x0  }
0xa0: {  	[sflag:s22] =	ssyncadd.s32 s3;
	_ =	sdelay $0x1  }
0xa1: {  	s23 =	simm.s32 $0x1B8B  }
0xa2: {  	_ =	swait.ge [sflag:s23], $0x1  }
0xa3: {  	[sflag:s23] =	ssyncset.done $0x0  }
0xa4: {  	s25 =	simm.s32 $0x1B8E;
	s24 =	sld [smem:$0x3FFE];
	[sflag:s23] =	ssyncadd.s32 $0xFFFFFFFF  }
0xa5: {  	s26 =	simm.s32 $execute0_lowered;
	[smem:$0x3FD2] =	sst s25  }
0xa6: {  	s4 =	sshll.u32 s26, $0x1;
	_ =	strace $0x8000004F;
	[dreg:$0x1] =	wrdreg $0xFFFFFFFF  }
0xa7: {  	s28 =	simm.s32 $_size_execute0_lowered;
	s2 =	sadd.s32 s2, s4;
	[dreg:$0x0] =	wrdreg $0x0  }
0xa8: {  	s4 =	sshll.u32 s28, $0x1;
	[dreg:$0x2] =	wrdreg s2  }
0xa9: {  	[dreg:$0x3] =	wrdreg s4  }
0xaa: {  	[dreg:$0x4] =	wrdreg $0xC0  }
0xab: {  	_ =	task [dreg:s6], $0x5FFFF  }
0xac: {  	[dreg:$0x1] =	wrdreg $0xFFFFFFFF  }
0xad: {  	[dreg:$0x0] =	wrdreg $0x60  }
0xae: {  	[dreg:$0x2] =	wrdreg s24  }
0xaf: {  	[dreg:$0x3] =	wrdreg $0x90000  }
0xb0: {  	[dreg:$0x4] =	wrdreg $0x9  }
0xb1: {  	_ =	task.clear_ibuf [dreg:s6], $0x5FFFF;
	_ =	strace $0x9000004F  }
0xb2: {  	s29 =	simm.s32 $0x9;
	_ =	strace $0x80000051  }
0xb3: {  	_ =	swait.ge [sflag:s29], $0x1  }
0xb4: {  	[sflag:s29] =	ssyncadd.s32 $0xFFFFFFFF  }
0xb5: {  	_ =	strace $0x90000051  }
0xb6: {  	_ =	sfence  }
0xb7: {  	s30 =	sld [smem:$0x0];
	_ =	sdelay $0x2  }
0xb8: {  	s31 =	sshll.u32 s1, $0xD;
	s1 =	sshrl.u32 s1, $0x2  }
0xb9: {  	s3 =	sand.u32 $0x4000, s31;
	s1 =	sadd.s32 s1, s30  }
0xba: {  	s0 =	sor.u32 s3, s0;
	s1 =	sshll.u32 s1, $0x11  }
0xbb: {  	s0 =	sor.u32 s1, s0  }
0xbc: {  	s0 =	sadd.s32 $0x8F2B, s0  }
0xbd: {  	[sflag:s0] =	ssyncadd.remote.s32 $0x1  }
0xbe: {  	_ =	sfence.sel $0xFFFF  }
0xbf: {  	[dreg:$0x0] =	wrdreg $0xFFFFFFFF;
	(pc) =	sbr.abs _section_cstart, $3  }
0xc0: {  	[dreg:$0x1] =	wrdreg $0xFFFFFFFF  }
0xc1: {  	_ =	task.clear_ibuf [dreg:s6], $0x2FFFF;
	_ =	strace $0x9FFFFFFF  }
0xc2: {  	(tm) =	ssettm $0x7FFFFFFF  }
0xc3: {  	_ =	shalt  }
tec
execute0_lowered:
.L_overlay_start_1:
0x0: {  	(tag) =	ssettag $0x1  }
0x1: {  	s5 =	rddreg [dreg:$0x0];
	s1 =	srdreg.scid  }
0x2: {  	s0 =	stileid.u32;
	s2 =	rddreg [dreg:$0x1]  }
0x3: {  	s3 =	simm.s32 $0x0;
	s18 =	simm.s32 $0x80;
	s19 =	simm.s32 $0x1  }
0x4: {  	s22 =	simm.s32 $0x0;
	s6 =	sand.u32 $0x1, s1;
	s7 =	smul.u32 $0x50000, s0  }
0x5: {  	s4 =	sshll.u32 s0, $0x1;
	s1 =	rddreg [dreg:$0x2];
	s15 =	smul.u32 $0x13C00, s0  }
0x6: {  	[smem:$0x7FF] =	sst s3;
	s13 =	sadd.s32 $0x6FA00, s5;
	s16 =	smul.u32 $0x4F000, s0  }
0x7: {  	s20 =	sadd.s32 $0x128400, s2;
	p0 =	seq.s32 s0, $0xF;
	s4 =	sor.u32 s6, s4  }
0x8: {  	_ =	strace $0x80000050;
	s8 =	ssub.s32 $0x2, s6;
	s12 =	smul.u32 $0x138800, s6  }
0x9: {  	s20 =	sshrl.u32 @p0 s20, $0x3;
	s4 =	smul.u32 $0x500, s4;
	s31 =	sshrl.u32 s8, $0x1  }
0xa: {  	s7 =	sshrl.u32 s7, $0x2;
	s16 =	sshrl.u32 s16, $0x2;
	s14 =	ssub.s32 s8, s31  }
0xb: {  	s15 =	sadd.s32 s15, s12;
	s17 =	sshrl.u32 s12, $0x3;
	s21 =	sadd.s32 s16, s2  }
0xc: {  	s16 =	simm.s32 $0x2;
	s11 =	sadd.s32 s4, s5;
	s4 =	sadd.s32 $0x3800, s5  }
0xd: {  	s5 =	sadd.s32 s7, s2;
	s15 =	sshrl.u32 s15, $0x3;
	s14 =	smax.u32 s14, $0x1  }
0xe: {  	s21 =	sshrl.u32 @!p0 s21, $0x3;
	s6 =	sadd.s32 $0x4000, s5;
	s7 =	sadd.s32 $0x8000, s5  }
0xf: {  	s8 =	sadd.s32 $0xC000, s5;
	s9 =	sadd.s32 $0x10000, s5;
	s10 =	sadd.s32 $0x5BA00, s11  }
0x10: {  	s11 =	sadd.s32 $0x65A00, s11;
	s12 =	sadd.s32 s13, s15;
	s13 =	sadd.s32 s13, s17  }
0x11: {  	v0 =	vimm.f32 $0.0e+00;
	s15 =	simm.s32 $0x5000;
	s17 =	simm.s32 $0x2800;
	s13 =	sadd.s32 $0x25080, s13  }
.LBB2_1:
0x12: {  	s23 =	sand.u32 $0xFE00, s3  }
0x13: {  	s24 =	sand.u32 $0x70, s3;
	s25 =	sshrl.u32 s23, $0x2  }
0x14: {  	s23 =	simm.s32 $0x40;
	s25 =	sor.u32 s24, s25;
	s24 =	simm.s32 $0x0  }
.LBB2_2:
0x15: {  	p1 =	sne.s32 s23, $0xFFC0  }
0x16: {  	[tilespmem:s25+$0x5000] =	vst v0;
	s24 =	sadd.s32 $0x10, s24;
	s25 =	smov.u32 s23;
	s23 =	sadd.s32 $0x40, s23  }
.Ltmp0:
0x17: {  	(pc) =	sbr.rel @p1 .LBB2_2-.Ltmp0, $4  }
0x18: {  	_ = 	snop  }
0x19: {  	s25 =	sand.u32 $0xFE00, s25  }
0x1a: {  	s26 =	sand.u32 $0x70, s24;
	s25 =	sshrl.u32 s25, $0x2  }
0x1b: {  	s25 =	sor.u32 s26, s25  }
0x1c: {  	[tilespmem:s25+$0x5000] =	vst v0  }
0x1d: {  	[spmem:s5] =	stream.linear.scatter [tilespmem:s15], [sflag:$0x2], $0x4000, $0x38;
	[tilespmem:$0x1CC00] =	vst v63  }
0x1e: {  	_ =	swait.ge [sflag:s16], $0x4000  }
0x1f: {  	[sflag:s16] =	ssyncset.done $0x0  }
0x20: {  	[sflag:s16] =	ssyncadd.s32 $0xFFFFC000  }
0x21: {  	[spmem:s6] =	stream.linear.scatter [tilespmem:s15], [sflag:$0x2], $0x4000, $0x38;
	[tilespmem:$0x1CC00] =	vst v63  }
0x22: {  	_ =	swait.ge [sflag:s16], $0x4000  }
0x23: {  	[sflag:s16] =	ssyncset.done $0x0  }
0x24: {  	[sflag:s16] =	ssyncadd.s32 $0xFFFFC000  }
0x25: {  	[spmem:s7] =	stream.linear.scatter [tilespmem:s15], [sflag:$0x2], $0x4000, $0x38;
	[tilespmem:$0x1CC00] =	vst v63  }
0x26: {  	_ =	swait.ge [sflag:s16], $0x4000  }
0x27: {  	[sflag:s16] =	ssyncset.done $0x0  }
0x28: {  	[sflag:s16] =	ssyncadd.s32 $0xFFFFC000  }
0x29: {  	[spmem:s8] =	stream.linear.scatter [tilespmem:s15], [sflag:$0x2], $0x4000, $0x38;
	[tilespmem:$0x1CC00] =	vst v63  }
0x2a: {  	_ =	swait.ge [sflag:s16], $0x4000  }
0x2b: {  	[sflag:s16] =	ssyncset.done $0x0  }
0x2c: {  	s23 =	simm.s32 @!p0 $0x5000;
	[sflag:s16] =	ssyncadd.s32 $0xFFFFC000  }
0x2d: {  	[spmem:s9] =	stream.linear.scatter @!p0 [tilespmem:s23], [sflag:$0x2], $0x4000, $0x38;
	[tilespmem:$0x1CC00] =	vst v63  }
0x2e: {  	s23 =	simm.s32 @!p0 $0x2  }
0x2f: {  	_ =	swait.ge @!p0 [sflag:s23], $0x4000  }
0x30: {  	[sflag:s23] =	ssyncset.done @!p0 $0x0  }
0x31: {  	[sflag:s23] =	ssyncadd.s32 @!p0 $0xFFFFC000  }
0x32: {  	s29 =	simm.s32 $0x0;
	[bflag:$0x0] =	sbarrier.arrive $0xFFFF  }
0x33: {  	[tilespmem:s29], [sflag:$0x2] =	stream.linear.gather [hbm4b:s10+s29], $0x2780, $0x38;
	[tilespmem:$0x1CC00] =	vst v63  }
0x34: {  	_ =	swait.ge [sflag:s16], $0x2780  }
0x35: {  	[sflag:s16] =	ssyncset.done $0x0  }
0x36: {  	[sflag:s16] =	ssyncadd.s32 $0xFFFFD880  }
0x37: {  	[tilespmem:s17], [sflag:$0x2] =	stream.linear.gather [hbm4b:s11+s29], $0x2780, $0x38;
	[tilespmem:$0x1CC00] =	vst v63  }
0x38: {  	_ =	swait.ge [sflag:s16], $0x2780  }
0x39: {  	[sflag:s16] =	ssyncset.done $0x0  }
0x3a: {  	s30 =	simm.s32 $0x0;
	[sflag:s16] =	ssyncadd.s32 $0xFFFFD880  }
0x3b: {  	[tilespmem:s15], [sflag:$0x1] =	stream.indirect.gather [hbm4b:s4+s18], $0x80, s30, s18, $0xb8;
	[tilespmem:$0x1CC00] =	vst v63  }
0x3c: {  	_ =	swait.ge [sflag:s19], $0x4000  }
0x3d: {  	[sflag:s19] =	ssyncset.done $0x0  }
0x3e: {  	s31 =	simm.s32 $0x2800;
	[sflag:s19] =	ssyncadd.s32 $0xFFFFC000  }
0x3f: {  	[spmem:s2] =	stream.indirect.scatter.add.f32 [tilespmem:s15], [sflag:$0x2], $0x80, s31, s18, $0xb8;
	[tilespmem:$0x1CC00] =	vst v63  }
0x40: {  	_ =	swait.ge [sflag:s16], $0x4000  }
0x41: {  	s24 =	simm.s32 $0x400;
	s23 =	simm.s32 $0x200;
	[sflag:s16] =	ssyncset.done $0x0  }
.LBB2_4:
0x42: {  	s25 =	sshra.s32 s23, $0x2  }
0x43: {  	[sflag:s16] =	ssyncadd.s32 $0xFFFFC000;
	s23 =	smov.u32 s24;
	s26 =	sadd.s32 $0x200, s24  }
0x44: {  	[tilespmem:s15], [sflag:$0x1] =	stream.indirect.gather [hbm4b:s4+s18], $0x80, s25, s18, $0xb8;
	[tilespmem:$0x1CC00] =	vst v63  }
0x45: {  	p1 =	sne.s32 s24, $0x9C00;
	_ =	swait.ge [sflag:s19], $0x4000  }
.Ltmp1:
0x46: {  	[sflag:s19] =	ssyncset.done $0x0;
	(pc) =	sbr.rel @p1 .LBB2_4-.Ltmp1, $4  }
0x47: {  	s24 =	sadd.s32 $0x2800, s25;
	[sflag:s19] =	ssyncadd.s32 $0xFFFFC000  }
0x48: {  	[spmem:s2] =	stream.indirect.scatter.add.f32 [tilespmem:s15], [sflag:$0x2], $0x80, s24, s18, $0xb8;
	[tilespmem:$0x1CC00] =	vst v63  }
0x49: {  	_ =	swait.ge [sflag:s16], $0x4000  }
0x4a: {  	s24 =	smov.u32 s26;
	[sflag:s16] =	ssyncset.done $0x0  }
0x4b: {  	s23 =	sshra.s32 s23, $0x2;
	[sflag:s16] =	ssyncadd.s32 $0xFFFFC000  }
0x4c: {  	[tilespmem:s15], [sflag:$0x1] =	stream.indirect.gather [hbm4b:s4+s18], $0x80, s23, s18, $0xb8;
	[tilespmem:$0x1CC00] =	vst v63  }
0x4d: {  	_ =	swait.ge [sflag:s19], $0x4000  }
0x4e: {  	[sflag:s19] =	ssyncset.done $0x0  }
0x4f: {  	s23 =	sadd.s32 $0x2800, s23;
	[sflag:s19] =	ssyncadd.s32 $0xFFFFC000  }
0x50: {  	[spmem:s2] =	stream.indirect.scatter.add.f32 [tilespmem:s15], [sflag:$0x2], $0x80, s23, s18, $0xb8;
	[tilespmem:$0x1CC00] =	vst v63  }
0x51: {  	_ =	swait.ge [sflag:s16], $0x4000  }
0x52: {  	[sflag:s16] =	ssyncset.done $0x0  }
0x53: {  	[sflag:s16] =	ssyncadd.s32 $0xFFFFC000  }
0x54: {  	s23 =	simm.s32 @p0 $0x1FC2;
	[bflag:$0x0] =	sbarrier.arrive $0xFFFF  }
0x55: {  	[hbm:s13], [sflag:s23] =	dma.local @p0 [spmem:s20], $0x2080  }
0x56: {  	s23 =	simm.s32 @p0 $0x2  }
0x57: {  	_ =	swait.ge @p0 [sflag:s23], $0x2080  }
0x58: {  	s24 =	sshll.u32 @!p0 s0, $0x6;
	s22 =	sadd.s32 $0x1, s22;
	[sflag:s23] =	ssyncset.done @p0 $0x0  }
0x59: {  	p1 =	sne.s32 s22, s14;
	[sflag:s23] =	ssyncadd.s32 @p0 $0xFFFFDF80;
	s23 =	sor.u32 @!p0 $0x1C02, s24  }
0x5a: {  	[hbm:s12], [sflag:s23] =	dma.local @!p0 [spmem:s21], $0x2780  }
.Ltmp2:
0x5b: {  	_ = 	snop;
	(pc) =	sbr.rel @p1 .LBB2_1-.Ltmp2, $4  }
0x5c: {  	s23 =	simm.s32 @!p0 $0x2  }
0x5d: {  	_ =	swait.ge @!p0 [sflag:s23], $0x2780  }
0x5e: {  	[sflag:s23] =	ssyncset.done @!p0 $0x0  }
0x5f: {  	[sflag:s23] =	ssyncadd.s32 @!p0 $0xFFFFD880  }
0x60: {  	_ =	sfence.sel $0x180000  }
0x61: {  	[bflag:$0x0] =	sbarrier.arrive $0xFFFF  }
0x62: {  	p0 =	sne.s32 s0, $0x0;
	_ =	strace $0x90000050  }
0x63: {  	s0 =	sadd.s32 @!p0 $0x100000, s1;
	[bflag:$0x2] =	sbarrier.arrive $0xFFFF  }
0x64: {  	[sflag:s0] =	ssyncadd.tile.s32 @!p0 $0x1;
	_ =	shalt  }
.Lfunc_end2:
_tile_overlayer_lowered:
.L_overlay_start_2:
0x65: {  	(tag) =	ssettag $0x2  }
0x66: {  	s0 =	rddreg [dreg:$0x0];
	s2 =	stileid.u32  }
0x67: {  	s1 =	rddreg [dreg:$0x1];
	p0 =	sne.s32 s2, $0x0  }
0x68: {  	s3 =	rddreg [dreg:$0x2];
	[bflag:$0x3] =	sbarrier.arrive $0xFFFF;
	s2 =	simm.s32 @!p0 $0x1C02  }
0x69: {  	[timem:s3], [sflag:s2] =	dma.local @!p0 [hbm:s0], s1  }
0x6a: {  	s0 =	simm.s32 @!p0 $0x2  }
0x6b: {  	_ =	swait.ge @!p0 [sflag:s0], s1  }
0x6c: {  	s1 =	ssub.s32 @!p0 $0x0, s1;
	[sflag:s0] =	ssyncset.done @!p0 $0x0  }
0x6d: {  	[sflag:s0] =	ssyncadd.s32 @!p0 s1  }
0x6e: {  	[bflag:$0x3] =	sbarrier.arrive $0xFFFF  }
0x6f: {  	_ =	shalt  }

</sc_bundles>
